<compile_context>
chip_gen: v7x
topology: tpu7x:2x2x1
jax: 0.10.2.dev20260603
libtpu: 0.0.44.dev20260713+nightly
codegen_flags: <defaults>
</compile_context>

<pallas_src>
import functools

import jax
import jax.numpy as jnp
from jax import lax
from jax.experimental import pallas as pl
from jax.experimental.pallas import tpu as pltpu
from jax.experimental.pallas import tpu_sc as plsc

B, P, N, S = 16, 5000, 100, 8
L = 16
PH = 2512
H1OFF = P - PH
NPAD = 112
NCHUNK = PH // L
TCH = NPAD // L
TGB = 4
NW = 32


def _sc_body(px0h, py0h, px1h, py1h, tx0h, ty0h, tx1h, ty1h,
             scoresh, ctxh, s0h, s1h, s2h, s3h, s4h, s5h, s6h, s7h,
             pbest, pidx, pbox, pscale, pctx, pscore,
             px0, py0, px1, py1, a1,
             tx0, ty0, tx1, ty1, a2,
             bval, bidx, gidx, buf14, sem):
    c = lax.axis_index("c")
    s = lax.axis_index("s")
    b = c * 8 + s // 2
    h = s % 2
    w = c * 16 + s
    poff = b * P + h * H1OFF
    toff = b * NPAD

    pltpu.sync_copy(px0h.at[pl.ds(poff, PH)], px0)
    pltpu.sync_copy(py0h.at[pl.ds(poff, PH)], py0)
    pltpu.sync_copy(px1h.at[pl.ds(poff, PH)], px1)
    pltpu.sync_copy(py1h.at[pl.ds(poff, PH)], py1)
    pltpu.sync_copy(tx0h.at[pl.ds(toff, NPAD)], tx0)
    pltpu.sync_copy(ty0h.at[pl.ds(toff, NPAD)], ty0)
    pltpu.sync_copy(tx1h.at[pl.ds(toff, NPAD)], tx1)
    pltpu.sync_copy(ty1h.at[pl.ds(toff, NPAD)], ty1)

    lane = lax.iota(jnp.int32, L)

    def _area1(i, _):
        sl = pl.ds(i * L, L)
        a1[sl] = (px1[sl] - px0[sl]) * (py1[sl] - py0[sl])
        return 0
    lax.fori_loop(0, NCHUNK, _area1, 0)

    def _area2(i, _):
        sl = pl.ds(i * L, L)
        a2[sl] = (tx1[sl] - tx0[sl]) * (ty1[sl] - ty0[sl])
        return 0
    lax.fori_loop(0, TCH, _area2, 0)

    minf = jnp.full((L,), -jnp.inf, jnp.float32)
    zi = jnp.zeros((L,), jnp.int32)

    def _per_tchunk(tc, _):
        tsl = pl.ds(tc * L, L)
        v0 = tx0[tsl]
        v1 = ty0[tsl]
        v2 = tx1[tsl]
        v3 = ty1[tsl]
        va = a2[tsl]

        def _per_group(g, carry):
            resv, residx = carry
            t0s, t1s, t2s, t3s, a2s = [], [], [], [], []
            for jj in range(TGB):
                sel = lane == (g * TGB + jj)
                t0s.append(jnp.sum(jnp.where(sel, v0, 0.0)))
                t1s.append(jnp.sum(jnp.where(sel, v1, 0.0)))
                t2s.append(jnp.sum(jnp.where(sel, v2, 0.0)))
                t3s.append(jnp.sum(jnp.where(sel, v3, 0.0)))
                a2s.append(jnp.sum(jnp.where(sel, va, 0.0)))

            def _chunk(k, carry2):
                ms = list(carry2[:TGB])
                bis = list(carry2[TGB:])
                sl = pl.ds(k * L, L)
                x0 = px0[sl]
                y0 = py0[sl]
                x1 = px1[sl]
                y1 = py1[sl]
                ar = a1[sl]
                for jj in range(TGB):
                    wx = jnp.maximum(
                        jnp.minimum(x1, t2s[jj]) - jnp.maximum(x0, t0s[jj]),
                        0.0)
                    wy = jnp.maximum(
                        jnp.minimum(y1, t3s[jj]) - jnp.maximum(y0, t1s[jj]),
                        0.0)
                    inter = wx * wy
                    iou = inter / ((ar + a2s[jj]) - inter)
                    gt = iou > ms[jj]
                    ms[jj] = jnp.where(gt, iou, ms[jj])
                    bis[jj] = jnp.where(gt, k, bis[jj])
                return tuple(ms) + tuple(bis)

            init = (minf,) * TGB + (zi,) * TGB
            out = lax.fori_loop(0, NCHUNK, _chunk, init)
            for jj in range(TGB):
                m = out[jj]
                bi = out[TGB + jj]
                vmax = jnp.max(m)
                pc = jnp.where(m == vmax, bi * L + lane, jnp.int32(2 ** 30))
                pmin = jnp.min(pc)
                pmin = jnp.where(pmin >= 2 ** 30, jnp.int32(0), pmin)
                sel = lane == (g * TGB + jj)
                resv = jnp.where(sel, vmax, resv)
                residx = jnp.where(sel, pmin + h * H1OFF, residx)
            return resv, residx

        z = jnp.zeros((L,), jnp.float32)
        resv, residx = lax.fori_loop(0, L // TGB, _per_group, (z, zi))
        bval[tsl] = resv
        bidx[tsl] = residx
        gidx[tsl] = residx + b * P
        return 0

    lax.fori_loop(0, TCH, _per_tchunk, 0)

    pltpu.sync_copy(bval, pbest.at[w])
    pltpu.sync_copy(bidx, pidx.at[w])

    copies = []

    def _fire(table, j):
        copies.append(
            pltpu.make_async_copy(table.at[gidx], buf14.at[j], sem))
        copies[-1].start()

    _fire(scoresh, 0)
    _fire(ctxh, 1)
    for cc, tbl in enumerate((px0h, py0h, px1h, py1h)):
        _fire(tbl, 2 + cc)
    for jj, tbl in enumerate((s0h, s1h, s2h, s3h, s4h, s5h, s6h, s7h)):
        _fire(tbl, 6 + jj)
    for cp in copies:
        cp.wait()

    pltpu.sync_copy(buf14.at[0], pscore.at[w])
    pltpu.sync_copy(buf14.at[1], pctx.at[w])
    for cc in range(4):
        pltpu.sync_copy(buf14.at[2 + cc], pbox.at[w, cc])
    for jj in range(8):
        pltpu.sync_copy(buf14.at[6 + jj], pscale.at[w, jj])


_sc_kernel = functools.partial(
    pl.kernel,
    out_type=[
        jax.ShapeDtypeStruct((NW, NPAD), jnp.float32),
        jax.ShapeDtypeStruct((NW, NPAD), jnp.int32),
        jax.ShapeDtypeStruct((NW, 4, NPAD), jnp.float32),
        jax.ShapeDtypeStruct((NW, 8, NPAD), jnp.float32),
        jax.ShapeDtypeStruct((NW, NPAD), jnp.float32),
        jax.ShapeDtypeStruct((NW, NPAD), jnp.float32),
    ],
    mesh=plsc.VectorSubcoreMesh(core_axis_name="c", subcore_axis_name="s",
                                num_cores=2, num_subcores=16),
    compiler_params=pltpu.CompilerParams(needs_layout_passes=False),
    scratch_types=[
        pltpu.VMEM((PH,), jnp.float32),
        pltpu.VMEM((PH,), jnp.float32),
        pltpu.VMEM((PH,), jnp.float32),
        pltpu.VMEM((PH,), jnp.float32),
        pltpu.VMEM((PH,), jnp.float32),
        pltpu.VMEM((NPAD,), jnp.float32),
        pltpu.VMEM((NPAD,), jnp.float32),
        pltpu.VMEM((NPAD,), jnp.float32),
        pltpu.VMEM((NPAD,), jnp.float32),
        pltpu.VMEM((NPAD,), jnp.float32),
        pltpu.VMEM((NPAD,), jnp.float32),
        pltpu.VMEM((NPAD,), jnp.int32),
        pltpu.VMEM((NPAD,), jnp.int32),
        pltpu.VMEM((14, NPAD), jnp.float32),
        pltpu.SemaphoreType.DMA,
    ],
)(_sc_body)


def _tc_body(scores_ref, ctx_ref, scalesf_ref, boxesf_ref,
             pbest_ref, pidx_ref, pbestT_ref, pidxT_ref, pscoreT_ref,
             pbox_ref, pscale_ref, pctx_ref,
             tbox_ref, tscf_ref, tctx_ref,
             res_ref, acc_ref):
    i = pl.program_id(0)

    @pl.when(i == 0)
    def _init():
        res_ref[...] = jnp.zeros((8, 128), jnp.float32)
        acc_ref[0] = 0.0
        acc_ref[1] = 0.0
        acc_ref[2] = 0.0
        acc_ref[3] = 0.0

    sc = scores_ref[0, 0, :]
    bce0 = jnp.maximum(sc, 0.0) + jnp.log1p(jnp.exp(-jnp.abs(sc)))
    sum_bce0 = jnp.sum(bce0)

    v0 = pbest_ref[0, 0, :]
    v1 = pbest_ref[0, 1, :]
    gt = v1 > v0
    best = jnp.where(gt, v1, v0)
    nmask = lax.broadcasted_iota(jnp.int32, (NPAD,), 0) < N
    valid = (best > 0.5) & nmask
    vf = valid.astype(jnp.float32)
    cnt = jnp.sum(vf)
    cnt_s = jnp.maximum(cnt, 1.0)

    @pl.when(cnt > 0.0)
    def _valid_branch():
        gtb = gt[None, :]
        sel_box = jnp.where(gtb, pbox_ref[0, 1], pbox_ref[0, 0])
        tbox = tbox_ref[0]
        d = jnp.abs(sel_box - tbox)
        sl1 = jnp.where(d < 0.1, 5.0 * d * d, d - 0.05)
        bl = jnp.sum(sl1, axis=0) * best
        box_v = jnp.sum(bl * vf) / (cnt_s * 4.0)

        osc = jnp.where(gtb, pscale_ref[0, 1], pscale_ref[0, 0])
        mx = jnp.max(osc, axis=0, keepdims=True)
        lse = mx[0] + jnp.log(jnp.sum(jnp.exp(osc - mx), axis=0))
        srange = lax.broadcasted_iota(jnp.int32, (S, NPAD), 0).astype(jnp.float32)
        oh = (srange == tscf_ref[0]).astype(jnp.float32)
        picked = jnp.sum(osc * oh, axis=0)
        scale_v = jnp.sum((lse - picked) * vf) / cnt_s

        octx = jnp.where(gt, pctx_ref[0, 1], pctx_ref[0, 0])
        tctx = tctx_ref[0, 0, :]
        cbce = (jnp.maximum(octx, 0.0) - octx * tctx
                + jnp.log1p(jnp.exp(-jnp.abs(octx))))
        ctx_v = jnp.sum(cbce * vf) / cnt_s

        bT0 = pbestT_ref[0, :, 0:1]
        bT1 = pbestT_ref[0, :, 1:2]
        gtT = bT1 > bT0
        bestT = jnp.where(gtT, bT1, bT0)
        validT = (bestT > 0.5) & (
            lax.broadcasted_iota(jnp.int32, (NPAD, 1), 0) < N)
        idxT = jnp.where(gtT, pidxT_ref[0, :, 1:2], pidxT_ref[0, :, 0:1])
        scoT = jnp.where(gtT, pscoreT_ref[0, :, 1:2], pscoreT_ref[0, :, 0:1])
        idx_row = jnp.where(gt, pidx_ref[0, 1], pidx_ref[0, 0])[None, :]
        nsub = lax.broadcasted_iota(jnp.int32, (NPAD, NPAD), 0)
        jlane = lax.broadcasted_iota(jnp.int32, (NPAD, NPAD), 1)
        eq = idxT == idx_row
        later = jlane > nsub
        dup = jnp.any(eq & later & valid[None, :], axis=1, keepdims=True)
        winT = (validT & jnp.logical_not(dup)).astype(jnp.float32)
        dot = jnp.sum(winT * bestT * scoT)
        conf_v = (sum_bce0 - dot) / P

        acc_ref[0] += box_v
        acc_ref[1] += scale_v
        acc_ref[2] += ctx_v
        acc_ref[3] += conf_v

    @pl.when(cnt == 0.0)
    def _else_branch():
        box_e = jnp.sum(jnp.abs(boxesf_ref[0, 0, :])) / (P * 4.0) * 0.1
        sca = scalesf_ref[0, 0, :]
        ent = -(sca * jnp.log(sca + 1e-6))
        scale_e = jnp.sum(ent) / (P * S) * 0.1
        cx = ctx_ref[0, 0, :]
        cbce0 = jnp.maximum(cx, 0.0) + jnp.log1p(jnp.exp(-jnp.abs(cx)))
        ctx_e = jnp.sum(cbce0) / P * 0.1
        acc_ref[0] += box_e
        acc_ref[1] += scale_e
        acc_ref[2] += ctx_e
        acc_ref[3] += sum_bce0 / P

    @pl.when(i == B - 1)
    def _final():
        wb = 2.0 * acc_ref[0] / B
        ws = 1.0 * acc_ref[1] / B
        wc = 1.5 * acc_ref[2] / B
        wf = 1.0 * acc_ref[3] / B
        total = wb + ws + wc + wf
        bad = jnp.isnan(total) | jnp.isinf(total)
        total = jnp.where(bad, jnp.float32(0.1), total)
        r = lax.broadcasted_iota(jnp.int32, (8, 128), 0)
        col0 = lax.broadcasted_iota(jnp.int32, (8, 128), 1) == 0
        out = jnp.zeros((8, 128), jnp.float32)
        for row, val in enumerate((total, wb, ws, wc, wf)):
            out = jnp.where((r == row) & col0, val, out)
        res_ref[...] = out


def kernel(scores, boxes, scales, context_scores, target_boxes,
           target_scales, target_context, target_confidence):
    del target_confidence
    padN = NPAD - N
    f32 = jnp.float32

    tpadbox = jnp.broadcast_to(jnp.asarray([2.0, 2.0, 3.0, 3.0], f32),
                               (B, padN, 4))
    tb = jnp.concatenate([target_boxes, tpadbox], axis=1)
    tsc_p = jnp.pad(target_scales, ((0, 0), (0, padN))).astype(f32)
    tctx_p = jnp.pad(target_context, ((0, 0), (0, padN)))

    txf = [tb[:, :, i].reshape(B * NPAD) for i in range(4)]
    pxf = [boxes[:, :, i].reshape(B * P) for i in range(4)]
    scf = scores.reshape(B * P)
    ctxf = context_scores.reshape(B * P)
    splanes = [scales[:, :, j].reshape(B * P) for j in range(8)]

    pbest, pidx, pbox, pscale, pctx, pscore = _sc_kernel(
        pxf[0], pxf[1], pxf[2], pxf[3], txf[0], txf[1], txf[2], txf[3],
        scf, ctxf, *splanes)

    pbest2 = pbest.reshape(B, 2, NPAD)
    pidx2 = pidx.reshape(B, 2, NPAD)
    pbox2 = pbox.reshape(B, 2, 4, NPAD)
    pscale2 = pscale.reshape(B, 2, 8, NPAD)
    pctx2 = pctx.reshape(B, 2, NPAD)
    pscore2 = pscore.reshape(B, 2, NPAD)
    pbestT = pbest2.transpose(0, 2, 1)
    pidxT = pidx2.transpose(0, 2, 1)
    pscoreT = pscore2.transpose(0, 2, 1)

    in_specs = [
        pl.BlockSpec((1, 1, P), lambda i: (i, 0, 0)),
        pl.BlockSpec((1, 1, P), lambda i: (i, 0, 0)),
        pl.BlockSpec((1, 1, P * S), lambda i: (i, 0, 0)),
        pl.BlockSpec((1, 1, P * 4), lambda i: (i, 0, 0)),
        pl.BlockSpec((1, 2, NPAD), lambda i: (i, 0, 0)),
        pl.BlockSpec((1, 2, NPAD), lambda i: (i, 0, 0)),
        pl.BlockSpec((1, NPAD, 2), lambda i: (i, 0, 0)),
        pl.BlockSpec((1, NPAD, 2), lambda i: (i, 0, 0)),
        pl.BlockSpec((1, NPAD, 2), lambda i: (i, 0, 0)),
        pl.BlockSpec((1, 2, 4, NPAD), lambda i: (i, 0, 0, 0)),
        pl.BlockSpec((1, 2, S, NPAD), lambda i: (i, 0, 0, 0)),
        pl.BlockSpec((1, 2, NPAD), lambda i: (i, 0, 0)),
        pl.BlockSpec((1, 4, NPAD), lambda i: (i, 0, 0)),
        pl.BlockSpec((1, 1, NPAD), lambda i: (i, 0, 0)),
        pl.BlockSpec((1, 1, NPAD), lambda i: (i, 0, 0)),
    ]

    res = pl.pallas_call(
        _tc_body,
        grid=(B,),
        in_specs=in_specs,
        out_specs=pl.BlockSpec((8, 128), lambda i: (0, 0)),
        out_shape=jax.ShapeDtypeStruct((8, 128), jnp.float32),
        scratch_shapes=[pltpu.SMEM((8,), jnp.float32)],
    )(
        scores.reshape(B, 1, P), context_scores.reshape(B, 1, P),
        scales.reshape(B, 1, P * S), boxes.reshape(B, 1, P * 4),
        pbest2, pidx2, pbestT, pidxT, pscoreT,
        pbox2, pscale2, pctx2,
        tb.transpose(0, 2, 1), tsc_p.reshape(B, 1, NPAD),
        tctx_p.reshape(B, 1, NPAD),
    )

    total = res[0, 0]
    wb = res[1, 0]
    ws = res[2, 0]
    wc = res[3, 0]
    wf = res[4, 0]
    return (total, wb, ws, wc, wf)

# --- scband reference (transcript-rebuilt; emitter-appended) ---
"""Pipeline reference for scband-detection-loss-84731114815694 (READ-ONLY COPY).

The authoritative reference and input builder live on the scoring server;
editing this copy changes nothing except your own understanding.
"""

import jax, jax.numpy as jnp
import numpy as np

B, P, N, S = 16, 5000, 100, 8

def box_iou(b1, b2):
    area1 = (b1[:, 2] - b1[:, 0]) * (b1[:, 3] - b1[:, 1])
    area2 = (b2[:, 2] - b2[:, 0]) * (b2[:, 3] - b2[:, 1])
    lt = jnp.maximum(b1[:, None, :2], b2[None, :, :2])
    rb = jnp.minimum(b1[:, None, 2:], b2[None, :, 2:])
    wh = jnp.clip(rb - lt, 0.0, None)
    inter = wh[..., 0] * wh[..., 1]
    return inter / (area1[:, None] + area2[None, :] - inter)

def smooth_l1(pred, tgt, beta=0.1):
    d = jnp.abs(pred - tgt)
    return jnp.where(d < beta, 0.5 * d * d / beta, d - 0.5 * beta)

def bce_logits(x, t):
    return jnp.clip(x, 0.0, None) - x * t + jnp.log1p(jnp.exp(-jnp.abs(x)))

def cross_entropy(logits, labels):
    lse = jax.scipy.special.logsumexp(logits, axis=-1)
    picked = jnp.take_along_axis(logits, labels[:, None], axis=-1)[:, 0]
    return lse - picked


def setup_inputs(seed: int = 0):
    key = jax.random.key(seed)
    ks = jax.random.split(key, 8)
    return {
        'scores': jax.random.normal(ks[0], (B, P), dtype=jnp.float32),
        'boxes': jax.random.uniform(ks[1], (B, P, 4), dtype=jnp.float32),
        'scales': jax.random.uniform(ks[2], (B, P, S), dtype=jnp.float32),
        'context_scores': jax.random.normal(ks[3], (B, P), dtype=jnp.float32),
        'target_boxes': jax.random.uniform(ks[4], (B, N, 4), dtype=jnp.float32),
        'target_scales': jax.random.randint(ks[5], (B, N), 0, S),
        'target_context': jax.random.uniform(ks[6], (B, N), dtype=jnp.float32),
        'target_confidence': jax.random.uniform(ks[7], (B, N), dtype=jnp.float32),
    }


def reference(scores, boxes, scales, context_scores, target_boxes, target_scales, target_context, target_confidence):
    box_w, scale_w, ctx_w, conf_w = 2.0, 1.0, 1.5, 1.0
    box_ls, scale_ls, ctx_ls, conf_ls = [], [], [], []
    for b in range(B):
        pb = boxes[b]
        tb = target_boxes[b]
        ious = box_iou(pb, tb)
        best_ious = ious.max(axis=0)
        best_idx = ious.argmax(axis=0)
        valid = (best_ious > 0.5).astype(jnp.float32)
        cnt = valid.sum()
        cnt_s = jnp.maximum(cnt, 1.0)
        any_valid = cnt > 0
        # valid branch (masked-mean == torch mean over boolean-selected subset)
        sel_boxes = pb[best_idx]
        bl = smooth_l1(sel_boxes, tb) * best_ious[:, None]
        box_v = (bl * valid[:, None]).sum() / (cnt_s * 4.0)
        ce = cross_entropy(scales[b][best_idx], target_scales[b])
        scale_v = (ce * valid).sum() / cnt_s
        cl = bce_logits(context_scores[b][best_idx], target_context[b])
        ctx_v = (cl * valid).sum() / cnt_s
        idx_safe = jnp.where(valid > 0, best_idx, P)
        conf_target = jnp.zeros(P + 1, dtype=scores.dtype).at[idx_safe].set(best_ious * valid)[:P]
        conf_v = bce_logits(scores[b], conf_target).mean()
        # else (no-match regularization) branch
        box_e = jnp.abs(pb).mean() * 0.1
        scale_e = (-(scales[b] * jnp.log(scales[b] + 1e-06))).mean() * 0.1
        ctx_e = bce_logits(context_scores[b], jnp.zeros_like(context_scores[b])).mean() * 0.1
        conf_e = bce_logits(scores[b], jnp.zeros_like(scores[b])).mean()
        box_ls.append(jnp.where(any_valid, box_v, box_e))
        scale_ls.append(jnp.where(any_valid, scale_v, scale_e))
        ctx_ls.append(jnp.where(any_valid, ctx_v, ctx_e))
        conf_ls.append(jnp.where(any_valid, conf_v, conf_e))
    box_loss = jnp.stack(box_ls).mean()
    scale_loss = jnp.stack(scale_ls).mean()
    context_loss = jnp.stack(ctx_ls).mean()
    conf_loss = jnp.stack(conf_ls).mean()
    wb = box_w * box_loss
    ws = scale_w * scale_loss
    wc = ctx_w * context_loss
    wf = conf_w * conf_loss
    total = wb + ws + wc + wf
    total = jnp.where(jnp.isnan(total) | jnp.isinf(total), jnp.asarray(0.1, total.dtype), total)
    return (total, wb, ws, wc, wf)

if __name__ == "__main__":
    import jax
    _d = setup_inputs()
    print(jax.jit(kernel)(*tuple(_d.values())))

</pallas_src>

<mosaic_0001>
#map = affine_map<(d0, d1) -> (0)>
#map1 = affine_map<(d0, d1) -> (0, 0)>
#map2 = affine_map<(d0, d1) -> (0, 0, 0)>
module attributes {stable_mosaic.version = 14 : i64} {
  func.func @_sc_body(%arg0: i32, %arg1: i32, %arg2: memref<80000xf32, #tpu.memory_space<hbm>>, %arg3: memref<80000xf32, #tpu.memory_space<hbm>>, %arg4: memref<80000xf32, #tpu.memory_space<hbm>>, %arg5: memref<80000xf32, #tpu.memory_space<hbm>>, %arg6: memref<1792xf32, #tpu.memory_space<hbm>>, %arg7: memref<1792xf32, #tpu.memory_space<hbm>>, %arg8: memref<1792xf32, #tpu.memory_space<hbm>>, %arg9: memref<1792xf32, #tpu.memory_space<hbm>>, %arg10: memref<80000xf32, #tpu.memory_space<hbm>>, %arg11: memref<80000xf32, #tpu.memory_space<hbm>>, %arg12: memref<80000xf32, #tpu.memory_space<hbm>>, %arg13: memref<80000xf32, #tpu.memory_space<hbm>>, %arg14: memref<80000xf32, #tpu.memory_space<hbm>>, %arg15: memref<80000xf32, #tpu.memory_space<hbm>>, %arg16: memref<80000xf32, #tpu.memory_space<hbm>>, %arg17: memref<80000xf32, #tpu.memory_space<hbm>>, %arg18: memref<80000xf32, #tpu.memory_space<hbm>>, %arg19: memref<80000xf32, #tpu.memory_space<hbm>>, %arg20: memref<32x112xf32, #tpu.memory_space<hbm>>, %arg21: memref<32x112xi32, #tpu.memory_space<hbm>>, %arg22: memref<32x4x112xf32, #tpu.memory_space<hbm>>, %arg23: memref<32x8x112xf32, #tpu.memory_space<hbm>>, %arg24: memref<32x112xf32, #tpu.memory_space<hbm>>, %arg25: memref<32x112xf32, #tpu.memory_space<hbm>>, %arg26: memref<2512xf32, #tpu.memory_space<vmem>>, %arg27: memref<2512xf32, #tpu.memory_space<vmem>>, %arg28: memref<2512xf32, #tpu.memory_space<vmem>>, %arg29: memref<2512xf32, #tpu.memory_space<vmem>>, %arg30: memref<2512xf32, #tpu.memory_space<vmem>>, %arg31: memref<112xf32, #tpu.memory_space<vmem>>, %arg32: memref<112xf32, #tpu.memory_space<vmem>>, %arg33: memref<112xf32, #tpu.memory_space<vmem>>, %arg34: memref<112xf32, #tpu.memory_space<vmem>>, %arg35: memref<112xf32, #tpu.memory_space<vmem>>, %arg36: memref<112xf32, #tpu.memory_space<vmem>>, %arg37: memref<112xi32, #tpu.memory_space<vmem>>, %arg38: memref<112xi32, #tpu.memory_space<vmem>>, %arg39: memref<14x112xf32, #tpu.memory_space<vmem>>, %arg40: memref<!tpu.dma_semaphore, #tpu.memory_space<semaphore_mem>>) attributes {dimension_semantics = [#tpu.dimension_semantics<core_parallel>, #tpu.dimension_semantics<subcore_parallel>], iteration_bounds = array<i64: 2, 16>, scalar_prefetch = 0 : i64, scratch_operands = 15 : i64, tpu.core_type = #tpu.core_type<sc_vector_subcore>, window_params = [{transform_indices = #map}, {transform_indices = #map}, {transform_indices = #map}, {transform_indices = #map}, {transform_indices = #map}, {transform_indices = #map}, {transform_indices = #map}, {transform_indices = #map}, {transform_indices = #map}, {transform_indices = #map}, {transform_indices = #map}, {transform_indices = #map}, {transform_indices = #map}, {transform_indices = #map}, {transform_indices = #map}, {transform_indices = #map}, {transform_indices = #map}, {transform_indices = #map}, {transform_indices = #map1}, {transform_indices = #map1}, {transform_indices = #map2}, {transform_indices = #map2}, {transform_indices = #map1}, {transform_indices = #map1}]} {
    %mul3A = arith.constant 8 : i32
    %mul3A_0 = arith.muli %arg0, %mul3A : i32
    %jit3A = arith.constant 2 : i32
    %div3A = arith.divsi %arg1, %jit3A : i32
    %sign3A = arith.constant 0 : i32
    %sign3A_1 = arith.cmpi sgt, %arg1, %sign3A : i32
    %sign3A_2 = arith.extui %sign3A_1 : i1 to i32
    %sign3A_3 = arith.constant 0 : i32
    %sign3A_4 = arith.cmpi slt, %arg1, %sign3A_3 : i32
    %sign3A_5 = arith.extui %sign3A_4 : i1 to i32
    %sign3A_6 = arith.subi %sign3A_2, %sign3A_5 : i32
    %sign3A_7 = arith.constant 0 : i32
    %sign3A_8 = arith.cmpi sgt, %jit3A, %sign3A_7 : i32
    %sign3A_9 = arith.extui %sign3A_8 : i1 to i32
    %sign3A_10 = arith.constant 0 : i32
    %sign3A_11 = arith.cmpi slt, %jit3A, %sign3A_10 : i32
    %sign3A_12 = arith.extui %sign3A_11 : i1 to i32
    %sign3A_13 = arith.subi %sign3A_9, %sign3A_12 : i32
    %ne3A = arith.cmpi ne, %sign3A_6, %sign3A_13 : i32
    %rem3A = arith.remsi %arg1, %jit3A : i32
    %ne3A_14 = arith.constant 0 : i32
    %ne3A_15 = arith.cmpi ne, %rem3A, %ne3A_14 : i32
    %and3A = arith.andi %ne3A, %ne3A_15 : i1
    %sub3A = arith.constant 1 : i32
    %sub3A_16 = arith.subi %div3A, %sub3A : i32
    %select_n3A = arith.select %and3A, %sub3A_16, %div3A : i32
    %add3A = arith.addi %mul3A_0, %select_n3A : i32
    %jit3A_17 = arith.constant 2 : i32
    %eq3A = arith.constant 0 : i32
    %eq3A_18 = arith.cmpi eq, %jit3A_17, %eq3A : i32
    %jit3A_19 = arith.constant 1 : i32
    %select_n3A_20 = arith.select %eq3A_18, %jit3A_19, %jit3A_17 : i32
    %rem3A_21 = arith.remsi %arg1, %select_n3A_20 : i32
    %ne3A_22 = arith.constant 0 : i32
    %ne3A_23 = arith.cmpi ne, %rem3A_21, %ne3A_22 : i32
    %lt3A = arith.constant 0 : i32
    %lt3A_24 = arith.cmpi slt, %rem3A_21, %lt3A : i32
    %lt3A_25 = arith.constant 0 : i32
    %lt3A_26 = arith.cmpi slt, %select_n3A_20, %lt3A_25 : i32
    %ne3A_27 = arith.xori %lt3A_24, %lt3A_26 : i1
    %and3A_28 = arith.andi %ne3A_27, %ne3A_23 : i1
    %add3A_29 = arith.addi %rem3A_21, %select_n3A_20 : i32
    %select_n3A_30 = arith.select %and3A_28, %add3A_29, %rem3A_21 : i32
    %mul3A_31 = arith.constant 16 : i32
    %mul3A_32 = arith.muli %arg0, %mul3A_31 : i32
    %add3A_33 = arith.addi %mul3A_32, %arg1 : i32
    %mul3A_34 = arith.constant 5000 : i32
    %mul3A_35 = arith.muli %add3A, %mul3A_34 : i32
    %mul3A_36 = arith.constant 2488 : i32
    %mul3A_37 = arith.muli %select_n3A_30, %mul3A_36 : i32
    %add3A_38 = arith.addi %mul3A_35, %mul3A_37 : i32
    %mul3A_39 = arith.constant 112 : i32
    %mul3A_40 = arith.muli %add3A, %mul3A_39 : i32
    "tpu.region"() ({
      %run_scoped3A_255 = tpu.sem_alloc : memref<!tpu.dma_semaphore, #tpu.memory_space<semaphore_mem>>
      %dma_start3A_256 = tpu.memref_slice %arg2[%add3A_38] : memref<80000xf32, #tpu.memory_space<hbm>> -> memref<2512xf32, #tpu.memory_space<hbm>>
      %dma_start3A_257 = tpu.memref_slice %arg2[%add3A_38] : memref<80000xf32, #tpu.memory_space<hbm>> -> memref<2512xf32, #tpu.memory_space<hbm>>
      tpu.enqueue_dma source(%dma_start3A_257 : memref<2512xf32, #tpu.memory_space<hbm>>) target(%arg26 : memref<2512xf32, #tpu.memory_space<vmem>>) target_semaphore(%run_scoped3A_255 : memref<!tpu.dma_semaphore, #tpu.memory_space<semaphore_mem>>)
      %dma_wait3A_258 = tpu.memref_slice %arg2[%add3A_38] : memref<80000xf32, #tpu.memory_space<hbm>> -> memref<2512xf32, #tpu.memory_space<hbm>>
      %dma_wait3A_259 = tpu.memref_slice %arg2[%add3A_38] : memref<80000xf32, #tpu.memory_space<hbm>> -> memref<2512xf32, #tpu.memory_space<hbm>>
      tpu.wait_dma2 semaphore(%run_scoped3A_255 : memref<!tpu.dma_semaphore, #tpu.memory_space<semaphore_mem>>) src(%dma_wait3A_259 : memref<2512xf32, #tpu.memory_space<hbm>>) dst(%arg26 : memref<2512xf32, #tpu.memory_space<vmem>>)
      tpu.yield
    }) : () -> ()
    "tpu.region"() ({
      %run_scoped3A_255 = tpu.sem_alloc : memref<!tpu.dma_semaphore, #tpu.memory_space<semaphore_mem>>
      %dma_start3A_256 = tpu.memref_slice %arg3[%add3A_38] : memref<80000xf32, #tpu.memory_space<hbm>> -> memref<2512xf32, #tpu.memory_space<hbm>>
      %dma_start3A_257 = tpu.memref_slice %arg3[%add3A_38] : memref<80000xf32, #tpu.memory_space<hbm>> -> memref<2512xf32, #tpu.memory_space<hbm>>
      tpu.enqueue_dma source(%dma_start3A_257 : memref<2512xf32, #tpu.memory_space<hbm>>) target(%arg27 : memref<2512xf32, #tpu.memory_space<vmem>>) target_semaphore(%run_scoped3A_255 : memref<!tpu.dma_semaphore, #tpu.memory_space<semaphore_mem>>)
      %dma_wait3A_258 = tpu.memref_slice %arg3[%add3A_38] : memref<80000xf32, #tpu.memory_space<hbm>> -> memref<2512xf32, #tpu.memory_space<hbm>>
      %dma_wait3A_259 = tpu.memref_slice %arg3[%add3A_38] : memref<80000xf32, #tpu.memory_space<hbm>> -> memref<2512xf32, #tpu.memory_space<hbm>>
      tpu.wait_dma2 semaphore(%run_scoped3A_255 : memref<!tpu.dma_semaphore, #tpu.memory_space<semaphore_mem>>) src(%dma_wait3A_259 : memref<2512xf32, #tpu.memory_space<hbm>>) dst(%arg27 : memref<2512xf32, #tpu.memory_space<vmem>>)
      tpu.yield
    }) : () -> ()
    "tpu.region"() ({
      %run_scoped3A_255 = tpu.sem_alloc : memref<!tpu.dma_semaphore, #tpu.memory_space<semaphore_mem>>
      %dma_start3A_256 = tpu.memref_slice %arg4[%add3A_38] : memref<80000xf32, #tpu.memory_space<hbm>> -> memref<2512xf32, #tpu.memory_space<hbm>>
      %dma_start3A_257 = tpu.memref_slice %arg4[%add3A_38] : memref<80000xf32, #tpu.memory_space<hbm>> -> memref<2512xf32, #tpu.memory_space<hbm>>
      tpu.enqueue_dma source(%dma_start3A_257 : memref<2512xf32, #tpu.memory_space<hbm>>) target(%arg28 : memref<2512xf32, #tpu.memory_space<vmem>>) target_semaphore(%run_scoped3A_255 : memref<!tpu.dma_semaphore, #tpu.memory_space<semaphore_mem>>)
      %dma_wait3A_258 = tpu.memref_slice %arg4[%add3A_38] : memref<80000xf32, #tpu.memory_space<hbm>> -> memref<2512xf32, #tpu.memory_space<hbm>>
      %dma_wait3A_259 = tpu.memref_slice %arg4[%add3A_38] : memref<80000xf32, #tpu.memory_space<hbm>> -> memref<2512xf32, #tpu.memory_space<hbm>>
      tpu.wait_dma2 semaphore(%run_scoped3A_255 : memref<!tpu.dma_semaphore, #tpu.memory_space<semaphore_mem>>) src(%dma_wait3A_259 : memref<2512xf32, #tpu.memory_space<hbm>>) dst(%arg28 : memref<2512xf32, #tpu.memory_space<vmem>>)
      tpu.yield
    }) : () -> ()
    "tpu.region"() ({
      %run_scoped3A_255 = tpu.sem_alloc : memref<!tpu.dma_semaphore, #tpu.memory_space<semaphore_mem>>
      %dma_start3A_256 = tpu.memref_slice %arg5[%add3A_38] : memref<80000xf32, #tpu.memory_space<hbm>> -> memref<2512xf32, #tpu.memory_space<hbm>>
      %dma_start3A_257 = tpu.memref_slice %arg5[%add3A_38] : memref<80000xf32, #tpu.memory_space<hbm>> -> memref<2512xf32, #tpu.memory_space<hbm>>
      tpu.enqueue_dma source(%dma_start3A_257 : memref<2512xf32, #tpu.memory_space<hbm>>) target(%arg29 : memref<2512xf32, #tpu.memory_space<vmem>>) target_semaphore(%run_scoped3A_255 : memref<!tpu.dma_semaphore, #tpu.memory_space<semaphore_mem>>)
      %dma_wait3A_258 = tpu.memref_slice %arg5[%add3A_38] : memref<80000xf32, #tpu.memory_space<hbm>> -> memref<2512xf32, #tpu.memory_space<hbm>>
      %dma_wait3A_259 = tpu.memref_slice %arg5[%add3A_38] : memref<80000xf32, #tpu.memory_space<hbm>> -> memref<2512xf32, #tpu.memory_space<hbm>>
      tpu.wait_dma2 semaphore(%run_scoped3A_255 : memref<!tpu.dma_semaphore, #tpu.memory_space<semaphore_mem>>) src(%dma_wait3A_259 : memref<2512xf32, #tpu.memory_space<hbm>>) dst(%arg29 : memref<2512xf32, #tpu.memory_space<vmem>>)
      tpu.yield
    }) : () -> ()
    "tpu.region"() ({
      %run_scoped3A_255 = tpu.sem_alloc : memref<!tpu.dma_semaphore, #tpu.memory_space<semaphore_mem>>
      %dma_start3A_256 = tpu.memref_slice %arg6[%mul3A_40] : memref<1792xf32, #tpu.memory_space<hbm>> -> memref<112xf32, #tpu.memory_space<hbm>>
      %dma_start3A_257 = tpu.memref_slice %arg6[%mul3A_40] : memref<1792xf32, #tpu.memory_space<hbm>> -> memref<112xf32, #tpu.memory_space<hbm>>
      tpu.enqueue_dma source(%dma_start3A_257 : memref<112xf32, #tpu.memory_space<hbm>>) target(%arg31 : memref<112xf32, #tpu.memory_space<vmem>>) target_semaphore(%run_scoped3A_255 : memref<!tpu.dma_semaphore, #tpu.memory_space<semaphore_mem>>)
      %dma_wait3A_258 = tpu.memref_slice %arg6[%mul3A_40] : memref<1792xf32, #tpu.memory_space<hbm>> -> memref<112xf32, #tpu.memory_space<hbm>>
      %dma_wait3A_259 = tpu.memref_slice %arg6[%mul3A_40] : memref<1792xf32, #tpu.memory_space<hbm>> -> memref<112xf32, #tpu.memory_space<hbm>>
      tpu.wait_dma2 semaphore(%run_scoped3A_255 : memref<!tpu.dma_semaphore, #tpu.memory_space<semaphore_mem>>) src(%dma_wait3A_259 : memref<112xf32, #tpu.memory_space<hbm>>) dst(%arg31 : memref<112xf32, #tpu.memory_space<vmem>>)
      tpu.yield
    }) : () -> ()
    "tpu.region"() ({
      %run_scoped3A_255 = tpu.sem_alloc : memref<!tpu.dma_semaphore, #tpu.memory_space<semaphore_mem>>
      %dma_start3A_256 = tpu.memref_slice %arg7[%mul3A_40] : memref<1792xf32, #tpu.memory_space<hbm>> -> memref<112xf32, #tpu.memory_space<hbm>>
      %dma_start3A_257 = tpu.memref_slice %arg7[%mul3A_40] : memref<1792xf32, #tpu.memory_space<hbm>> -> memref<112xf32, #tpu.memory_space<hbm>>
      tpu.enqueue_dma source(%dma_start3A_257 : memref<112xf32, #tpu.memory_space<hbm>>) target(%arg32 : memref<112xf32, #tpu.memory_space<vmem>>) target_semaphore(%run_scoped3A_255 : memref<!tpu.dma_semaphore, #tpu.memory_space<semaphore_mem>>)
      %dma_wait3A_258 = tpu.memref_slice %arg7[%mul3A_40] : memref<1792xf32, #tpu.memory_space<hbm>> -> memref<112xf32, #tpu.memory_space<hbm>>
      %dma_wait3A_259 = tpu.memref_slice %arg7[%mul3A_40] : memref<1792xf32, #tpu.memory_space<hbm>> -> memref<112xf32, #tpu.memory_space<hbm>>
      tpu.wait_dma2 semaphore(%run_scoped3A_255 : memref<!tpu.dma_semaphore, #tpu.memory_space<semaphore_mem>>) src(%dma_wait3A_259 : memref<112xf32, #tpu.memory_space<hbm>>) dst(%arg32 : memref<112xf32, #tpu.memory_space<vmem>>)
      tpu.yield
    }) : () -> ()
    "tpu.region"() ({
      %run_scoped3A_255 = tpu.sem_alloc : memref<!tpu.dma_semaphore, #tpu.memory_space<semaphore_mem>>
      %dma_start3A_256 = tpu.memref_slice %arg8[%mul3A_40] : memref<1792xf32, #tpu.memory_space<hbm>> -> memref<112xf32, #tpu.memory_space<hbm>>
      %dma_start3A_257 = tpu.memref_slice %arg8[%mul3A_40] : memref<1792xf32, #tpu.memory_space<hbm>> -> memref<112xf32, #tpu.memory_space<hbm>>
      tpu.enqueue_dma source(%dma_start3A_257 : memref<112xf32, #tpu.memory_space<hbm>>) target(%arg33 : memref<112xf32, #tpu.memory_space<vmem>>) target_semaphore(%run_scoped3A_255 : memref<!tpu.dma_semaphore, #tpu.memory_space<semaphore_mem>>)
      %dma_wait3A_258 = tpu.memref_slice %arg8[%mul3A_40] : memref<1792xf32, #tpu.memory_space<hbm>> -> memref<112xf32, #tpu.memory_space<hbm>>
      %dma_wait3A_259 = tpu.memref_slice %arg8[%mul3A_40] : memref<1792xf32, #tpu.memory_space<hbm>> -> memref<112xf32, #tpu.memory_space<hbm>>
      tpu.wait_dma2 semaphore(%run_scoped3A_255 : memref<!tpu.dma_semaphore, #tpu.memory_space<semaphore_mem>>) src(%dma_wait3A_259 : memref<112xf32, #tpu.memory_space<hbm>>) dst(%arg33 : memref<112xf32, #tpu.memory_space<vmem>>)
      tpu.yield
    }) : () -> ()
    "tpu.region"() ({
      %run_scoped3A_255 = tpu.sem_alloc : memref<!tpu.dma_semaphore, #tpu.memory_space<semaphore_mem>>
      %dma_start3A_256 = tpu.memref_slice %arg9[%mul3A_40] : memref<1792xf32, #tpu.memory_space<hbm>> -> memref<112xf32, #tpu.memory_space<hbm>>
      %dma_start3A_257 = tpu.memref_slice %arg9[%mul3A_40] : memref<1792xf32, #tpu.memory_space<hbm>> -> memref<112xf32, #tpu.memory_space<hbm>>
      tpu.enqueue_dma source(%dma_start3A_257 : memref<112xf32, #tpu.memory_space<hbm>>) target(%arg34 : memref<112xf32, #tpu.memory_space<vmem>>) target_semaphore(%run_scoped3A_255 : memref<!tpu.dma_semaphore, #tpu.memory_space<semaphore_mem>>)
      %dma_wait3A_258 = tpu.memref_slice %arg9[%mul3A_40] : memref<1792xf32, #tpu.memory_space<hbm>> -> memref<112xf32, #tpu.memory_space<hbm>>
      %dma_wait3A_259 = tpu.memref_slice %arg9[%mul3A_40] : memref<1792xf32, #tpu.memory_space<hbm>> -> memref<112xf32, #tpu.memory_space<hbm>>
      tpu.wait_dma2 semaphore(%run_scoped3A_255 : memref<!tpu.dma_semaphore, #tpu.memory_space<semaphore_mem>>) src(%dma_wait3A_259 : memref<112xf32, #tpu.memory_space<hbm>>) dst(%arg34 : memref<112xf32, #tpu.memory_space<vmem>>)
      tpu.yield
    }) : () -> ()
    %iota3A = tpu.iota {dimensions = array<i32: 0>} : vector<16xi32>
    %scan3A = arith.constant 0 : i32
    %scan3A_41 = arith.constant 0 : i32
    %scan3A_42 = arith.constant 157 : i32
    %scan3A_43 = arith.addi %scan3A_41, %scan3A_42 : i32
    %scan3A_44 = arith.constant 1 : i32
    %scan3A_45 = scf.for %scan3A_255 = %scan3A_41 to %scan3A_43 step %scan3A_44 iter_args(%scan3A_256 = %scan3A) -> (i32)  : i32 {
      %mul3A_257 = arith.constant 16 : i32
      %mul3A_258 = arith.muli %scan3A_255, %mul3A_257 : i32
      %get3A = arith.index_cast %mul3A_258 : i32 to index
      %get3A_259 = tpu.vector_load %arg28[%get3A] {strides = array<i32>} : memref<2512xf32, #tpu.memory_space<vmem>>, vector<16xf32>,
      %get3A_260 = arith.index_cast %mul3A_258 : i32 to index
      %get3A_261 = tpu.vector_load %arg26[%get3A_260] {strides = array<i32>} : memref<2512xf32, #tpu.memory_space<vmem>>, vector<16xf32>,
      %sub3A_262 = arith.subf %get3A_259, %get3A_261 : vector<16xf32>
      %get3A_263 = arith.index_cast %mul3A_258 : i32 to index
      %get3A_264 = tpu.vector_load %arg29[%get3A_263] {strides = array<i32>} : memref<2512xf32, #tpu.memory_space<vmem>>, vector<16xf32>,
      %get3A_265 = arith.index_cast %mul3A_258 : i32 to index
      %get3A_266 = tpu.vector_load %arg27[%get3A_265] {strides = array<i32>} : memref<2512xf32, #tpu.memory_space<vmem>>, vector<16xf32>,
      %sub3A_267 = arith.subf %get3A_264, %get3A_266 : vector<16xf32>
      %mul3A_268 = arith.mulf %sub3A_262, %sub3A_267 : vector<16xf32>
      %swap3A = arith.index_cast %mul3A_258 : i32 to index
      %swap3A_269 = tpu.vector_load %arg30[%swap3A] {strides = array<i32>} : memref<2512xf32, #tpu.memory_space<vmem>>, vector<16xf32>,
      tpu.vector_store %arg30[%swap3A], %mul3A_268 {strides = array<i32>} : memref<2512xf32, #tpu.memory_space<vmem>>, vector<16xf32>,
      %scan3A_270 = arith.constant 0 : i32
      scf.yield %scan3A_270 : i32
    }
    %scan3A_46 = arith.constant 157 : i32
    %scan3A_47 = arith.constant 0 : i32
    %scan3A_48 = arith.constant 0 : i32
    %scan3A_49 = arith.constant 7 : i32
    %scan3A_50 = arith.addi %scan3A_48, %scan3A_49 : i32
    %scan3A_51 = arith.constant 1 : i32
    %scan3A_52 = scf.for %scan3A_255 = %scan3A_48 to %scan3A_50 step %scan3A_51 iter_args(%scan3A_256 = %scan3A_47) -> (i32)  : i32 {
      %mul3A_257 = arith.constant 16 : i32
      %mul3A_258 = arith.muli %scan3A_255, %mul3A_257 : i32
      %get3A = arith.index_cast %mul3A_258 : i32 to index
      %get3A_259 = tpu.vector_load %arg33[%get3A] {strides = array<i32>} : memref<112xf32, #tpu.memory_space<vmem>>, vector<16xf32>,
      %get3A_260 = arith.index_cast %mul3A_258 : i32 to index
      %get3A_261 = tpu.vector_load %arg31[%get3A_260] {strides = array<i32>} : memref<112xf32, #tpu.memory_space<vmem>>, vector<16xf32>,
      %sub3A_262 = arith.subf %get3A_259, %get3A_261 : vector<16xf32>
      %get3A_263 = arith.index_cast %mul3A_258 : i32 to index
      %get3A_264 = tpu.vector_load %arg34[%get3A_263] {strides = array<i32>} : memref<112xf32, #tpu.memory_space<vmem>>, vector<16xf32>,
      %get3A_265 = arith.index_cast %mul3A_258 : i32 to index
      %get3A_266 = tpu.vector_load %arg32[%get3A_265] {strides = array<i32>} : memref<112xf32, #tpu.memory_space<vmem>>, vector<16xf32>,
      %sub3A_267 = arith.subf %get3A_264, %get3A_266 : vector<16xf32>
      %mul3A_268 = arith.mulf %sub3A_262, %sub3A_267 : vector<16xf32>
      %swap3A = arith.index_cast %mul3A_258 : i32 to index
      %swap3A_269 = tpu.vector_load %arg35[%swap3A] {strides = array<i32>} : memref<112xf32, #tpu.memory_space<vmem>>, vector<16xf32>,
      tpu.vector_store %arg35[%swap3A], %mul3A_268 {strides = array<i32>} : memref<112xf32, #tpu.memory_space<vmem>>, vector<16xf32>,
      %scan3A_270 = arith.constant 0 : i32
      scf.yield %scan3A_270 : i32
    }
    %scan3A_53 = arith.constant 7 : i32
    %broadcast_in_dim3A = arith.constant 0xFF800000 : f32
    %broadcast_in_dim3A_54 = vector.broadcast %broadcast_in_dim3A : f32 to vector<16xf32>
    %broadcast_in_dim3A_55 = arith.constant 0 : i32
    %broadcast_in_dim3A_56 = vector.broadcast %broadcast_in_dim3A_55 : i32 to vector<16xi32>
    %scan3A_57 = arith.constant 0 : i32
    %scan3A_58 = arith.constant 0 : i32
    %scan3A_59 = arith.constant 7 : i32
    %scan3A_60 = arith.addi %scan3A_58, %scan3A_59 : i32
    %scan3A_61 = arith.constant 1 : i32
    %scan3A_62 = scf.for %scan3A_255 = %scan3A_58 to %scan3A_60 step %scan3A_61 iter_args(%scan3A_256 = %scan3A_57) -> (i32)  : i32 {
      %mul3A_257 = arith.constant 16 : i32
      %mul3A_258 = arith.muli %scan3A_255, %mul3A_257 : i32
      %get3A = arith.index_cast %mul3A_258 : i32 to index
      %get3A_259 = tpu.vector_load %arg31[%get3A] {strides = array<i32>} : memref<112xf32, #tpu.memory_space<vmem>>, vector<16xf32>,
      %get3A_260 = arith.index_cast %mul3A_258 : i32 to index
      %get3A_261 = tpu.vector_load %arg32[%get3A_260] {strides = array<i32>} : memref<112xf32, #tpu.memory_space<vmem>>, vector<16xf32>,
      %get3A_262 = arith.index_cast %mul3A_258 : i32 to index
      %get3A_263 = tpu.vector_load %arg33[%get3A_262] {strides = array<i32>} : memref<112xf32, #tpu.memory_space<vmem>>, vector<16xf32>,
      %get3A_264 = arith.index_cast %mul3A_258 : i32 to index
      %get3A_265 = tpu.vector_load %arg34[%get3A_264] {strides = array<i32>} : memref<112xf32, #tpu.memory_space<vmem>>, vector<16xf32>,
      %get3A_266 = arith.index_cast %mul3A_258 : i32 to index
      %get3A_267 = tpu.vector_load %arg35[%get3A_266] {strides = array<i32>} : memref<112xf32, #tpu.memory_space<vmem>>, vector<16xf32>,
      %broadcast_in_dim3A_268 = arith.constant 0.000000e+00 : f32
      %broadcast_in_dim3A_269 = vector.broadcast %broadcast_in_dim3A_268 : f32 to vector<16xf32>
      %scan3A_270 = arith.constant 0 : i32
      %scan3A_271 = arith.constant 4 : i32
      %scan3A_272 = arith.addi %scan3A_270, %scan3A_271 : i32
      %scan3A_273 = arith.constant 1 : i32
      %scan3A_274:2 = scf.for %scan3A_286 = %scan3A_270 to %scan3A_272 step %scan3A_273 iter_args(%scan3A_287 = %broadcast_in_dim3A_269, %scan3A_288 = %broadcast_in_dim3A_56) -> (vector<16xf32>, vector<16xi32>)  : i32 {
        %mul3A_289 = arith.constant 4 : i32
        %mul3A_290 = arith.muli %scan3A_286, %mul3A_289 : i32
        %add3A_291 = arith.constant 0 : i32
        %add3A_292 = arith.addi %mul3A_290, %add3A_291 : i32
        %eq3A_293 = vector.broadcast %add3A_292 : i32 to vector<16xi32>
        %eq3A_294 = arith.cmpi eq, %iota3A, %eq3A_293 : vector<16xi32>
        %jit3A_295 = arith.constant 0.000000e+00 : f32
        %broadcast_in_dim3A_296 = vector.broadcast %jit3A_295 : f32 to vector<16xf32>
        %select_n3A_297 = arith.select %eq3A_294, %get3A_259, %broadcast_in_dim3A_296 : vector<16xi1>, vector<16xf32>
        %reduce_sum3A = arith.constant true
        %reduce_sum3A_298 = vector.broadcast %reduce_sum3A : i1 to vector<16xi1>
        %reduce_sum3A_299 = tpu.scan <sum>, %select_n3A_297 masked %reduce_sum3A_298 : vector<16xf32>, vector<16xi1> -> vector<16xf32>
        %reduce_sum3A_300 = vector.extract %reduce_sum3A_299[15] : f32 from vector<16xf32>
        %jit3A_301 = arith.constant 0.000000e+00 : f32
        %broadcast_in_dim3A_302 = vector.broadcast %jit3A_301 : f32 to vector<16xf32>
        %select_n3A_303 = arith.select %eq3A_294, %get3A_261, %broadcast_in_dim3A_302 : vector<16xi1>, vector<16xf32>
        %reduce_sum3A_304 = arith.constant true
        %reduce_sum3A_305 = vector.broadcast %reduce_sum3A_304 : i1 to vector<16xi1>
        %reduce_sum3A_306 = tpu.scan <sum>, %select_n3A_303 masked %reduce_sum3A_305 : vector<16xf32>, vector<16xi1> -> vector<16xf32>
        %reduce_sum3A_307 = vector.extract %reduce_sum3A_306[15] : f32 from vector<16xf32>
        %jit3A_308 = arith.constant 0.000000e+00 : f32
        %broadcast_in_dim3A_309 = vector.broadcast %jit3A_308 : f32 to vector<16xf32>
        %select_n3A_310 = arith.select %eq3A_294, %get3A_263, %broadcast_in_dim3A_309 : vector<16xi1>, vector<16xf32>
        %reduce_sum3A_311 = arith.constant true
        %reduce_sum3A_312 = vector.broadcast %reduce_sum3A_311 : i1 to vector<16xi1>
        %reduce_sum3A_313 = tpu.scan <sum>, %select_n3A_310 masked %reduce_sum3A_312 : vector<16xf32>, vector<16xi1> -> vector<16xf32>
        %reduce_sum3A_314 = vector.extract %reduce_sum3A_313[15] : f32 from vector<16xf32>
        %jit3A_315 = arith.constant 0.000000e+00 : f32
        %broadcast_in_dim3A_316 = vector.broadcast %jit3A_315 : f32 to vector<16xf32>
        %select_n3A_317 = arith.select %eq3A_294, %get3A_265, %broadcast_in_dim3A_316 : vector<16xi1>, vector<16xf32>
        %reduce_sum3A_318 = arith.constant true
        %reduce_sum3A_319 = vector.broadcast %reduce_sum3A_318 : i1 to vector<16xi1>
        %reduce_sum3A_320 = tpu.scan <sum>, %select_n3A_317 masked %reduce_sum3A_319 : vector<16xf32>, vector<16xi1> -> vector<16xf32>
        %reduce_sum3A_321 = vector.extract %reduce_sum3A_320[15] : f32 from vector<16xf32>
        %jit3A_322 = arith.constant 0.000000e+00 : f32
        %broadcast_in_dim3A_323 = vector.broadcast %jit3A_322 : f32 to vector<16xf32>
        %select_n3A_324 = arith.select %eq3A_294, %get3A_267, %broadcast_in_dim3A_323 : vector<16xi1>, vector<16xf32>
        %reduce_sum3A_325 = arith.constant true
        %reduce_sum3A_326 = vector.broadcast %reduce_sum3A_325 : i1 to vector<16xi1>
        %reduce_sum3A_327 = tpu.scan <sum>, %select_n3A_324 masked %reduce_sum3A_326 : vector<16xf32>, vector<16xi1> -> vector<16xf32>
        %reduce_sum3A_328 = vector.extract %reduce_sum3A_327[15] : f32 from vector<16xf32>
        %mul3A_329 = arith.constant 4 : i32
        %mul3A_330 = arith.muli %scan3A_286, %mul3A_329 : i32
        %add3A_331 = arith.constant 1 : i32
        %add3A_332 = arith.addi %mul3A_330, %add3A_331 : i32
        %eq3A_333 = vector.broadcast %add3A_332 : i32 to vector<16xi32>
        %eq3A_334 = arith.cmpi eq, %iota3A, %eq3A_333 : vector<16xi32>
        %jit3A_335 = arith.constant 0.000000e+00 : f32
        %broadcast_in_dim3A_336 = vector.broadcast %jit3A_335 : f32 to vector<16xf32>
        %select_n3A_337 = arith.select %eq3A_334, %get3A_259, %broadcast_in_dim3A_336 : vector<16xi1>, vector<16xf32>
        %reduce_sum3A_338 = arith.constant true
        %reduce_sum3A_339 = vector.broadcast %reduce_sum3A_338 : i1 to vector<16xi1>
        %reduce_sum3A_340 = tpu.scan <sum>, %select_n3A_337 masked %reduce_sum3A_339 : vector<16xf32>, vector<16xi1> -> vector<16xf32>
        %reduce_sum3A_341 = vector.extract %reduce_sum3A_340[15] : f32 from vector<16xf32>
        %jit3A_342 = arith.constant 0.000000e+00 : f32
        %broadcast_in_dim3A_343 = vector.broadcast %jit3A_342 : f32 to vector<16xf32>
        %select_n3A_344 = arith.select %eq3A_334, %get3A_261, %broadcast_in_dim3A_343 : vector<16xi1>, vector<16xf32>
        %reduce_sum3A_345 = arith.constant true
        %reduce_sum3A_346 = vector.broadcast %reduce_sum3A_345 : i1 to vector<16xi1>
        %reduce_sum3A_347 = tpu.scan <sum>, %select_n3A_344 masked %reduce_sum3A_346 : vector<16xf32>, vector<16xi1> -> vector<16xf32>
        %reduce_sum3A_348 = vector.extract %reduce_sum3A_347[15] : f32 from vector<16xf32>
        %jit3A_349 = arith.constant 0.000000e+00 : f32
        %broadcast_in_dim3A_350 = vector.broadcast %jit3A_349 : f32 to vector<16xf32>
        %select_n3A_351 = arith.select %eq3A_334, %get3A_263, %broadcast_in_dim3A_350 : vector<16xi1>, vector<16xf32>
        %reduce_sum3A_352 = arith.constant true
        %reduce_sum3A_353 = vector.broadcast %reduce_sum3A_352 : i1 to vector<16xi1>
        %reduce_sum3A_354 = tpu.scan <sum>, %select_n3A_351 masked %reduce_sum3A_353 : vector<16xf32>, vector<16xi1> -> vector<16xf32>
        %reduce_sum3A_355 = vector.extract %reduce_sum3A_354[15] : f32 from vector<16xf32>
        %jit3A_356 = arith.constant 0.000000e+00 : f32
        %broadcast_in_dim3A_357 = vector.broadcast %jit3A_356 : f32 to vector<16xf32>
        %select_n3A_358 = arith.select %eq3A_334, %get3A_265, %broadcast_in_dim3A_357 : vector<16xi1>, vector<16xf32>
        %reduce_sum3A_359 = arith.constant true
        %reduce_sum3A_360 = vector.broadcast %reduce_sum3A_359 : i1 to vector<16xi1>
        %reduce_sum3A_361 = tpu.scan <sum>, %select_n3A_358 masked %reduce_sum3A_360 : vector<16xf32>, vector<16xi1> -> vector<16xf32>
        %reduce_sum3A_362 = vector.extract %reduce_sum3A_361[15] : f32 from vector<16xf32>
        %jit3A_363 = arith.constant 0.000000e+00 : f32
        %broadcast_in_dim3A_364 = vector.broadcast %jit3A_363 : f32 to vector<16xf32>
        %select_n3A_365 = arith.select %eq3A_334, %get3A_267, %broadcast_in_dim3A_364 : vector<16xi1>, vector<16xf32>
        %reduce_sum3A_366 = arith.constant true
        %reduce_sum3A_367 = vector.broadcast %reduce_sum3A_366 : i1 to vector<16xi1>
        %reduce_sum3A_368 = tpu.scan <sum>, %select_n3A_365 masked %reduce_sum3A_367 : vector<16xf32>, vector<16xi1> -> vector<16xf32>
        %reduce_sum3A_369 = vector.extract %reduce_sum3A_368[15] : f32 from vector<16xf32>
        %mul3A_370 = arith.constant 4 : i32
        %mul3A_371 = arith.muli %scan3A_286, %mul3A_370 : i32
        %add3A_372 = arith.constant 2 : i32
        %add3A_373 = arith.addi %mul3A_371, %add3A_372 : i32
        %eq3A_374 = vector.broadcast %add3A_373 : i32 to vector<16xi32>
        %eq3A_375 = arith.cmpi eq, %iota3A, %eq3A_374 : vector<16xi32>
        %jit3A_376 = arith.constant 0.000000e+00 : f32
        %broadcast_in_dim3A_377 = vector.broadcast %jit3A_376 : f32 to vector<16xf32>
        %select_n3A_378 = arith.select %eq3A_375, %get3A_259, %broadcast_in_dim3A_377 : vector<16xi1>, vector<16xf32>
        %reduce_sum3A_379 = arith.constant true
        %reduce_sum3A_380 = vector.broadcast %reduce_sum3A_379 : i1 to vector<16xi1>
        %reduce_sum3A_381 = tpu.scan <sum>, %select_n3A_378 masked %reduce_sum3A_380 : vector<16xf32>, vector<16xi1> -> vector<16xf32>
        %reduce_sum3A_382 = vector.extract %reduce_sum3A_381[15] : f32 from vector<16xf32>
        %jit3A_383 = arith.constant 0.000000e+00 : f32
        %broadcast_in_dim3A_384 = vector.broadcast %jit3A_383 : f32 to vector<16xf32>
        %select_n3A_385 = arith.select %eq3A_375, %get3A_261, %broadcast_in_dim3A_384 : vector<16xi1>, vector<16xf32>
        %reduce_sum3A_386 = arith.constant true
        %reduce_sum3A_387 = vector.broadcast %reduce_sum3A_386 : i1 to vector<16xi1>
        %reduce_sum3A_388 = tpu.scan <sum>, %select_n3A_385 masked %reduce_sum3A_387 : vector<16xf32>, vector<16xi1> -> vector<16xf32>
        %reduce_sum3A_389 = vector.extract %reduce_sum3A_388[15] : f32 from vector<16xf32>
        %jit3A_390 = arith.constant 0.000000e+00 : f32
        %broadcast_in_dim3A_391 = vector.broadcast %jit3A_390 : f32 to vector<16xf32>
        %select_n3A_392 = arith.select %eq3A_375, %get3A_263, %broadcast_in_dim3A_391 : vector<16xi1>, vector<16xf32>
        %reduce_sum3A_393 = arith.constant true
        %reduce_sum3A_394 = vector.broadcast %reduce_sum3A_393 : i1 to vector<16xi1>
        %reduce_sum3A_395 = tpu.scan <sum>, %select_n3A_392 masked %reduce_sum3A_394 : vector<16xf32>, vector<16xi1> -> vector<16xf32>
        %reduce_sum3A_396 = vector.extract %reduce_sum3A_395[15] : f32 from vector<16xf32>
        %jit3A_397 = arith.constant 0.000000e+00 : f32
        %broadcast_in_dim3A_398 = vector.broadcast %jit3A_397 : f32 to vector<16xf32>
        %select_n3A_399 = arith.select %eq3A_375, %get3A_265, %broadcast_in_dim3A_398 : vector<16xi1>, vector<16xf32>
        %reduce_sum3A_400 = arith.constant true
        %reduce_sum3A_401 = vector.broadcast %reduce_sum3A_400 : i1 to vector<16xi1>
        %reduce_sum3A_402 = tpu.scan <sum>, %select_n3A_399 masked %reduce_sum3A_401 : vector<16xf32>, vector<16xi1> -> vector<16xf32>
        %reduce_sum3A_403 = vector.extract %reduce_sum3A_402[15] : f32 from vector<16xf32>
        %jit3A_404 = arith.constant 0.000000e+00 : f32
        %broadcast_in_dim3A_405 = vector.broadcast %jit3A_404 : f32 to vector<16xf32>
        %select_n3A_406 = arith.select %eq3A_375, %get3A_267, %broadcast_in_dim3A_405 : vector<16xi1>, vector<16xf32>
        %reduce_sum3A_407 = arith.constant true
        %reduce_sum3A_408 = vector.broadcast %reduce_sum3A_407 : i1 to vector<16xi1>
        %reduce_sum3A_409 = tpu.scan <sum>, %select_n3A_406 masked %reduce_sum3A_408 : vector<16xf32>, vector<16xi1> -> vector<16xf32>
        %reduce_sum3A_410 = vector.extract %reduce_sum3A_409[15] : f32 from vector<16xf32>
        %mul3A_411 = arith.constant 4 : i32
        %mul3A_412 = arith.muli %scan3A_286, %mul3A_411 : i32
        %add3A_413 = arith.constant 3 : i32
        %add3A_414 = arith.addi %mul3A_412, %add3A_413 : i32
        %eq3A_415 = vector.broadcast %add3A_414 : i32 to vector<16xi32>
        %eq3A_416 = arith.cmpi eq, %iota3A, %eq3A_415 : vector<16xi32>
        %jit3A_417 = arith.constant 0.000000e+00 : f32
        %broadcast_in_dim3A_418 = vector.broadcast %jit3A_417 : f32 to vector<16xf32>
        %select_n3A_419 = arith.select %eq3A_416, %get3A_259, %broadcast_in_dim3A_418 : vector<16xi1>, vector<16xf32>
        %reduce_sum3A_420 = arith.constant true
        %reduce_sum3A_421 = vector.broadcast %reduce_sum3A_420 : i1 to vector<16xi1>
        %reduce_sum3A_422 = tpu.scan <sum>, %select_n3A_419 masked %reduce_sum3A_421 : vector<16xf32>, vector<16xi1> -> vector<16xf32>
        %reduce_sum3A_423 = vector.extract %reduce_sum3A_422[15] : f32 from vector<16xf32>
        %jit3A_424 = arith.constant 0.000000e+00 : f32
        %broadcast_in_dim3A_425 = vector.broadcast %jit3A_424 : f32 to vector<16xf32>
        %select_n3A_426 = arith.select %eq3A_416, %get3A_261, %broadcast_in_dim3A_425 : vector<16xi1>, vector<16xf32>
        %reduce_sum3A_427 = arith.constant true
        %reduce_sum3A_428 = vector.broadcast %reduce_sum3A_427 : i1 to vector<16xi1>
        %reduce_sum3A_429 = tpu.scan <sum>, %select_n3A_426 masked %reduce_sum3A_428 : vector<16xf32>, vector<16xi1> -> vector<16xf32>
        %reduce_sum3A_430 = vector.extract %reduce_sum3A_429[15] : f32 from vector<16xf32>
        %jit3A_431 = arith.constant 0.000000e+00 : f32
        %broadcast_in_dim3A_432 = vector.broadcast %jit3A_431 : f32 to vector<16xf32>
        %select_n3A_433 = arith.select %eq3A_416, %get3A_263, %broadcast_in_dim3A_432 : vector<16xi1>, vector<16xf32>
        %reduce_sum3A_434 = arith.constant true
        %reduce_sum3A_435 = vector.broadcast %reduce_sum3A_434 : i1 to vector<16xi1>
        %reduce_sum3A_436 = tpu.scan <sum>, %select_n3A_433 masked %reduce_sum3A_435 : vector<16xf32>, vector<16xi1> -> vector<16xf32>
        %reduce_sum3A_437 = vector.extract %reduce_sum3A_436[15] : f32 from vector<16xf32>
        %jit3A_438 = arith.constant 0.000000e+00 : f32
        %broadcast_in_dim3A_439 = vector.broadcast %jit3A_438 : f32 to vector<16xf32>
        %select_n3A_440 = arith.select %eq3A_416, %get3A_265, %broadcast_in_dim3A_439 : vector<16xi1>, vector<16xf32>
        %reduce_sum3A_441 = arith.constant true
        %reduce_sum3A_442 = vector.broadcast %reduce_sum3A_441 : i1 to vector<16xi1>
        %reduce_sum3A_443 = tpu.scan <sum>, %select_n3A_440 masked %reduce_sum3A_442 : vector<16xf32>, vector<16xi1> -> vector<16xf32>
        %reduce_sum3A_444 = vector.extract %reduce_sum3A_443[15] : f32 from vector<16xf32>
        %jit3A_445 = arith.constant 0.000000e+00 : f32
        %broadcast_in_dim3A_446 = vector.broadcast %jit3A_445 : f32 to vector<16xf32>
        %select_n3A_447 = arith.select %eq3A_416, %get3A_267, %broadcast_in_dim3A_446 : vector<16xi1>, vector<16xf32>
        %reduce_sum3A_448 = arith.constant true
        %reduce_sum3A_449 = vector.broadcast %reduce_sum3A_448 : i1 to vector<16xi1>
        %reduce_sum3A_450 = tpu.scan <sum>, %select_n3A_447 masked %reduce_sum3A_449 : vector<16xf32>, vector<16xi1> -> vector<16xf32>
        %reduce_sum3A_451 = vector.extract %reduce_sum3A_450[15] : f32 from vector<16xf32>
        %scan3A_452 = arith.constant 0 : i32
        %scan3A_453 = arith.constant 157 : i32
        %scan3A_454 = arith.addi %scan3A_452, %scan3A_453 : i32
        %scan3A_455 = arith.constant 1 : i32
        %scan3A_456:8 = scf.for %scan3A_607 = %scan3A_452 to %scan3A_454 step %scan3A_455 iter_args(%scan3A_608 = %broadcast_in_dim3A_54, %scan3A_609 = %broadcast_in_dim3A_54, %scan3A_610 = %broadcast_in_dim3A_54, %scan3A_611 = %broadcast_in_dim3A_54, %scan3A_612 = %broadcast_in_dim3A_56, %scan3A_613 = %broadcast_in_dim3A_56, %scan3A_614 = %broadcast_in_dim3A_56, %scan3A_615 = %broadcast_in_dim3A_56) -> (vector<16xf32>, vector<16xf32>, vector<16xf32>, vector<16xf32>, vector<16xi32>, vector<16xi32>, vector<16xi32>, vector<16xi32>)  : i32 {
          %mul3A_616 = arith.constant 16 : i32
          %mul3A_617 = arith.muli %scan3A_607, %mul3A_616 : i32
          %get3A_618 = arith.index_cast %mul3A_617 : i32 to index
          %get3A_619 = tpu.vector_load %arg26[%get3A_618] {strides = array<i32>} : memref<2512xf32, #tpu.memory_space<vmem>>, vector<16xf32>,
          %get3A_620 = arith.index_cast %mul3A_617 : i32 to index
          %get3A_621 = tpu.vector_load %arg27[%get3A_620] {strides = array<i32>} : memref<2512xf32, #tpu.memory_space<vmem>>, vector<16xf32>,
          %get3A_622 = arith.index_cast %mul3A_617 : i32 to index
          %get3A_623 = tpu.vector_load %arg28[%get3A_622] {strides = array<i32>} : memref<2512xf32, #tpu.memory_space<vmem>>, vector<16xf32>,
          %get3A_624 = arith.index_cast %mul3A_617 : i32 to index
          %get3A_625 = tpu.vector_load %arg29[%get3A_624] {strides = array<i32>} : memref<2512xf32, #tpu.memory_space<vmem>>, vector<16xf32>,
          %get3A_626 = arith.index_cast %mul3A_617 : i32 to index
          %get3A_627 = tpu.vector_load %arg30[%get3A_626] {strides = array<i32>} : memref<2512xf32, #tpu.memory_space<vmem>>, vector<16xf32>,
          %min3A = vector.broadcast %reduce_sum3A_314 : f32 to vector<16xf32>
          %min3A_628 = arith.minimumf %get3A_623, %min3A : vector<16xf32>
          %max3A = vector.broadcast %reduce_sum3A_300 : f32 to vector<16xf32>
          %max3A_629 = arith.maximumf %get3A_619, %max3A : vector<16xf32>
          %sub3A_630 = arith.subf %min3A_628, %max3A_629 : vector<16xf32>
          %max3A_631 = arith.constant 0.000000e+00 : f32
          %max3A_632 = vector.broadcast %max3A_631 : f32 to vector<16xf32>
          %max3A_633 = arith.maximumf %sub3A_630, %max3A_632 : vector<16xf32>
          %min3A_634 = vector.broadcast %reduce_sum3A_321 : f32 to vector<16xf32>
          %min3A_635 = arith.minimumf %get3A_625, %min3A_634 : vector<16xf32>
          %max3A_636 = vector.broadcast %reduce_sum3A_307 : f32 to vector<16xf32>
          %max3A_637 = arith.maximumf %get3A_621, %max3A_636 : vector<16xf32>
          %sub3A_638 = arith.subf %min3A_635, %max3A_637 : vector<16xf32>
          %max3A_639 = arith.constant 0.000000e+00 : f32
          %max3A_640 = vector.broadcast %max3A_639 : f32 to vector<16xf32>
          %max3A_641 = arith.maximumf %sub3A_638, %max3A_640 : vector<16xf32>
          %mul3A_642 = arith.mulf %max3A_633, %max3A_641 : vector<16xf32>
          %add3A_643 = vector.broadcast %reduce_sum3A_328 : f32 to vector<16xf32>
          %add3A_644 = arith.addf %get3A_627, %add3A_643 : vector<16xf32>
          %sub3A_645 = arith.subf %add3A_644, %mul3A_642 : vector<16xf32>
          %div3A_646 = arith.divf %mul3A_642, %sub3A_645 : vector<16xf32>
          %gt3A = arith.cmpf ogt, %div3A_646, %scan3A_608 : vector<16xf32>
          %select_n3A_647 = arith.select %gt3A, %div3A_646, %scan3A_608 : vector<16xi1>, vector<16xf32>
          %broadcast_in_dim3A_648 = vector.broadcast %scan3A_607 : i32 to vector<16xi32>
          %select_n3A_649 = arith.select %gt3A, %broadcast_in_dim3A_648, %scan3A_612 : vector<16xi1>, vector<16xi32>
          %min3A_650 = vector.broadcast %reduce_sum3A_355 : f32 to vector<16xf32>
          %min3A_651 = arith.minimumf %get3A_623, %min3A_650 : vector<16xf32>
          %max3A_652 = vector.broadcast %reduce_sum3A_341 : f32 to vector<16xf32>
          %max3A_653 = arith.maximumf %get3A_619, %max3A_652 : vector<16xf32>
          %sub3A_654 = arith.subf %min3A_651, %max3A_653 : vector<16xf32>
          %max3A_655 = arith.constant 0.000000e+00 : f32
          %max3A_656 = vector.broadcast %max3A_655 : f32 to vector<16xf32>
          %max3A_657 = arith.maximumf %sub3A_654, %max3A_656 : vector<16xf32>
          %min3A_658 = vector.broadcast %reduce_sum3A_362 : f32 to vector<16xf32>
          %min3A_659 = arith.minimumf %get3A_625, %min3A_658 : vector<16xf32>
          %max3A_660 = vector.broadcast %reduce_sum3A_348 : f32 to vector<16xf32>
          %max3A_661 = arith.maximumf %get3A_621, %max3A_660 : vector<16xf32>
          %sub3A_662 = arith.subf %min3A_659, %max3A_661 : vector<16xf32>
          %max3A_663 = arith.constant 0.000000e+00 : f32
          %max3A_664 = vector.broadcast %max3A_663 : f32 to vector<16xf32>
          %max3A_665 = arith.maximumf %sub3A_662, %max3A_664 : vector<16xf32>
          %mul3A_666 = arith.mulf %max3A_657, %max3A_665 : vector<16xf32>
          %add3A_667 = vector.broadcast %reduce_sum3A_369 : f32 to vector<16xf32>
          %add3A_668 = arith.addf %get3A_627, %add3A_667 : vector<16xf32>
          %sub3A_669 = arith.subf %add3A_668, %mul3A_666 : vector<16xf32>
          %div3A_670 = arith.divf %mul3A_666, %sub3A_669 : vector<16xf32>
          %gt3A_671 = arith.cmpf ogt, %div3A_670, %scan3A_609 : vector<16xf32>
          %select_n3A_672 = arith.select %gt3A_671, %div3A_670, %scan3A_609 : vector<16xi1>, vector<16xf32>
          %broadcast_in_dim3A_673 = vector.broadcast %scan3A_607 : i32 to vector<16xi32>
          %select_n3A_674 = arith.select %gt3A_671, %broadcast_in_dim3A_673, %scan3A_613 : vector<16xi1>, vector<16xi32>
          %min3A_675 = vector.broadcast %reduce_sum3A_396 : f32 to vector<16xf32>
          %min3A_676 = arith.minimumf %get3A_623, %min3A_675 : vector<16xf32>
          %max3A_677 = vector.broadcast %reduce_sum3A_382 : f32 to vector<16xf32>
          %max3A_678 = arith.maximumf %get3A_619, %max3A_677 : vector<16xf32>
          %sub3A_679 = arith.subf %min3A_676, %max3A_678 : vector<16xf32>
          %max3A_680 = arith.constant 0.000000e+00 : f32
          %max3A_681 = vector.broadcast %max3A_680 : f32 to vector<16xf32>
          %max3A_682 = arith.maximumf %sub3A_679, %max3A_681 : vector<16xf32>
          %min3A_683 = vector.broadcast %reduce_sum3A_403 : f32 to vector<16xf32>
          %min3A_684 = arith.minimumf %get3A_625, %min3A_683 : vector<16xf32>
          %max3A_685 = vector.broadcast %reduce_sum3A_389 : f32 to vector<16xf32>
          %max3A_686 = arith.maximumf %get3A_621, %max3A_685 : vector<16xf32>
          %sub3A_687 = arith.subf %min3A_684, %max3A_686 : vector<16xf32>
          %max3A_688 = arith.constant 0.000000e+00 : f32
          %max3A_689 = vector.broadcast %max3A_688 : f32 to vector<16xf32>
          %max3A_690 = arith.maximumf %sub3A_687, %max3A_689 : vector<16xf32>
          %mul3A_691 = arith.mulf %max3A_682, %max3A_690 : vector<16xf32>
          %add3A_692 = vector.broadcast %reduce_sum3A_410 : f32 to vector<16xf32>
          %add3A_693 = arith.addf %get3A_627, %add3A_692 : vector<16xf32>
          %sub3A_694 = arith.subf %add3A_693, %mul3A_691 : vector<16xf32>
          %div3A_695 = arith.divf %mul3A_691, %sub3A_694 : vector<16xf32>
          %gt3A_696 = arith.cmpf ogt, %div3A_695, %scan3A_610 : vector<16xf32>
          %select_n3A_697 = arith.select %gt3A_696, %div3A_695, %scan3A_610 : vector<16xi1>, vector<16xf32>
          %broadcast_in_dim3A_698 = vector.broadcast %scan3A_607 : i32 to vector<16xi32>
          %select_n3A_699 = arith.select %gt3A_696, %broadcast_in_dim3A_698, %scan3A_614 : vector<16xi1>, vector<16xi32>
          %min3A_700 = vector.broadcast %reduce_sum3A_437 : f32 to vector<16xf32>
          %min3A_701 = arith.minimumf %get3A_623, %min3A_700 : vector<16xf32>
          %max3A_702 = vector.broadcast %reduce_sum3A_423 : f32 to vector<16xf32>
          %max3A_703 = arith.maximumf %get3A_619, %max3A_702 : vector<16xf32>
          %sub3A_704 = arith.subf %min3A_701, %max3A_703 : vector<16xf32>
          %max3A_705 = arith.constant 0.000000e+00 : f32
          %max3A_706 = vector.broadcast %max3A_705 : f32 to vector<16xf32>
          %max3A_707 = arith.maximumf %sub3A_704, %max3A_706 : vector<16xf32>
          %min3A_708 = vector.broadcast %reduce_sum3A_444 : f32 to vector<16xf32>
          %min3A_709 = arith.minimumf %get3A_625, %min3A_708 : vector<16xf32>
          %max3A_710 = vector.broadcast %reduce_sum3A_430 : f32 to vector<16xf32>
          %max3A_711 = arith.maximumf %get3A_621, %max3A_710 : vector<16xf32>
          %sub3A_712 = arith.subf %min3A_709, %max3A_711 : vector<16xf32>
          %max3A_713 = arith.constant 0.000000e+00 : f32
          %max3A_714 = vector.broadcast %max3A_713 : f32 to vector<16xf32>
          %max3A_715 = arith.maximumf %sub3A_712, %max3A_714 : vector<16xf32>
          %mul3A_716 = arith.mulf %max3A_707, %max3A_715 : vector<16xf32>
          %add3A_717 = vector.broadcast %reduce_sum3A_451 : f32 to vector<16xf32>
          %add3A_718 = arith.addf %get3A_627, %add3A_717 : vector<16xf32>
          %sub3A_719 = arith.subf %add3A_718, %mul3A_716 : vector<16xf32>
          %div3A_720 = arith.divf %mul3A_716, %sub3A_719 : vector<16xf32>
          %gt3A_721 = arith.cmpf ogt, %div3A_720, %scan3A_611 : vector<16xf32>
          %select_n3A_722 = arith.select %gt3A_721, %div3A_720, %scan3A_611 : vector<16xi1>, vector<16xf32>
          %broadcast_in_dim3A_723 = vector.broadcast %scan3A_607 : i32 to vector<16xi32>
          %select_n3A_724 = arith.select %gt3A_721, %broadcast_in_dim3A_723, %scan3A_615 : vector<16xi1>, vector<16xi32>
          scf.yield %select_n3A_647, %select_n3A_672, %select_n3A_697, %select_n3A_722, %select_n3A_649, %select_n3A_674, %select_n3A_699, %select_n3A_724 : vector<16xf32>, vector<16xf32>, vector<16xf32>, vector<16xf32>, vector<16xi32>, vector<16xi32>, vector<16xi32>, vector<16xi32>
        }
        %scan3A_457 = arith.constant 157 : i32
        %reduce_max3A = arith.constant true
        %reduce_max3A_458 = vector.broadcast %reduce_max3A : i1 to vector<16xi1>
        %reduce_max3A_459 = tpu.scan <max>, %scan3A_456#0 masked %reduce_max3A_458 : vector<16xf32>, vector<16xi1> -> vector<16xf32>
        %reduce_max3A_460 = vector.extract %reduce_max3A_459[15] : f32 from vector<16xf32>
        %eq3A_461 = vector.broadcast %reduce_max3A_460 : f32 to vector<16xf32>
        %eq3A_462 = arith.cmpf oeq, %scan3A_456#0, %eq3A_461 : vector<16xf32>
        %mul3A_463 = arith.constant 16 : i32
        %mul3A_464 = vector.broadcast %mul3A_463 : i32 to vector<16xi32>
        %mul3A_465 = arith.muli %scan3A_456#4, %mul3A_464 : vector<16xi32>
        %add3A_466 = arith.addi %mul3A_465, %iota3A : vector<16xi32>
        %jit3A_467 = arith.constant 1073741824 : i32
        %broadcast_in_dim3A_468 = vector.broadcast %jit3A_467 : i32 to vector<16xi32>
        %select_n3A_469 = arith.select %eq3A_462, %add3A_466, %broadcast_in_dim3A_468 : vector<16xi1>, vector<16xi32>
        %reduce_min3A = arith.constant true
        %reduce_min3A_470 = vector.broadcast %reduce_min3A : i1 to vector<16xi1>
        %reduce_min3A_471 = arith.constant -2147483648 : i32
        %reduce_min3A_472 = vector.broadcast %reduce_min3A_471 : i32 to vector<16xi32>
        %reduce_min3A_473 = arith.xori %select_n3A_469, %reduce_min3A_472 : vector<16xi32>
        %reduce_min3A_474 = tpu.scan <min>, %reduce_min3A_473 masked %reduce_min3A_470 : vector<16xi32>, vector<16xi1> -> vector<16xi32>
        %reduce_min3A_475 = arith.xori %reduce_min3A_474, %reduce_min3A_472 : vector<16xi32>
        %reduce_min3A_476 = vector.extract %reduce_min3A_475[15] : i32 from vector<16xi32>
        %ge3A = arith.constant 1073741824 : i32
        %ge3A_477 = arith.cmpi sge, %reduce_min3A_476, %ge3A : i32
        %jit3A_478 = arith.constant 0 : i32
        %select_n3A_479 = arith.select %ge3A_477, %jit3A_478, %reduce_min3A_476 : i32
        %mul3A_480 = arith.constant 4 : i32
        %mul3A_481 = arith.muli %scan3A_286, %mul3A_480 : i32
        %add3A_482 = arith.constant 0 : i32
        %add3A_483 = arith.addi %mul3A_481, %add3A_482 : i32
        %eq3A_484 = vector.broadcast %add3A_483 : i32 to vector<16xi32>
        %eq3A_485 = arith.cmpi eq, %iota3A, %eq3A_484 : vector<16xi32>
        %broadcast_in_dim3A_486 = vector.broadcast %reduce_max3A_460 : f32 to vector<16xf32>
        %select_n3A_487 = arith.select %eq3A_485, %broadcast_in_dim3A_486, %scan3A_287 : vector<16xi1>, vector<16xf32>
        %mul3A_488 = arith.constant 2488 : i32
        %mul3A_489 = arith.muli %select_n3A_30, %mul3A_488 : i32
        %add3A_490 = arith.addi %select_n3A_479, %mul3A_489 : i32
        %broadcast_in_dim3A_491 = vector.broadcast %add3A_490 : i32 to vector<16xi32>
        %select_n3A_492 = arith.select %eq3A_485, %broadcast_in_dim3A_491, %scan3A_288 : vector<16xi1>, vector<16xi32>
        %reduce_max3A_493 = arith.constant true
        %reduce_max3A_494 = vector.broadcast %reduce_max3A_493 : i1 to vector<16xi1>
        %reduce_max3A_495 = tpu.scan <max>, %scan3A_456#1 masked %reduce_max3A_494 : vector<16xf32>, vector<16xi1> -> vector<16xf32>
        %reduce_max3A_496 = vector.extract %reduce_max3A_495[15] : f32 from vector<16xf32>
        %eq3A_497 = vector.broadcast %reduce_max3A_496 : f32 to vector<16xf32>
        %eq3A_498 = arith.cmpf oeq, %scan3A_456#1, %eq3A_497 : vector<16xf32>
        %mul3A_499 = arith.constant 16 : i32
        %mul3A_500 = vector.broadcast %mul3A_499 : i32 to vector<16xi32>
        %mul3A_501 = arith.muli %scan3A_456#5, %mul3A_500 : vector<16xi32>
        %add3A_502 = arith.addi %mul3A_501, %iota3A : vector<16xi32>
        %jit3A_503 = arith.constant 1073741824 : i32
        %broadcast_in_dim3A_504 = vector.broadcast %jit3A_503 : i32 to vector<16xi32>
        %select_n3A_505 = arith.select %eq3A_498, %add3A_502, %broadcast_in_dim3A_504 : vector<16xi1>, vector<16xi32>
        %reduce_min3A_506 = arith.constant true
        %reduce_min3A_507 = vector.broadcast %reduce_min3A_506 : i1 to vector<16xi1>
        %reduce_min3A_508 = arith.constant -2147483648 : i32
        %reduce_min3A_509 = vector.broadcast %reduce_min3A_508 : i32 to vector<16xi32>
        %reduce_min3A_510 = arith.xori %select_n3A_505, %reduce_min3A_509 : vector<16xi32>
        %reduce_min3A_511 = tpu.scan <min>, %reduce_min3A_510 masked %reduce_min3A_507 : vector<16xi32>, vector<16xi1> -> vector<16xi32>
        %reduce_min3A_512 = arith.xori %reduce_min3A_511, %reduce_min3A_509 : vector<16xi32>
        %reduce_min3A_513 = vector.extract %reduce_min3A_512[15] : i32 from vector<16xi32>
        %ge3A_514 = arith.constant 1073741824 : i32
        %ge3A_515 = arith.cmpi sge, %reduce_min3A_513, %ge3A_514 : i32
        %jit3A_516 = arith.constant 0 : i32
        %select_n3A_517 = arith.select %ge3A_515, %jit3A_516, %reduce_min3A_513 : i32
        %mul3A_518 = arith.constant 4 : i32
        %mul3A_519 = arith.muli %scan3A_286, %mul3A_518 : i32
        %add3A_520 = arith.constant 1 : i32
        %add3A_521 = arith.addi %mul3A_519, %add3A_520 : i32
        %eq3A_522 = vector.broadcast %add3A_521 : i32 to vector<16xi32>
        %eq3A_523 = arith.cmpi eq, %iota3A, %eq3A_522 : vector<16xi32>
        %broadcast_in_dim3A_524 = vector.broadcast %reduce_max3A_496 : f32 to vector<16xf32>
        %select_n3A_525 = arith.select %eq3A_523, %broadcast_in_dim3A_524, %select_n3A_487 : vector<16xi1>, vector<16xf32>
        %mul3A_526 = arith.constant 2488 : i32
        %mul3A_527 = arith.muli %select_n3A_30, %mul3A_526 : i32
        %add3A_528 = arith.addi %select_n3A_517, %mul3A_527 : i32
        %broadcast_in_dim3A_529 = vector.broadcast %add3A_528 : i32 to vector<16xi32>
        %select_n3A_530 = arith.select %eq3A_523, %broadcast_in_dim3A_529, %select_n3A_492 : vector<16xi1>, vector<16xi32>
        %reduce_max3A_531 = arith.constant true
        %reduce_max3A_532 = vector.broadcast %reduce_max3A_531 : i1 to vector<16xi1>
        %reduce_max3A_533 = tpu.scan <max>, %scan3A_456#2 masked %reduce_max3A_532 : vector<16xf32>, vector<16xi1> -> vector<16xf32>
        %reduce_max3A_534 = vector.extract %reduce_max3A_533[15] : f32 from vector<16xf32>
        %eq3A_535 = vector.broadcast %reduce_max3A_534 : f32 to vector<16xf32>
        %eq3A_536 = arith.cmpf oeq, %scan3A_456#2, %eq3A_535 : vector<16xf32>
        %mul3A_537 = arith.constant 16 : i32
        %mul3A_538 = vector.broadcast %mul3A_537 : i32 to vector<16xi32>
        %mul3A_539 = arith.muli %scan3A_456#6, %mul3A_538 : vector<16xi32>
        %add3A_540 = arith.addi %mul3A_539, %iota3A : vector<16xi32>
        %jit3A_541 = arith.constant 1073741824 : i32
        %broadcast_in_dim3A_542 = vector.broadcast %jit3A_541 : i32 to vector<16xi32>
        %select_n3A_543 = arith.select %eq3A_536, %add3A_540, %broadcast_in_dim3A_542 : vector<16xi1>, vector<16xi32>
        %reduce_min3A_544 = arith.constant true
        %reduce_min3A_545 = vector.broadcast %reduce_min3A_544 : i1 to vector<16xi1>
        %reduce_min3A_546 = arith.constant -2147483648 : i32
        %reduce_min3A_547 = vector.broadcast %reduce_min3A_546 : i32 to vector<16xi32>
        %reduce_min3A_548 = arith.xori %select_n3A_543, %reduce_min3A_547 : vector<16xi32>
        %reduce_min3A_549 = tpu.scan <min>, %reduce_min3A_548 masked %reduce_min3A_545 : vector<16xi32>, vector<16xi1> -> vector<16xi32>
        %reduce_min3A_550 = arith.xori %reduce_min3A_549, %reduce_min3A_547 : vector<16xi32>
        %reduce_min3A_551 = vector.extract %reduce_min3A_550[15] : i32 from vector<16xi32>
        %ge3A_552 = arith.constant 1073741824 : i32
        %ge3A_553 = arith.cmpi sge, %reduce_min3A_551, %ge3A_552 : i32
        %jit3A_554 = arith.constant 0 : i32
        %select_n3A_555 = arith.select %ge3A_553, %jit3A_554, %reduce_min3A_551 : i32
        %mul3A_556 = arith.constant 4 : i32
        %mul3A_557 = arith.muli %scan3A_286, %mul3A_556 : i32
        %add3A_558 = arith.constant 2 : i32
        %add3A_559 = arith.addi %mul3A_557, %add3A_558 : i32
        %eq3A_560 = vector.broadcast %add3A_559 : i32 to vector<16xi32>
        %eq3A_561 = arith.cmpi eq, %iota3A, %eq3A_560 : vector<16xi32>
        %broadcast_in_dim3A_562 = vector.broadcast %reduce_max3A_534 : f32 to vector<16xf32>
        %select_n3A_563 = arith.select %eq3A_561, %broadcast_in_dim3A_562, %select_n3A_525 : vector<16xi1>, vector<16xf32>
        %mul3A_564 = arith.constant 2488 : i32
        %mul3A_565 = arith.muli %select_n3A_30, %mul3A_564 : i32
        %add3A_566 = arith.addi %select_n3A_555, %mul3A_565 : i32
        %broadcast_in_dim3A_567 = vector.broadcast %add3A_566 : i32 to vector<16xi32>
        %select_n3A_568 = arith.select %eq3A_561, %broadcast_in_dim3A_567, %select_n3A_530 : vector<16xi1>, vector<16xi32>
        %reduce_max3A_569 = arith.constant true
        %reduce_max3A_570 = vector.broadcast %reduce_max3A_569 : i1 to vector<16xi1>
        %reduce_max3A_571 = tpu.scan <max>, %scan3A_456#3 masked %reduce_max3A_570 : vector<16xf32>, vector<16xi1> -> vector<16xf32>
        %reduce_max3A_572 = vector.extract %reduce_max3A_571[15] : f32 from vector<16xf32>
        %eq3A_573 = vector.broadcast %reduce_max3A_572 : f32 to vector<16xf32>
        %eq3A_574 = arith.cmpf oeq, %scan3A_456#3, %eq3A_573 : vector<16xf32>
        %mul3A_575 = arith.constant 16 : i32
        %mul3A_576 = vector.broadcast %mul3A_575 : i32 to vector<16xi32>
        %mul3A_577 = arith.muli %scan3A_456#7, %mul3A_576 : vector<16xi32>
        %add3A_578 = arith.addi %mul3A_577, %iota3A : vector<16xi32>
        %jit3A_579 = arith.constant 1073741824 : i32
        %broadcast_in_dim3A_580 = vector.broadcast %jit3A_579 : i32 to vector<16xi32>
        %select_n3A_581 = arith.select %eq3A_574, %add3A_578, %broadcast_in_dim3A_580 : vector<16xi1>, vector<16xi32>
        %reduce_min3A_582 = arith.constant true
        %reduce_min3A_583 = vector.broadcast %reduce_min3A_582 : i1 to vector<16xi1>
        %reduce_min3A_584 = arith.constant -2147483648 : i32
        %reduce_min3A_585 = vector.broadcast %reduce_min3A_584 : i32 to vector<16xi32>
        %reduce_min3A_586 = arith.xori %select_n3A_581, %reduce_min3A_585 : vector<16xi32>
        %reduce_min3A_587 = tpu.scan <min>, %reduce_min3A_586 masked %reduce_min3A_583 : vector<16xi32>, vector<16xi1> -> vector<16xi32>
        %reduce_min3A_588 = arith.xori %reduce_min3A_587, %reduce_min3A_585 : vector<16xi32>
        %reduce_min3A_589 = vector.extract %reduce_min3A_588[15] : i32 from vector<16xi32>
        %ge3A_590 = arith.constant 1073741824 : i32
        %ge3A_591 = arith.cmpi sge, %reduce_min3A_589, %ge3A_590 : i32
        %jit3A_592 = arith.constant 0 : i32
        %select_n3A_593 = arith.select %ge3A_591, %jit3A_592, %reduce_min3A_589 : i32
        %mul3A_594 = arith.constant 4 : i32
        %mul3A_595 = arith.muli %scan3A_286, %mul3A_594 : i32
        %add3A_596 = arith.constant 3 : i32
        %add3A_597 = arith.addi %mul3A_595, %add3A_596 : i32
        %eq3A_598 = vector.broadcast %add3A_597 : i32 to vector<16xi32>
        %eq3A_599 = arith.cmpi eq, %iota3A, %eq3A_598 : vector<16xi32>
        %broadcast_in_dim3A_600 = vector.broadcast %reduce_max3A_572 : f32 to vector<16xf32>
        %select_n3A_601 = arith.select %eq3A_599, %broadcast_in_dim3A_600, %select_n3A_563 : vector<16xi1>, vector<16xf32>
        %mul3A_602 = arith.constant 2488 : i32
        %mul3A_603 = arith.muli %select_n3A_30, %mul3A_602 : i32
        %add3A_604 = arith.addi %select_n3A_593, %mul3A_603 : i32
        %broadcast_in_dim3A_605 = vector.broadcast %add3A_604 : i32 to vector<16xi32>
        %select_n3A_606 = arith.select %eq3A_599, %broadcast_in_dim3A_605, %select_n3A_568 : vector<16xi1>, vector<16xi32>
        scf.yield %select_n3A_601, %select_n3A_606 : vector<16xf32>, vector<16xi32>
      }
      %scan3A_275 = arith.constant 4 : i32
      %swap3A = arith.index_cast %mul3A_258 : i32 to index
      %swap3A_276 = tpu.vector_load %arg36[%swap3A] {strides = array<i32>} : memref<112xf32, #tpu.memory_space<vmem>>, vector<16xf32>,
      tpu.vector_store %arg36[%swap3A], %scan3A_274#0 {strides = array<i32>} : memref<112xf32, #tpu.memory_space<vmem>>, vector<16xf32>,
      %swap3A_277 = arith.index_cast %mul3A_258 : i32 to index
      %swap3A_278 = tpu.vector_load %arg37[%swap3A_277] {strides = array<i32>} : memref<112xi32, #tpu.memory_space<vmem>>, vector<16xi32>,
      tpu.vector_store %arg37[%swap3A_277], %scan3A_274#1 {strides = array<i32>} : memref<112xi32, #tpu.memory_space<vmem>>, vector<16xi32>,
      %mul3A_279 = arith.constant 5000 : i32
      %mul3A_280 = arith.muli %add3A, %mul3A_279 : i32
      %add3A_281 = vector.broadcast %mul3A_280 : i32 to vector<16xi32>
      %add3A_282 = arith.addi %scan3A_274#1, %add3A_281 : vector<16xi32>
      %swap3A_283 = arith.index_cast %mul3A_258 : i32 to index
      %swap3A_284 = tpu.vector_load %arg38[%swap3A_283] {strides = array<i32>} : memref<112xi32, #tpu.memory_space<vmem>>, vector<16xi32>,
      tpu.vector_store %arg38[%swap3A_283], %add3A_282 {strides = array<i32>} : memref<112xi32, #tpu.memory_space<vmem>>, vector<16xi32>,
      %scan3A_285 = arith.constant 0 : i32
      scf.yield %scan3A_285 : i32
    }
    %scan3A_63 = arith.constant 7 : i32
    "tpu.region"() ({
      %run_scoped3A_255 = tpu.sem_alloc : memref<!tpu.dma_semaphore, #tpu.memory_space<semaphore_mem>>
      %dma_start3A_256 = arith.constant 0 : i32
      %dma_start3A_257 = tpu.memref_slice %arg20[%add3A_33, %dma_start3A_256] : memref<32x112xf32, #tpu.memory_space<hbm>> -> memref<1x112xf32, #tpu.memory_space<hbm>>
      %dma_start3A_258 = tpu.memref_squeeze %dma_start3A_257 : memref<1x112xf32, #tpu.memory_space<hbm>> -> memref<112xf32, #tpu.memory_space<hbm>>
      %dma_start3A_259 = arith.constant 0 : i32
      %dma_start3A_260 = tpu.memref_slice %arg20[%add3A_33, %dma_start3A_259] : memref<32x112xf32, #tpu.memory_space<hbm>> -> memref<1x112xf32, #tpu.memory_space<hbm>>
      %dma_start3A_261 = tpu.memref_squeeze %dma_start3A_260 : memref<1x112xf32, #tpu.memory_space<hbm>> -> memref<112xf32, #tpu.memory_space<hbm>>
      tpu.enqueue_dma source(%arg36 : memref<112xf32, #tpu.memory_space<vmem>>) target(%dma_start3A_261 : memref<112xf32, #tpu.memory_space<hbm>>) target_semaphore(%run_scoped3A_255 : memref<!tpu.dma_semaphore, #tpu.memory_space<semaphore_mem>>)
      %dma_wait3A_262 = arith.constant 0 : i32
      %dma_wait3A_263 = tpu.memref_slice %arg20[%add3A_33, %dma_wait3A_262] : memref<32x112xf32, #tpu.memory_space<hbm>> -> memref<1x112xf32, #tpu.memory_space<hbm>>
      %dma_wait3A_264 = tpu.memref_squeeze %dma_wait3A_263 : memref<1x112xf32, #tpu.memory_space<hbm>> -> memref<112xf32, #tpu.memory_space<hbm>>
      %dma_wait3A_265 = arith.constant 0 : i32
      %dma_wait3A_266 = tpu.memref_slice %arg20[%add3A_33, %dma_wait3A_265] : memref<32x112xf32, #tpu.memory_space<hbm>> -> memref<1x112xf32, #tpu.memory_space<hbm>>
      %dma_wait3A_267 = tpu.memref_squeeze %dma_wait3A_266 : memref<1x112xf32, #tpu.memory_space<hbm>> -> memref<112xf32, #tpu.memory_space<hbm>>
      tpu.wait_dma2 semaphore(%run_scoped3A_255 : memref<!tpu.dma_semaphore, #tpu.memory_space<semaphore_mem>>) src(%arg36 : memref<112xf32, #tpu.memory_space<vmem>>) dst(%dma_wait3A_267 : memref<112xf32, #tpu.memory_space<hbm>>)
      tpu.yield
    }) : () -> ()
    "tpu.region"() ({
      %run_scoped3A_255 = tpu.sem_alloc : memref<!tpu.dma_semaphore, #tpu.memory_space<semaphore_mem>>
      %dma_start3A_256 = arith.constant 0 : i32
      %dma_start3A_257 = tpu.memref_slice %arg21[%add3A_33, %dma_start3A_256] : memref<32x112xi32, #tpu.memory_space<hbm>> -> memref<1x112xi32, #tpu.memory_space<hbm>>
      %dma_start3A_258 = tpu.memref_squeeze %dma_start3A_257 : memref<1x112xi32, #tpu.memory_space<hbm>> -> memref<112xi32, #tpu.memory_space<hbm>>
      %dma_start3A_259 = arith.constant 0 : i32
      %dma_start3A_260 = tpu.memref_slice %arg21[%add3A_33, %dma_start3A_259] : memref<32x112xi32, #tpu.memory_space<hbm>> -> memref<1x112xi32, #tpu.memory_space<hbm>>
      %dma_start3A_261 = tpu.memref_squeeze %dma_start3A_260 : memref<1x112xi32, #tpu.memory_space<hbm>> -> memref<112xi32, #tpu.memory_space<hbm>>
      tpu.enqueue_dma source(%arg37 : memref<112xi32, #tpu.memory_space<vmem>>) target(%dma_start3A_261 : memref<112xi32, #tpu.memory_space<hbm>>) target_semaphore(%run_scoped3A_255 : memref<!tpu.dma_semaphore, #tpu.memory_space<semaphore_mem>>)
      %dma_wait3A_262 = arith.constant 0 : i32
      %dma_wait3A_263 = tpu.memref_slice %arg21[%add3A_33, %dma_wait3A_262] : memref<32x112xi32, #tpu.memory_space<hbm>> -> memref<1x112xi32, #tpu.memory_space<hbm>>
      %dma_wait3A_264 = tpu.memref_squeeze %dma_wait3A_263 : memref<1x112xi32, #tpu.memory_space<hbm>> -> memref<112xi32, #tpu.memory_space<hbm>>
      %dma_wait3A_265 = arith.constant 0 : i32
      %dma_wait3A_266 = tpu.memref_slice %arg21[%add3A_33, %dma_wait3A_265] : memref<32x112xi32, #tpu.memory_space<hbm>> -> memref<1x112xi32, #tpu.memory_space<hbm>>
      %dma_wait3A_267 = tpu.memref_squeeze %dma_wait3A_266 : memref<1x112xi32, #tpu.memory_space<hbm>> -> memref<112xi32, #tpu.memory_space<hbm>>
      tpu.wait_dma2 semaphore(%run_scoped3A_255 : memref<!tpu.dma_semaphore, #tpu.memory_space<semaphore_mem>>) src(%arg37 : memref<112xi32, #tpu.memory_space<vmem>>) dst(%dma_wait3A_267 : memref<112xi32, #tpu.memory_space<hbm>>)
      tpu.yield
    }) : () -> ()
    %dma_start3A = arith.constant 0 : i32
    %dma_start3A_64 = arith.constant 0 : i32
    %dma_start3A_65 = tpu.memref_slice %arg39[%dma_start3A, %dma_start3A_64] : memref<14x112xf32, #tpu.memory_space<vmem>> -> memref<1x112xf32, #tpu.memory_space<vmem>>
    %dma_start3A_66 = tpu.memref_squeeze %dma_start3A_65 : memref<1x112xf32, #tpu.memory_space<vmem>> -> memref<112xf32, #tpu.memory_space<vmem>>
    %dma_start3A_67 = arith.constant 0 : i32
    %dma_start3A_68 = tpu.memref_slice %arg10[%dma_start3A_67] : memref<80000xf32, #tpu.memory_space<hbm>> -> memref<80000xf32, #tpu.memory_space<hbm>>
    tpu.enqueue_indirect_dma source(%dma_start3A_68 : memref<80000xf32, #tpu.memory_space<hbm>>) target(%dma_start3A_66 : memref<112xf32, #tpu.memory_space<vmem>>) offsets(%arg38 : memref<112xi32, #tpu.memory_space<vmem>>) semaphore(%arg40 : memref<!tpu.dma_semaphore, #tpu.memory_space<semaphore_mem>>)
    %dma_start3A_69 = arith.constant 1 : i32
    %dma_start3A_70 = arith.constant 0 : i32
    %dma_start3A_71 = tpu.memref_slice %arg39[%dma_start3A_69, %dma_start3A_70] : memref<14x112xf32, #tpu.memory_space<vmem>> -> memref<1x112xf32, #tpu.memory_space<vmem>>
    %dma_start3A_72 = tpu.memref_squeeze %dma_start3A_71 : memref<1x112xf32, #tpu.memory_space<vmem>> -> memref<112xf32, #tpu.memory_space<vmem>>
    %dma_start3A_73 = arith.constant 0 : i32
    %dma_start3A_74 = tpu.memref_slice %arg11[%dma_start3A_73] : memref<80000xf32, #tpu.memory_space<hbm>> -> memref<80000xf32, #tpu.memory_space<hbm>>
    tpu.enqueue_indirect_dma source(%dma_start3A_74 : memref<80000xf32, #tpu.memory_space<hbm>>) target(%dma_start3A_72 : memref<112xf32, #tpu.memory_space<vmem>>) offsets(%arg38 : memref<112xi32, #tpu.memory_space<vmem>>) semaphore(%arg40 : memref<!tpu.dma_semaphore, #tpu.memory_space<semaphore_mem>>)
    %dma_start3A_75 = arith.constant 2 : i32
    %dma_start3A_76 = arith.constant 0 : i32
    %dma_start3A_77 = tpu.memref_slice %arg39[%dma_start3A_75, %dma_start3A_76] : memref<14x112xf32, #tpu.memory_space<vmem>> -> memref<1x112xf32, #tpu.memory_space<vmem>>
    %dma_start3A_78 = tpu.memref_squeeze %dma_start3A_77 : memref<1x112xf32, #tpu.memory_space<vmem>> -> memref<112xf32, #tpu.memory_space<vmem>>
    %dma_start3A_79 = arith.constant 0 : i32
    %dma_start3A_80 = tpu.memref_slice %arg2[%dma_start3A_79] : memref<80000xf32, #tpu.memory_space<hbm>> -> memref<80000xf32, #tpu.memory_space<hbm>>
    tpu.enqueue_indirect_dma source(%dma_start3A_80 : memref<80000xf32, #tpu.memory_space<hbm>>) target(%dma_start3A_78 : memref<112xf32, #tpu.memory_space<vmem>>) offsets(%arg38 : memref<112xi32, #tpu.memory_space<vmem>>) semaphore(%arg40 : memref<!tpu.dma_semaphore, #tpu.memory_space<semaphore_mem>>)
    %dma_start3A_81 = arith.constant 3 : i32
    %dma_start3A_82 = arith.constant 0 : i32
    %dma_start3A_83 = tpu.memref_slice %arg39[%dma_start3A_81, %dma_start3A_82] : memref<14x112xf32, #tpu.memory_space<vmem>> -> memref<1x112xf32, #tpu.memory_space<vmem>>
    %dma_start3A_84 = tpu.memref_squeeze %dma_start3A_83 : memref<1x112xf32, #tpu.memory_space<vmem>> -> memref<112xf32, #tpu.memory_space<vmem>>
    %dma_start3A_85 = arith.constant 0 : i32
    %dma_start3A_86 = tpu.memref_slice %arg3[%dma_start3A_85] : memref<80000xf32, #tpu.memory_space<hbm>> -> memref<80000xf32, #tpu.memory_space<hbm>>
    tpu.enqueue_indirect_dma source(%dma_start3A_86 : memref<80000xf32, #tpu.memory_space<hbm>>) target(%dma_start3A_84 : memref<112xf32, #tpu.memory_space<vmem>>) offsets(%arg38 : memref<112xi32, #tpu.memory_space<vmem>>) semaphore(%arg40 : memref<!tpu.dma_semaphore, #tpu.memory_space<semaphore_mem>>)
    %dma_start3A_87 = arith.constant 4 : i32
    %dma_start3A_88 = arith.constant 0 : i32
    %dma_start3A_89 = tpu.memref_slice %arg39[%dma_start3A_87, %dma_start3A_88] : memref<14x112xf32, #tpu.memory_space<vmem>> -> memref<1x112xf32, #tpu.memory_space<vmem>>
    %dma_start3A_90 = tpu.memref_squeeze %dma_start3A_89 : memref<1x112xf32, #tpu.memory_space<vmem>> -> memref<112xf32, #tpu.memory_space<vmem>>
    %dma_start3A_91 = arith.constant 0 : i32
    %dma_start3A_92 = tpu.memref_slice %arg4[%dma_start3A_91] : memref<80000xf32, #tpu.memory_space<hbm>> -> memref<80000xf32, #tpu.memory_space<hbm>>
    tpu.enqueue_indirect_dma source(%dma_start3A_92 : memref<80000xf32, #tpu.memory_space<hbm>>) target(%dma_start3A_90 : memref<112xf32, #tpu.memory_space<vmem>>) offsets(%arg38 : memref<112xi32, #tpu.memory_space<vmem>>) semaphore(%arg40 : memref<!tpu.dma_semaphore, #tpu.memory_space<semaphore_mem>>)
    %dma_start3A_93 = arith.constant 5 : i32
    %dma_start3A_94 = arith.constant 0 : i32
    %dma_start3A_95 = tpu.memref_slice %arg39[%dma_start3A_93, %dma_start3A_94] : memref<14x112xf32, #tpu.memory_space<vmem>> -> memref<1x112xf32, #tpu.memory_space<vmem>>
    %dma_start3A_96 = tpu.memref_squeeze %dma_start3A_95 : memref<1x112xf32, #tpu.memory_space<vmem>> -> memref<112xf32, #tpu.memory_space<vmem>>
    %dma_start3A_97 = arith.constant 0 : i32
    %dma_start3A_98 = tpu.memref_slice %arg5[%dma_start3A_97] : memref<80000xf32, #tpu.memory_space<hbm>> -> memref<80000xf32, #tpu.memory_space<hbm>>
    tpu.enqueue_indirect_dma source(%dma_start3A_98 : memref<80000xf32, #tpu.memory_space<hbm>>) target(%dma_start3A_96 : memref<112xf32, #tpu.memory_space<vmem>>) offsets(%arg38 : memref<112xi32, #tpu.memory_space<vmem>>) semaphore(%arg40 : memref<!tpu.dma_semaphore, #tpu.memory_space<semaphore_mem>>)
    %dma_start3A_99 = arith.constant 6 : i32
    %dma_start3A_100 = arith.constant 0 : i32
    %dma_start3A_101 = tpu.memref_slice %arg39[%dma_start3A_99, %dma_start3A_100] : memref<14x112xf32, #tpu.memory_space<vmem>> -> memref<1x112xf32, #tpu.memory_space<vmem>>
    %dma_start3A_102 = tpu.memref_squeeze %dma_start3A_101 : memref<1x112xf32, #tpu.memory_space<vmem>> -> memref<112xf32, #tpu.memory_space<vmem>>
    %dma_start3A_103 = arith.constant 0 : i32
    %dma_start3A_104 = tpu.memref_slice %arg12[%dma_start3A_103] : memref<80000xf32, #tpu.memory_space<hbm>> -> memref<80000xf32, #tpu.memory_space<hbm>>
    tpu.enqueue_indirect_dma source(%dma_start3A_104 : memref<80000xf32, #tpu.memory_space<hbm>>) target(%dma_start3A_102 : memref<112xf32, #tpu.memory_space<vmem>>) offsets(%arg38 : memref<112xi32, #tpu.memory_space<vmem>>) semaphore(%arg40 : memref<!tpu.dma_semaphore, #tpu.memory_space<semaphore_mem>>)
    %dma_start3A_105 = arith.constant 7 : i32
    %dma_start3A_106 = arith.constant 0 : i32
    %dma_start3A_107 = tpu.memref_slice %arg39[%dma_start3A_105, %dma_start3A_106] : memref<14x112xf32, #tpu.memory_space<vmem>> -> memref<1x112xf32, #tpu.memory_space<vmem>>
    %dma_start3A_108 = tpu.memref_squeeze %dma_start3A_107 : memref<1x112xf32, #tpu.memory_space<vmem>> -> memref<112xf32, #tpu.memory_space<vmem>>
    %dma_start3A_109 = arith.constant 0 : i32
    %dma_start3A_110 = tpu.memref_slice %arg13[%dma_start3A_109] : memref<80000xf32, #tpu.memory_space<hbm>> -> memref<80000xf32, #tpu.memory_space<hbm>>
    tpu.enqueue_indirect_dma source(%dma_start3A_110 : memref<80000xf32, #tpu.memory_space<hbm>>) target(%dma_start3A_108 : memref<112xf32, #tpu.memory_space<vmem>>) offsets(%arg38 : memref<112xi32, #tpu.memory_space<vmem>>) semaphore(%arg40 : memref<!tpu.dma_semaphore, #tpu.memory_space<semaphore_mem>>)
    %dma_start3A_111 = arith.constant 8 : i32
    %dma_start3A_112 = arith.constant 0 : i32
    %dma_start3A_113 = tpu.memref_slice %arg39[%dma_start3A_111, %dma_start3A_112] : memref<14x112xf32, #tpu.memory_space<vmem>> -> memref<1x112xf32, #tpu.memory_space<vmem>>
    %dma_start3A_114 = tpu.memref_squeeze %dma_start3A_113 : memref<1x112xf32, #tpu.memory_space<vmem>> -> memref<112xf32, #tpu.memory_space<vmem>>
    %dma_start3A_115 = arith.constant 0 : i32
    %dma_start3A_116 = tpu.memref_slice %arg14[%dma_start3A_115] : memref<80000xf32, #tpu.memory_space<hbm>> -> memref<80000xf32, #tpu.memory_space<hbm>>
    tpu.enqueue_indirect_dma source(%dma_start3A_116 : memref<80000xf32, #tpu.memory_space<hbm>>) target(%dma_start3A_114 : memref<112xf32, #tpu.memory_space<vmem>>) offsets(%arg38 : memref<112xi32, #tpu.memory_space<vmem>>) semaphore(%arg40 : memref<!tpu.dma_semaphore, #tpu.memory_space<semaphore_mem>>)
    %dma_start3A_117 = arith.constant 9 : i32
    %dma_start3A_118 = arith.constant 0 : i32
    %dma_start3A_119 = tpu.memref_slice %arg39[%dma_start3A_117, %dma_start3A_118] : memref<14x112xf32, #tpu.memory_space<vmem>> -> memref<1x112xf32, #tpu.memory_space<vmem>>
    %dma_start3A_120 = tpu.memref_squeeze %dma_start3A_119 : memref<1x112xf32, #tpu.memory_space<vmem>> -> memref<112xf32, #tpu.memory_space<vmem>>
    %dma_start3A_121 = arith.constant 0 : i32
    %dma_start3A_122 = tpu.memref_slice %arg15[%dma_start3A_121] : memref<80000xf32, #tpu.memory_space<hbm>> -> memref<80000xf32, #tpu.memory_space<hbm>>
    tpu.enqueue_indirect_dma source(%dma_start3A_122 : memref<80000xf32, #tpu.memory_space<hbm>>) target(%dma_start3A_120 : memref<112xf32, #tpu.memory_space<vmem>>) offsets(%arg38 : memref<112xi32, #tpu.memory_space<vmem>>) semaphore(%arg40 : memref<!tpu.dma_semaphore, #tpu.memory_space<semaphore_mem>>)
    %dma_start3A_123 = arith.constant 10 : i32
    %dma_start3A_124 = arith.constant 0 : i32
    %dma_start3A_125 = tpu.memref_slice %arg39[%dma_start3A_123, %dma_start3A_124] : memref<14x112xf32, #tpu.memory_space<vmem>> -> memref<1x112xf32, #tpu.memory_space<vmem>>
    %dma_start3A_126 = tpu.memref_squeeze %dma_start3A_125 : memref<1x112xf32, #tpu.memory_space<vmem>> -> memref<112xf32, #tpu.memory_space<vmem>>
    %dma_start3A_127 = arith.constant 0 : i32
    %dma_start3A_128 = tpu.memref_slice %arg16[%dma_start3A_127] : memref<80000xf32, #tpu.memory_space<hbm>> -> memref<80000xf32, #tpu.memory_space<hbm>>
    tpu.enqueue_indirect_dma source(%dma_start3A_128 : memref<80000xf32, #tpu.memory_space<hbm>>) target(%dma_start3A_126 : memref<112xf32, #tpu.memory_space<vmem>>) offsets(%arg38 : memref<112xi32, #tpu.memory_space<vmem>>) semaphore(%arg40 : memref<!tpu.dma_semaphore, #tpu.memory_space<semaphore_mem>>)
    %dma_start3A_129 = arith.constant 11 : i32
    %dma_start3A_130 = arith.constant 0 : i32
    %dma_start3A_131 = tpu.memref_slice %arg39[%dma_start3A_129, %dma_start3A_130] : memref<14x112xf32, #tpu.memory_space<vmem>> -> memref<1x112xf32, #tpu.memory_space<vmem>>
    %dma_start3A_132 = tpu.memref_squeeze %dma_start3A_131 : memref<1x112xf32, #tpu.memory_space<vmem>> -> memref<112xf32, #tpu.memory_space<vmem>>
    %dma_start3A_133 = arith.constant 0 : i32
    %dma_start3A_134 = tpu.memref_slice %arg17[%dma_start3A_133] : memref<80000xf32, #tpu.memory_space<hbm>> -> memref<80000xf32, #tpu.memory_space<hbm>>
    tpu.enqueue_indirect_dma source(%dma_start3A_134 : memref<80000xf32, #tpu.memory_space<hbm>>) target(%dma_start3A_132 : memref<112xf32, #tpu.memory_space<vmem>>) offsets(%arg38 : memref<112xi32, #tpu.memory_space<vmem>>) semaphore(%arg40 : memref<!tpu.dma_semaphore, #tpu.memory_space<semaphore_mem>>)
    %dma_start3A_135 = arith.constant 12 : i32
    %dma_start3A_136 = arith.constant 0 : i32
    %dma_start3A_137 = tpu.memref_slice %arg39[%dma_start3A_135, %dma_start3A_136] : memref<14x112xf32, #tpu.memory_space<vmem>> -> memref<1x112xf32, #tpu.memory_space<vmem>>
    %dma_start3A_138 = tpu.memref_squeeze %dma_start3A_137 : memref<1x112xf32, #tpu.memory_space<vmem>> -> memref<112xf32, #tpu.memory_space<vmem>>
    %dma_start3A_139 = arith.constant 0 : i32
    %dma_start3A_140 = tpu.memref_slice %arg18[%dma_start3A_139] : memref<80000xf32, #tpu.memory_space<hbm>> -> memref<80000xf32, #tpu.memory_space<hbm>>
    tpu.enqueue_indirect_dma source(%dma_start3A_140 : memref<80000xf32, #tpu.memory_space<hbm>>) target(%dma_start3A_138 : memref<112xf32, #tpu.memory_space<vmem>>) offsets(%arg38 : memref<112xi32, #tpu.memory_space<vmem>>) semaphore(%arg40 : memref<!tpu.dma_semaphore, #tpu.memory_space<semaphore_mem>>)
    %dma_start3A_141 = arith.constant 13 : i32
    %dma_start3A_142 = arith.constant 0 : i32
    %dma_start3A_143 = tpu.memref_slice %arg39[%dma_start3A_141, %dma_start3A_142] : memref<14x112xf32, #tpu.memory_space<vmem>> -> memref<1x112xf32, #tpu.memory_space<vmem>>
    %dma_start3A_144 = tpu.memref_squeeze %dma_start3A_143 : memref<1x112xf32, #tpu.memory_space<vmem>> -> memref<112xf32, #tpu.memory_space<vmem>>
    %dma_start3A_145 = arith.constant 0 : i32
    %dma_start3A_146 = tpu.memref_slice %arg19[%dma_start3A_145] : memref<80000xf32, #tpu.memory_space<hbm>> -> memref<80000xf32, #tpu.memory_space<hbm>>
    tpu.enqueue_indirect_dma source(%dma_start3A_146 : memref<80000xf32, #tpu.memory_space<hbm>>) target(%dma_start3A_144 : memref<112xf32, #tpu.memory_space<vmem>>) offsets(%arg38 : memref<112xi32, #tpu.memory_space<vmem>>) semaphore(%arg40 : memref<!tpu.dma_semaphore, #tpu.memory_space<semaphore_mem>>)
    %dma_wait3A = arith.constant 0 : i32
    %dma_wait3A_147 = arith.constant 0 : i32
    %dma_wait3A_148 = tpu.memref_slice %arg39[%dma_wait3A, %dma_wait3A_147] : memref<14x112xf32, #tpu.memory_space<vmem>> -> memref<1x112xf32, #tpu.memory_space<vmem>>
    %dma_wait3A_149 = tpu.memref_squeeze %dma_wait3A_148 : memref<1x112xf32, #tpu.memory_space<vmem>> -> memref<112xf32, #tpu.memory_space<vmem>>
    %dma_wait3A_150 = arith.constant 0 : i32
    %dma_wait3A_151 = tpu.memref_slice %arg10[%dma_wait3A_150] : memref<80000xf32, #tpu.memory_space<hbm>> -> memref<80000xf32, #tpu.memory_space<hbm>>
    tpu.wait_indirect_dma semaphore(%arg40 : memref<!tpu.dma_semaphore, #tpu.memory_space<semaphore_mem>>) src(%dma_wait3A_151 : memref<80000xf32, #tpu.memory_space<hbm>>) dst(%dma_wait3A_149 : memref<112xf32, #tpu.memory_space<vmem>>)
    %dma_wait3A_152 = arith.constant 1 : i32
    %dma_wait3A_153 = arith.constant 0 : i32
    %dma_wait3A_154 = tpu.memref_slice %arg39[%dma_wait3A_152, %dma_wait3A_153] : memref<14x112xf32, #tpu.memory_space<vmem>> -> memref<1x112xf32, #tpu.memory_space<vmem>>
    %dma_wait3A_155 = tpu.memref_squeeze %dma_wait3A_154 : memref<1x112xf32, #tpu.memory_space<vmem>> -> memref<112xf32, #tpu.memory_space<vmem>>
    %dma_wait3A_156 = arith.constant 0 : i32
    %dma_wait3A_157 = tpu.memref_slice %arg11[%dma_wait3A_156] : memref<80000xf32, #tpu.memory_space<hbm>> -> memref<80000xf32, #tpu.memory_space<hbm>>
    tpu.wait_indirect_dma semaphore(%arg40 : memref<!tpu.dma_semaphore, #tpu.memory_space<semaphore_mem>>) src(%dma_wait3A_157 : memref<80000xf32, #tpu.memory_space<hbm>>) dst(%dma_wait3A_155 : memref<112xf32, #tpu.memory_space<vmem>>)
    %dma_wait3A_158 = arith.constant 2 : i32
    %dma_wait3A_159 = arith.constant 0 : i32
    %dma_wait3A_160 = tpu.memref_slice %arg39[%dma_wait3A_158, %dma_wait3A_159] : memref<14x112xf32, #tpu.memory_space<vmem>> -> memref<1x112xf32, #tpu.memory_space<vmem>>
    %dma_wait3A_161 = tpu.memref_squeeze %dma_wait3A_160 : memref<1x112xf32, #tpu.memory_space<vmem>> -> memref<112xf32, #tpu.memory_space<vmem>>
    %dma_wait3A_162 = arith.constant 0 : i32
    %dma_wait3A_163 = tpu.memref_slice %arg2[%dma_wait3A_162] : memref<80000xf32, #tpu.memory_space<hbm>> -> memref<80000xf32, #tpu.memory_space<hbm>>
    tpu.wait_indirect_dma semaphore(%arg40 : memref<!tpu.dma_semaphore, #tpu.memory_space<semaphore_mem>>) src(%dma_wait3A_163 : memref<80000xf32, #tpu.memory_space<hbm>>) dst(%dma_wait3A_161 : memref<112xf32, #tpu.memory_space<vmem>>)
    %dma_wait3A_164 = arith.constant 3 : i32
    %dma_wait3A_165 = arith.constant 0 : i32
    %dma_wait3A_166 = tpu.memref_slice %arg39[%dma_wait3A_164, %dma_wait3A_165] : memref<14x112xf32, #tpu.memory_space<vmem>> -> memref<1x112xf32, #tpu.memory_space<vmem>>
    %dma_wait3A_167 = tpu.memref_squeeze %dma_wait3A_166 : memref<1x112xf32, #tpu.memory_space<vmem>> -> memref<112xf32, #tpu.memory_space<vmem>>
    %dma_wait3A_168 = arith.constant 0 : i32
    %dma_wait3A_169 = tpu.memref_slice %arg3[%dma_wait3A_168] : memref<80000xf32, #tpu.memory_space<hbm>> -> memref<80000xf32, #tpu.memory_space<hbm>>
    tpu.wait_indirect_dma semaphore(%arg40 : memref<!tpu.dma_semaphore, #tpu.memory_space<semaphore_mem>>) src(%dma_wait3A_169 : memref<80000xf32, #tpu.memory_space<hbm>>) dst(%dma_wait3A_167 : memref<112xf32, #tpu.memory_space<vmem>>)
    %dma_wait3A_170 = arith.constant 4 : i32
    %dma_wait3A_171 = arith.constant 0 : i32
    %dma_wait3A_172 = tpu.memref_slice %arg39[%dma_wait3A_170, %dma_wait3A_171] : memref<14x112xf32, #tpu.memory_space<vmem>> -> memref<1x112xf32, #tpu.memory_space<vmem>>
    %dma_wait3A_173 = tpu.memref_squeeze %dma_wait3A_172 : memref<1x112xf32, #tpu.memory_space<vmem>> -> memref<112xf32, #tpu.memory_space<vmem>>
    %dma_wait3A_174 = arith.constant 0 : i32
    %dma_wait3A_175 = tpu.memref_slice %arg4[%dma_wait3A_174] : memref<80000xf32, #tpu.memory_space<hbm>> -> memref<80000xf32, #tpu.memory_space<hbm>>
    tpu.wait_indirect_dma semaphore(%arg40 : memref<!tpu.dma_semaphore, #tpu.memory_space<semaphore_mem>>) src(%dma_wait3A_175 : memref<80000xf32, #tpu.memory_space<hbm>>) dst(%dma_wait3A_173 : memref<112xf32, #tpu.memory_space<vmem>>)
    %dma_wait3A_176 = arith.constant 5 : i32
    %dma_wait3A_177 = arith.constant 0 : i32
    %dma_wait3A_178 = tpu.memref_slice %arg39[%dma_wait3A_176, %dma_wait3A_177] : memref<14x112xf32, #tpu.memory_space<vmem>> -> memref<1x112xf32, #tpu.memory_space<vmem>>
    %dma_wait3A_179 = tpu.memref_squeeze %dma_wait3A_178 : memref<1x112xf32, #tpu.memory_space<vmem>> -> memref<112xf32, #tpu.memory_space<vmem>>
    %dma_wait3A_180 = arith.constant 0 : i32
    %dma_wait3A_181 = tpu.memref_slice %arg5[%dma_wait3A_180] : memref<80000xf32, #tpu.memory_space<hbm>> -> memref<80000xf32, #tpu.memory_space<hbm>>
    tpu.wait_indirect_dma semaphore(%arg40 : memref<!tpu.dma_semaphore, #tpu.memory_space<semaphore_mem>>) src(%dma_wait3A_181 : memref<80000xf32, #tpu.memory_space<hbm>>) dst(%dma_wait3A_179 : memref<112xf32, #tpu.memory_space<vmem>>)
    %dma_wait3A_182 = arith.constant 6 : i32
    %dma_wait3A_183 = arith.constant 0 : i32
    %dma_wait3A_184 = tpu.memref_slice %arg39[%dma_wait3A_182, %dma_wait3A_183] : memref<14x112xf32, #tpu.memory_space<vmem>> -> memref<1x112xf32, #tpu.memory_space<vmem>>
    %dma_wait3A_185 = tpu.memref_squeeze %dma_wait3A_184 : memref<1x112xf32, #tpu.memory_space<vmem>> -> memref<112xf32, #tpu.memory_space<vmem>>
    %dma_wait3A_186 = arith.constant 0 : i32
    %dma_wait3A_187 = tpu.memref_slice %arg12[%dma_wait3A_186] : memref<80000xf32, #tpu.memory_space<hbm>> -> memref<80000xf32, #tpu.memory_space<hbm>>
    tpu.wait_indirect_dma semaphore(%arg40 : memref<!tpu.dma_semaphore, #tpu.memory_space<semaphore_mem>>) src(%dma_wait3A_187 : memref<80000xf32, #tpu.memory_space<hbm>>) dst(%dma_wait3A_185 : memref<112xf32, #tpu.memory_space<vmem>>)
    %dma_wait3A_188 = arith.constant 7 : i32
    %dma_wait3A_189 = arith.constant 0 : i32
    %dma_wait3A_190 = tpu.memref_slice %arg39[%dma_wait3A_188, %dma_wait3A_189] : memref<14x112xf32, #tpu.memory_space<vmem>> -> memref<1x112xf32, #tpu.memory_space<vmem>>
    %dma_wait3A_191 = tpu.memref_squeeze %dma_wait3A_190 : memref<1x112xf32, #tpu.memory_space<vmem>> -> memref<112xf32, #tpu.memory_space<vmem>>
    %dma_wait3A_192 = arith.constant 0 : i32
    %dma_wait3A_193 = tpu.memref_slice %arg13[%dma_wait3A_192] : memref<80000xf32, #tpu.memory_space<hbm>> -> memref<80000xf32, #tpu.memory_space<hbm>>
    tpu.wait_indirect_dma semaphore(%arg40 : memref<!tpu.dma_semaphore, #tpu.memory_space<semaphore_mem>>) src(%dma_wait3A_193 : memref<80000xf32, #tpu.memory_space<hbm>>) dst(%dma_wait3A_191 : memref<112xf32, #tpu.memory_space<vmem>>)
    %dma_wait3A_194 = arith.constant 8 : i32
    %dma_wait3A_195 = arith.constant 0 : i32
    %dma_wait3A_196 = tpu.memref_slice %arg39[%dma_wait3A_194, %dma_wait3A_195] : memref<14x112xf32, #tpu.memory_space<vmem>> -> memref<1x112xf32, #tpu.memory_space<vmem>>
    %dma_wait3A_197 = tpu.memref_squeeze %dma_wait3A_196 : memref<1x112xf32, #tpu.memory_space<vmem>> -> memref<112xf32, #tpu.memory_space<vmem>>
    %dma_wait3A_198 = arith.constant 0 : i32
    %dma_wait3A_199 = tpu.memref_slice %arg14[%dma_wait3A_198] : memref<80000xf32, #tpu.memory_space<hbm>> -> memref<80000xf32, #tpu.memory_space<hbm>>
    tpu.wait_indirect_dma semaphore(%arg40 : memref<!tpu.dma_semaphore, #tpu.memory_space<semaphore_mem>>) src(%dma_wait3A_199 : memref<80000xf32, #tpu.memory_space<hbm>>) dst(%dma_wait3A_197 : memref<112xf32, #tpu.memory_space<vmem>>)
    %dma_wait3A_200 = arith.constant 9 : i32
    %dma_wait3A_201 = arith.constant 0 : i32
    %dma_wait3A_202 = tpu.memref_slice %arg39[%dma_wait3A_200, %dma_wait3A_201] : memref<14x112xf32, #tpu.memory_space<vmem>> -> memref<1x112xf32, #tpu.memory_space<vmem>>
    %dma_wait3A_203 = tpu.memref_squeeze %dma_wait3A_202 : memref<1x112xf32, #tpu.memory_space<vmem>> -> memref<112xf32, #tpu.memory_space<vmem>>
    %dma_wait3A_204 = arith.constant 0 : i32
    %dma_wait3A_205 = tpu.memref_slice %arg15[%dma_wait3A_204] : memref<80000xf32, #tpu.memory_space<hbm>> -> memref<80000xf32, #tpu.memory_space<hbm>>
    tpu.wait_indirect_dma semaphore(%arg40 : memref<!tpu.dma_semaphore, #tpu.memory_space<semaphore_mem>>) src(%dma_wait3A_205 : memref<80000xf32, #tpu.memory_space<hbm>>) dst(%dma_wait3A_203 : memref<112xf32, #tpu.memory_space<vmem>>)
    %dma_wait3A_206 = arith.constant 10 : i32
    %dma_wait3A_207 = arith.constant 0 : i32
    %dma_wait3A_208 = tpu.memref_slice %arg39[%dma_wait3A_206, %dma_wait3A_207] : memref<14x112xf32, #tpu.memory_space<vmem>> -> memref<1x112xf32, #tpu.memory_space<vmem>>
    %dma_wait3A_209 = tpu.memref_squeeze %dma_wait3A_208 : memref<1x112xf32, #tpu.memory_space<vmem>> -> memref<112xf32, #tpu.memory_space<vmem>>
    %dma_wait3A_210 = arith.constant 0 : i32
    %dma_wait3A_211 = tpu.memref_slice %arg16[%dma_wait3A_210] : memref<80000xf32, #tpu.memory_space<hbm>> -> memref<80000xf32, #tpu.memory_space<hbm>>
    tpu.wait_indirect_dma semaphore(%arg40 : memref<!tpu.dma_semaphore, #tpu.memory_space<semaphore_mem>>) src(%dma_wait3A_211 : memref<80000xf32, #tpu.memory_space<hbm>>) dst(%dma_wait3A_209 : memref<112xf32, #tpu.memory_space<vmem>>)
    %dma_wait3A_212 = arith.constant 11 : i32
    %dma_wait3A_213 = arith.constant 0 : i32
    %dma_wait3A_214 = tpu.memref_slice %arg39[%dma_wait3A_212, %dma_wait3A_213] : memref<14x112xf32, #tpu.memory_space<vmem>> -> memref<1x112xf32, #tpu.memory_space<vmem>>
    %dma_wait3A_215 = tpu.memref_squeeze %dma_wait3A_214 : memref<1x112xf32, #tpu.memory_space<vmem>> -> memref<112xf32, #tpu.memory_space<vmem>>
    %dma_wait3A_216 = arith.constant 0 : i32
    %dma_wait3A_217 = tpu.memref_slice %arg17[%dma_wait3A_216] : memref<80000xf32, #tpu.memory_space<hbm>> -> memref<80000xf32, #tpu.memory_space<hbm>>
    tpu.wait_indirect_dma semaphore(%arg40 : memref<!tpu.dma_semaphore, #tpu.memory_space<semaphore_mem>>) src(%dma_wait3A_217 : memref<80000xf32, #tpu.memory_space<hbm>>) dst(%dma_wait3A_215 : memref<112xf32, #tpu.memory_space<vmem>>)
    %dma_wait3A_218 = arith.constant 12 : i32
    %dma_wait3A_219 = arith.constant 0 : i32
    %dma_wait3A_220 = tpu.memref_slice %arg39[%dma_wait3A_218, %dma_wait3A_219] : memref<14x112xf32, #tpu.memory_space<vmem>> -> memref<1x112xf32, #tpu.memory_space<vmem>>
    %dma_wait3A_221 = tpu.memref_squeeze %dma_wait3A_220 : memref<1x112xf32, #tpu.memory_space<vmem>> -> memref<112xf32, #tpu.memory_space<vmem>>
    %dma_wait3A_222 = arith.constant 0 : i32
    %dma_wait3A_223 = tpu.memref_slice %arg18[%dma_wait3A_222] : memref<80000xf32, #tpu.memory_space<hbm>> -> memref<80000xf32, #tpu.memory_space<hbm>>
    tpu.wait_indirect_dma semaphore(%arg40 : memref<!tpu.dma_semaphore, #tpu.memory_space<semaphore_mem>>) src(%dma_wait3A_223 : memref<80000xf32, #tpu.memory_space<hbm>>) dst(%dma_wait3A_221 : memref<112xf32, #tpu.memory_space<vmem>>)
    %dma_wait3A_224 = arith.constant 13 : i32
    %dma_wait3A_225 = arith.constant 0 : i32
    %dma_wait3A_226 = tpu.memref_slice %arg39[%dma_wait3A_224, %dma_wait3A_225] : memref<14x112xf32, #tpu.memory_space<vmem>> -> memref<1x112xf32, #tpu.memory_space<vmem>>
    %dma_wait3A_227 = tpu.memref_squeeze %dma_wait3A_226 : memref<1x112xf32, #tpu.memory_space<vmem>> -> memref<112xf32, #tpu.memory_space<vmem>>
    %dma_wait3A_228 = arith.constant 0 : i32
    %dma_wait3A_229 = tpu.memref_slice %arg19[%dma_wait3A_228] : memref<80000xf32, #tpu.memory_space<hbm>> -> memref<80000xf32, #tpu.memory_space<hbm>>
    tpu.wait_indirect_dma semaphore(%arg40 : memref<!tpu.dma_semaphore, #tpu.memory_space<semaphore_mem>>) src(%dma_wait3A_229 : memref<80000xf32, #tpu.memory_space<hbm>>) dst(%dma_wait3A_227 : memref<112xf32, #tpu.memory_space<vmem>>)
    %run_scoped3A = arith.constant 0 : i32
    "tpu.region"() ({
      %run_scoped3A_255 = tpu.sem_alloc : memref<!tpu.dma_semaphore, #tpu.memory_space<semaphore_mem>>
      %dma_start3A_256 = arith.constant 0 : i32
      %dma_start3A_257 = tpu.memref_slice %arg39[%run_scoped3A, %dma_start3A_256] : memref<14x112xf32, #tpu.memory_space<vmem>> -> memref<1x112xf32, #tpu.memory_space<vmem>>
      %dma_start3A_258 = tpu.memref_squeeze %dma_start3A_257 : memref<1x112xf32, #tpu.memory_space<vmem>> -> memref<112xf32, #tpu.memory_space<vmem>>
      %dma_start3A_259 = arith.constant 0 : i32
      %dma_start3A_260 = tpu.memref_slice %arg25[%add3A_33, %dma_start3A_259] : memref<32x112xf32, #tpu.memory_space<hbm>> -> memref<1x112xf32, #tpu.memory_space<hbm>>
      %dma_start3A_261 = tpu.memref_squeeze %dma_start3A_260 : memref<1x112xf32, #tpu.memory_space<hbm>> -> memref<112xf32, #tpu.memory_space<hbm>>
      %dma_start3A_262 = arith.constant 0 : i32
      %dma_start3A_263 = tpu.memref_slice %arg25[%add3A_33, %dma_start3A_262] : memref<32x112xf32, #tpu.memory_space<hbm>> -> memref<1x112xf32, #tpu.memory_space<hbm>>
      %dma_start3A_264 = tpu.memref_squeeze %dma_start3A_263 : memref<1x112xf32, #tpu.memory_space<hbm>> -> memref<112xf32, #tpu.memory_space<hbm>>
      %dma_start3A_265 = arith.constant 0 : i32
      %dma_start3A_266 = tpu.memref_slice %arg39[%run_scoped3A, %dma_start3A_265] : memref<14x112xf32, #tpu.memory_space<vmem>> -> memref<1x112xf32, #tpu.memory_space<vmem>>
      %dma_start3A_267 = tpu.memref_squeeze %dma_start3A_266 : memref<1x112xf32, #tpu.memory_space<vmem>> -> memref<112xf32, #tpu.memory_space<vmem>>
      tpu.enqueue_dma source(%dma_start3A_267 : memref<112xf32, #tpu.memory_space<vmem>>) target(%dma_start3A_264 : memref<112xf32, #tpu.memory_space<hbm>>) target_semaphore(%run_scoped3A_255 : memref<!tpu.dma_semaphore, #tpu.memory_space<semaphore_mem>>)
      %dma_wait3A_268 = arith.constant 0 : i32
      %dma_wait3A_269 = tpu.memref_slice %arg39[%run_scoped3A, %dma_wait3A_268] : memref<14x112xf32, #tpu.memory_space<vmem>> -> memref<1x112xf32, #tpu.memory_space<vmem>>
      %dma_wait3A_270 = tpu.memref_squeeze %dma_wait3A_269 : memref<1x112xf32, #tpu.memory_space<vmem>> -> memref<112xf32, #tpu.memory_space<vmem>>
      %dma_wait3A_271 = arith.constant 0 : i32
      %dma_wait3A_272 = tpu.memref_slice %arg25[%add3A_33, %dma_wait3A_271] : memref<32x112xf32, #tpu.memory_space<hbm>> -> memref<1x112xf32, #tpu.memory_space<hbm>>
      %dma_wait3A_273 = tpu.memref_squeeze %dma_wait3A_272 : memref<1x112xf32, #tpu.memory_space<hbm>> -> memref<112xf32, #tpu.memory_space<hbm>>
      %dma_wait3A_274 = arith.constant 0 : i32
      %dma_wait3A_275 = tpu.memref_slice %arg25[%add3A_33, %dma_wait3A_274] : memref<32x112xf32, #tpu.memory_space<hbm>> -> memref<1x112xf32, #tpu.memory_space<hbm>>
      %dma_wait3A_276 = tpu.memref_squeeze %dma_wait3A_275 : memref<1x112xf32, #tpu.memory_space<hbm>> -> memref<112xf32, #tpu.memory_space<hbm>>
      %dma_wait3A_277 = arith.constant 0 : i32
      %dma_wait3A_278 = tpu.memref_slice %arg39[%run_scoped3A, %dma_wait3A_277] : memref<14x112xf32, #tpu.memory_space<vmem>> -> memref<1x112xf32, #tpu.memory_space<vmem>>
      %dma_wait3A_279 = tpu.memref_squeeze %dma_wait3A_278 : memref<1x112xf32, #tpu.memory_space<vmem>> -> memref<112xf32, #tpu.memory_space<vmem>>
      tpu.wait_dma2 semaphore(%run_scoped3A_255 : memref<!tpu.dma_semaphore, #tpu.memory_space<semaphore_mem>>) src(%dma_wait3A_279 : memref<112xf32, #tpu.memory_space<vmem>>) dst(%dma_wait3A_276 : memref<112xf32, #tpu.memory_space<hbm>>)
      tpu.yield
    }) : () -> ()
    %run_scoped3A_230 = arith.constant 1 : i32
    "tpu.region"() ({
      %run_scoped3A_255 = tpu.sem_alloc : memref<!tpu.dma_semaphore, #tpu.memory_space<semaphore_mem>>
      %dma_start3A_256 = arith.constant 0 : i32
      %dma_start3A_257 = tpu.memref_slice %arg39[%run_scoped3A_230, %dma_start3A_256] : memref<14x112xf32, #tpu.memory_space<vmem>> -> memref<1x112xf32, #tpu.memory_space<vmem>>
      %dma_start3A_258 = tpu.memref_squeeze %dma_start3A_257 : memref<1x112xf32, #tpu.memory_space<vmem>> -> memref<112xf32, #tpu.memory_space<vmem>>
      %dma_start3A_259 = arith.constant 0 : i32
      %dma_start3A_260 = tpu.memref_slice %arg24[%add3A_33, %dma_start3A_259] : memref<32x112xf32, #tpu.memory_space<hbm>> -> memref<1x112xf32, #tpu.memory_space<hbm>>
      %dma_start3A_261 = tpu.memref_squeeze %dma_start3A_260 : memref<1x112xf32, #tpu.memory_space<hbm>> -> memref<112xf32, #tpu.memory_space<hbm>>
      %dma_start3A_262 = arith.constant 0 : i32
      %dma_start3A_263 = tpu.memref_slice %arg24[%add3A_33, %dma_start3A_262] : memref<32x112xf32, #tpu.memory_space<hbm>> -> memref<1x112xf32, #tpu.memory_space<hbm>>
      %dma_start3A_264 = tpu.memref_squeeze %dma_start3A_263 : memref<1x112xf32, #tpu.memory_space<hbm>> -> memref<112xf32, #tpu.memory_space<hbm>>
      %dma_start3A_265 = arith.constant 0 : i32
      %dma_start3A_266 = tpu.memref_slice %arg39[%run_scoped3A_230, %dma_start3A_265] : memref<14x112xf32, #tpu.memory_space<vmem>> -> memref<1x112xf32, #tpu.memory_space<vmem>>
      %dma_start3A_267 = tpu.memref_squeeze %dma_start3A_266 : memref<1x112xf32, #tpu.memory_space<vmem>> -> memref<112xf32, #tpu.memory_space<vmem>>
      tpu.enqueue_dma source(%dma_start3A_267 : memref<112xf32, #tpu.memory_space<vmem>>) target(%dma_start3A_264 : memref<112xf32, #tpu.memory_space<hbm>>) target_semaphore(%run_scoped3A_255 : memref<!tpu.dma_semaphore, #tpu.memory_space<semaphore_mem>>)
      %dma_wait3A_268 = arith.constant 0 : i32
      %dma_wait3A_269 = tpu.memref_slice %arg39[%run_scoped3A_230, %dma_wait3A_268] : memref<14x112xf32, #tpu.memory_space<vmem>> -> memref<1x112xf32, #tpu.memory_space<vmem>>
      %dma_wait3A_270 = tpu.memref_squeeze %dma_wait3A_269 : memref<1x112xf32, #tpu.memory_space<vmem>> -> memref<112xf32, #tpu.memory_space<vmem>>
      %dma_wait3A_271 = arith.constant 0 : i32
      %dma_wait3A_272 = tpu.memref_slice %arg24[%add3A_33, %dma_wait3A_271] : memref<32x112xf32, #tpu.memory_space<hbm>> -> memref<1x112xf32, #tpu.memory_space<hbm>>
      %dma_wait3A_273 = tpu.memref_squeeze %dma_wait3A_272 : memref<1x112xf32, #tpu.memory_space<hbm>> -> memref<112xf32, #tpu.memory_space<hbm>>
      %dma_wait3A_274 = arith.constant 0 : i32
      %dma_wait3A_275 = tpu.memref_slice %arg24[%add3A_33, %dma_wait3A_274] : memref<32x112xf32, #tpu.memory_space<hbm>> -> memref<1x112xf32, #tpu.memory_space<hbm>>
      %dma_wait3A_276 = tpu.memref_squeeze %dma_wait3A_275 : memref<1x112xf32, #tpu.memory_space<hbm>> -> memref<112xf32, #tpu.memory_space<hbm>>
      %dma_wait3A_277 = arith.constant 0 : i32
      %dma_wait3A_278 = tpu.memref_slice %arg39[%run_scoped3A_230, %dma_wait3A_277] : memref<14x112xf32, #tpu.memory_space<vmem>> -> memref<1x112xf32, #tpu.memory_space<vmem>>
      %dma_wait3A_279 = tpu.memref_squeeze %dma_wait3A_278 : memref<1x112xf32, #tpu.memory_space<vmem>> -> memref<112xf32, #tpu.memory_space<vmem>>
      tpu.wait_dma2 semaphore(%run_scoped3A_255 : memref<!tpu.dma_semaphore, #tpu.memory_space<semaphore_mem>>) src(%dma_wait3A_279 : memref<112xf32, #tpu.memory_space<vmem>>) dst(%dma_wait3A_276 : memref<112xf32, #tpu.memory_space<hbm>>)
      tpu.yield
    }) : () -> ()
    %run_scoped3A_231 = arith.constant 2 : i32
    %run_scoped3A_232 = arith.constant 0 : i32
    "tpu.region"() ({
      %run_scoped3A_255 = tpu.sem_alloc : memref<!tpu.dma_semaphore, #tpu.memory_space<semaphore_mem>>
      %dma_start3A_256 = arith.constant 0 : i32
      %dma_start3A_257 = tpu.memref_slice %arg39[%run_scoped3A_231, %dma_start3A_256] : memref<14x112xf32, #tpu.memory_space<vmem>> -> memref<1x112xf32, #tpu.memory_space<vmem>>
      %dma_start3A_258 = tpu.memref_squeeze %dma_start3A_257 : memref<1x112xf32, #tpu.memory_space<vmem>> -> memref<112xf32, #tpu.memory_space<vmem>>
      %dma_start3A_259 = arith.constant 0 : i32
      %dma_start3A_260 = tpu.memref_slice %arg22[%add3A_33, %run_scoped3A_232, %dma_start3A_259] : memref<32x4x112xf32, #tpu.memory_space<hbm>> -> memref<1x1x112xf32, #tpu.memory_space<hbm>>
      %dma_start3A_261 = tpu.memref_squeeze %dma_start3A_260 : memref<1x1x112xf32, #tpu.memory_space<hbm>> -> memref<112xf32, #tpu.memory_space<hbm>>
      %dma_start3A_262 = arith.constant 0 : i32
      %dma_start3A_263 = tpu.memref_slice %arg22[%add3A_33, %run_scoped3A_232, %dma_start3A_262] : memref<32x4x112xf32, #tpu.memory_space<hbm>> -> memref<1x1x112xf32, #tpu.memory_space<hbm>>
      %dma_start3A_264 = tpu.memref_squeeze %dma_start3A_263 : memref<1x1x112xf32, #tpu.memory_space<hbm>> -> memref<112xf32, #tpu.memory_space<hbm>>
      %dma_start3A_265 = arith.constant 0 : i32
      %dma_start3A_266 = tpu.memref_slice %arg39[%run_scoped3A_231, %dma_start3A_265] : memref<14x112xf32, #tpu.memory_space<vmem>> -> memref<1x112xf32, #tpu.memory_space<vmem>>
      %dma_start3A_267 = tpu.memref_squeeze %dma_start3A_266 : memref<1x112xf32, #tpu.memory_space<vmem>> -> memref<112xf32, #tpu.memory_space<vmem>>
      tpu.enqueue_dma source(%dma_start3A_267 : memref<112xf32, #tpu.memory_space<vmem>>) target(%dma_start3A_264 : memref<112xf32, #tpu.memory_space<hbm>>) target_semaphore(%run_scoped3A_255 : memref<!tpu.dma_semaphore, #tpu.memory_space<semaphore_mem>>)
      %dma_wait3A_268 = arith.constant 0 : i32
      %dma_wait3A_269 = tpu.memref_slice %arg39[%run_scoped3A_231, %dma_wait3A_268] : memref<14x112xf32, #tpu.memory_space<vmem>> -> memref<1x112xf32, #tpu.memory_space<vmem>>
      %dma_wait3A_270 = tpu.memref_squeeze %dma_wait3A_269 : memref<1x112xf32, #tpu.memory_space<vmem>> -> memref<112xf32, #tpu.memory_space<vmem>>
      %dma_wait3A_271 = arith.constant 0 : i32
      %dma_wait3A_272 = tpu.memref_slice %arg22[%add3A_33, %run_scoped3A_232, %dma_wait3A_271] : memref<32x4x112xf32, #tpu.memory_space<hbm>> -> memref<1x1x112xf32, #tpu.memory_space<hbm>>
      %dma_wait3A_273 = tpu.memref_squeeze %dma_wait3A_272 : memref<1x1x112xf32, #tpu.memory_space<hbm>> -> memref<112xf32, #tpu.memory_space<hbm>>
      %dma_wait3A_274 = arith.constant 0 : i32
      %dma_wait3A_275 = tpu.memref_slice %arg22[%add3A_33, %run_scoped3A_232, %dma_wait3A_274] : memref<32x4x112xf32, #tpu.memory_space<hbm>> -> memref<1x1x112xf32, #tpu.memory_space<hbm>>
      %dma_wait3A_276 = tpu.memref_squeeze %dma_wait3A_275 : memref<1x1x112xf32, #tpu.memory_space<hbm>> -> memref<112xf32, #tpu.memory_space<hbm>>
      %dma_wait3A_277 = arith.constant 0 : i32
      %dma_wait3A_278 = tpu.memref_slice %arg39[%run_scoped3A_231, %dma_wait3A_277] : memref<14x112xf32, #tpu.memory_space<vmem>> -> memref<1x112xf32, #tpu.memory_space<vmem>>
      %dma_wait3A_279 = tpu.memref_squeeze %dma_wait3A_278 : memref<1x112xf32, #tpu.memory_space<vmem>> -> memref<112xf32, #tpu.memory_space<vmem>>
      tpu.wait_dma2 semaphore(%run_scoped3A_255 : memref<!tpu.dma_semaphore, #tpu.memory_space<semaphore_mem>>) src(%dma_wait3A_279 : memref<112xf32, #tpu.memory_space<vmem>>) dst(%dma_wait3A_276 : memref<112xf32, #tpu.memory_space<hbm>>)
      tpu.yield
    }) : () -> ()
    %run_scoped3A_233 = arith.constant 3 : i32
    %run_scoped3A_234 = arith.constant 1 : i32
    "tpu.region"() ({
      %run_scoped3A_255 = tpu.sem_alloc : memref<!tpu.dma_semaphore, #tpu.memory_space<semaphore_mem>>
      %dma_start3A_256 = arith.constant 0 : i32
      %dma_start3A_257 = tpu.memref_slice %arg39[%run_scoped3A_233, %dma_start3A_256] : memref<14x112xf32, #tpu.memory_space<vmem>> -> memref<1x112xf32, #tpu.memory_space<vmem>>
      %dma_start3A_258 = tpu.memref_squeeze %dma_start3A_257 : memref<1x112xf32, #tpu.memory_space<vmem>> -> memref<112xf32, #tpu.memory_space<vmem>>
      %dma_start3A_259 = arith.constant 0 : i32
      %dma_start3A_260 = tpu.memref_slice %arg22[%add3A_33, %run_scoped3A_234, %dma_start3A_259] : memref<32x4x112xf32, #tpu.memory_space<hbm>> -> memref<1x1x112xf32, #tpu.memory_space<hbm>>
      %dma_start3A_261 = tpu.memref_squeeze %dma_start3A_260 : memref<1x1x112xf32, #tpu.memory_space<hbm>> -> memref<112xf32, #tpu.memory_space<hbm>>
      %dma_start3A_262 = arith.constant 0 : i32
      %dma_start3A_263 = tpu.memref_slice %arg22[%add3A_33, %run_scoped3A_234, %dma_start3A_262] : memref<32x4x112xf32, #tpu.memory_space<hbm>> -> memref<1x1x112xf32, #tpu.memory_space<hbm>>
      %dma_start3A_264 = tpu.memref_squeeze %dma_start3A_263 : memref<1x1x112xf32, #tpu.memory_space<hbm>> -> memref<112xf32, #tpu.memory_space<hbm>>
      %dma_start3A_265 = arith.constant 0 : i32
      %dma_start3A_266 = tpu.memref_slice %arg39[%run_scoped3A_233, %dma_start3A_265] : memref<14x112xf32, #tpu.memory_space<vmem>> -> memref<1x112xf32, #tpu.memory_space<vmem>>
      %dma_start3A_267 = tpu.memref_squeeze %dma_start3A_266 : memref<1x112xf32, #tpu.memory_space<vmem>> -> memref<112xf32, #tpu.memory_space<vmem>>
      tpu.enqueue_dma source(%dma_start3A_267 : memref<112xf32, #tpu.memory_space<vmem>>) target(%dma_start3A_264 : memref<112xf32, #tpu.memory_space<hbm>>) target_semaphore(%run_scoped3A_255 : memref<!tpu.dma_semaphore, #tpu.memory_space<semaphore_mem>>)
      %dma_wait3A_268 = arith.constant 0 : i32
      %dma_wait3A_269 = tpu.memref_slice %arg39[%run_scoped3A_233, %dma_wait3A_268] : memref<14x112xf32, #tpu.memory_space<vmem>> -> memref<1x112xf32, #tpu.memory_space<vmem>>
      %dma_wait3A_270 = tpu.memref_squeeze %dma_wait3A_269 : memref<1x112xf32, #tpu.memory_space<vmem>> -> memref<112xf32, #tpu.memory_space<vmem>>
      %dma_wait3A_271 = arith.constant 0 : i32
      %dma_wait3A_272 = tpu.memref_slice %arg22[%add3A_33, %run_scoped3A_234, %dma_wait3A_271] : memref<32x4x112xf32, #tpu.memory_space<hbm>> -> memref<1x1x112xf32, #tpu.memory_space<hbm>>
      %dma_wait3A_273 = tpu.memref_squeeze %dma_wait3A_272 : memref<1x1x112xf32, #tpu.memory_space<hbm>> -> memref<112xf32, #tpu.memory_space<hbm>>
      %dma_wait3A_274 = arith.constant 0 : i32
      %dma_wait3A_275 = tpu.memref_slice %arg22[%add3A_33, %run_scoped3A_234, %dma_wait3A_274] : memref<32x4x112xf32, #tpu.memory_space<hbm>> -> memref<1x1x112xf32, #tpu.memory_space<hbm>>
      %dma_wait3A_276 = tpu.memref_squeeze %dma_wait3A_275 : memref<1x1x112xf32, #tpu.memory_space<hbm>> -> memref<112xf32, #tpu.memory_space<hbm>>
      %dma_wait3A_277 = arith.constant 0 : i32
      %dma_wait3A_278 = tpu.memref_slice %arg39[%run_scoped3A_233, %dma_wait3A_277] : memref<14x112xf32, #tpu.memory_space<vmem>> -> memref<1x112xf32, #tpu.memory_space<vmem>>
      %dma_wait3A_279 = tpu.memref_squeeze %dma_wait3A_278 : memref<1x112xf32, #tpu.memory_space<vmem>> -> memref<112xf32, #tpu.memory_space<vmem>>
      tpu.wait_dma2 semaphore(%run_scoped3A_255 : memref<!tpu.dma_semaphore, #tpu.memory_space<semaphore_mem>>) src(%dma_wait3A_279 : memref<112xf32, #tpu.memory_space<vmem>>) dst(%dma_wait3A_276 : memref<112xf32, #tpu.memory_space<hbm>>)
      tpu.yield
    }) : () -> ()
    %run_scoped3A_235 = arith.constant 4 : i32
    %run_scoped3A_236 = arith.constant 2 : i32
    "tpu.region"() ({
      %run_scoped3A_255 = tpu.sem_alloc : memref<!tpu.dma_semaphore, #tpu.memory_space<semaphore_mem>>
      %dma_start3A_256 = arith.constant 0 : i32
      %dma_start3A_257 = tpu.memref_slice %arg39[%run_scoped3A_235, %dma_start3A_256] : memref<14x112xf32, #tpu.memory_space<vmem>> -> memref<1x112xf32, #tpu.memory_space<vmem>>
      %dma_start3A_258 = tpu.memref_squeeze %dma_start3A_257 : memref<1x112xf32, #tpu.memory_space<vmem>> -> memref<112xf32, #tpu.memory_space<vmem>>
      %dma_start3A_259 = arith.constant 0 : i32
      %dma_start3A_260 = tpu.memref_slice %arg22[%add3A_33, %run_scoped3A_236, %dma_start3A_259] : memref<32x4x112xf32, #tpu.memory_space<hbm>> -> memref<1x1x112xf32, #tpu.memory_space<hbm>>
      %dma_start3A_261 = tpu.memref_squeeze %dma_start3A_260 : memref<1x1x112xf32, #tpu.memory_space<hbm>> -> memref<112xf32, #tpu.memory_space<hbm>>
      %dma_start3A_262 = arith.constant 0 : i32
      %dma_start3A_263 = tpu.memref_slice %arg22[%add3A_33, %run_scoped3A_236, %dma_start3A_262] : memref<32x4x112xf32, #tpu.memory_space<hbm>> -> memref<1x1x112xf32, #tpu.memory_space<hbm>>
      %dma_start3A_264 = tpu.memref_squeeze %dma_start3A_263 : memref<1x1x112xf32, #tpu.memory_space<hbm>> -> memref<112xf32, #tpu.memory_space<hbm>>
      %dma_start3A_265 = arith.constant 0 : i32
      %dma_start3A_266 = tpu.memref_slice %arg39[%run_scoped3A_235, %dma_start3A_265] : memref<14x112xf32, #tpu.memory_space<vmem>> -> memref<1x112xf32, #tpu.memory_space<vmem>>
      %dma_start3A_267 = tpu.memref_squeeze %dma_start3A_266 : memref<1x112xf32, #tpu.memory_space<vmem>> -> memref<112xf32, #tpu.memory_space<vmem>>
      tpu.enqueue_dma source(%dma_start3A_267 : memref<112xf32, #tpu.memory_space<vmem>>) target(%dma_start3A_264 : memref<112xf32, #tpu.memory_space<hbm>>) target_semaphore(%run_scoped3A_255 : memref<!tpu.dma_semaphore, #tpu.memory_space<semaphore_mem>>)
      %dma_wait3A_268 = arith.constant 0 : i32
      %dma_wait3A_269 = tpu.memref_slice %arg39[%run_scoped3A_235, %dma_wait3A_268] : memref<14x112xf32, #tpu.memory_space<vmem>> -> memref<1x112xf32, #tpu.memory_space<vmem>>
      %dma_wait3A_270 = tpu.memref_squeeze %dma_wait3A_269 : memref<1x112xf32, #tpu.memory_space<vmem>> -> memref<112xf32, #tpu.memory_space<vmem>>
      %dma_wait3A_271 = arith.constant 0 : i32
      %dma_wait3A_272 = tpu.memref_slice %arg22[%add3A_33, %run_scoped3A_236, %dma_wait3A_271] : memref<32x4x112xf32, #tpu.memory_space<hbm>> -> memref<1x1x112xf32, #tpu.memory_space<hbm>>
      %dma_wait3A_273 = tpu.memref_squeeze %dma_wait3A_272 : memref<1x1x112xf32, #tpu.memory_space<hbm>> -> memref<112xf32, #tpu.memory_space<hbm>>
      %dma_wait3A_274 = arith.constant 0 : i32
      %dma_wait3A_275 = tpu.memref_slice %arg22[%add3A_33, %run_scoped3A_236, %dma_wait3A_274] : memref<32x4x112xf32, #tpu.memory_space<hbm>> -> memref<1x1x112xf32, #tpu.memory_space<hbm>>
      %dma_wait3A_276 = tpu.memref_squeeze %dma_wait3A_275 : memref<1x1x112xf32, #tpu.memory_space<hbm>> -> memref<112xf32, #tpu.memory_space<hbm>>
      %dma_wait3A_277 = arith.constant 0 : i32
      %dma_wait3A_278 = tpu.memref_slice %arg39[%run_scoped3A_235, %dma_wait3A_277] : memref<14x112xf32, #tpu.memory_space<vmem>> -> memref<1x112xf32, #tpu.memory_space<vmem>>
      %dma_wait3A_279 = tpu.memref_squeeze %dma_wait3A_278 : memref<1x112xf32, #tpu.memory_space<vmem>> -> memref<112xf32, #tpu.memory_space<vmem>>
      tpu.wait_dma2 semaphore(%run_scoped3A_255 : memref<!tpu.dma_semaphore, #tpu.memory_space<semaphore_mem>>) src(%dma_wait3A_279 : memref<112xf32, #tpu.memory_space<vmem>>) dst(%dma_wait3A_276 : memref<112xf32, #tpu.memory_space<hbm>>)
      tpu.yield
    }) : () -> ()
    %run_scoped3A_237 = arith.constant 5 : i32
    %run_scoped3A_238 = arith.constant 3 : i32
    "tpu.region"() ({
      %run_scoped3A_255 = tpu.sem_alloc : memref<!tpu.dma_semaphore, #tpu.memory_space<semaphore_mem>>
      %dma_start3A_256 = arith.constant 0 : i32
      %dma_start3A_257 = tpu.memref_slice %arg39[%run_scoped3A_237, %dma_start3A_256] : memref<14x112xf32, #tpu.memory_space<vmem>> -> memref<1x112xf32, #tpu.memory_space<vmem>>
      %dma_start3A_258 = tpu.memref_squeeze %dma_start3A_257 : memref<1x112xf32, #tpu.memory_space<vmem>> -> memref<112xf32, #tpu.memory_space<vmem>>
      %dma_start3A_259 = arith.constant 0 : i32
      %dma_start3A_260 = tpu.memref_slice %arg22[%add3A_33, %run_scoped3A_238, %dma_start3A_259] : memref<32x4x112xf32, #tpu.memory_space<hbm>> -> memref<1x1x112xf32, #tpu.memory_space<hbm>>
      %dma_start3A_261 = tpu.memref_squeeze %dma_start3A_260 : memref<1x1x112xf32, #tpu.memory_space<hbm>> -> memref<112xf32, #tpu.memory_space<hbm>>
      %dma_start3A_262 = arith.constant 0 : i32
      %dma_start3A_263 = tpu.memref_slice %arg22[%add3A_33, %run_scoped3A_238, %dma_start3A_262] : memref<32x4x112xf32, #tpu.memory_space<hbm>> -> memref<1x1x112xf32, #tpu.memory_space<hbm>>
      %dma_start3A_264 = tpu.memref_squeeze %dma_start3A_263 : memref<1x1x112xf32, #tpu.memory_space<hbm>> -> memref<112xf32, #tpu.memory_space<hbm>>
      %dma_start3A_265 = arith.constant 0 : i32
      %dma_start3A_266 = tpu.memref_slice %arg39[%run_scoped3A_237, %dma_start3A_265] : memref<14x112xf32, #tpu.memory_space<vmem>> -> memref<1x112xf32, #tpu.memory_space<vmem>>
      %dma_start3A_267 = tpu.memref_squeeze %dma_start3A_266 : memref<1x112xf32, #tpu.memory_space<vmem>> -> memref<112xf32, #tpu.memory_space<vmem>>
      tpu.enqueue_dma source(%dma_start3A_267 : memref<112xf32, #tpu.memory_space<vmem>>) target(%dma_start3A_264 : memref<112xf32, #tpu.memory_space<hbm>>) target_semaphore(%run_scoped3A_255 : memref<!tpu.dma_semaphore, #tpu.memory_space<semaphore_mem>>)
      %dma_wait3A_268 = arith.constant 0 : i32
      %dma_wait3A_269 = tpu.memref_slice %arg39[%run_scoped3A_237, %dma_wait3A_268] : memref<14x112xf32, #tpu.memory_space<vmem>> -> memref<1x112xf32, #tpu.memory_space<vmem>>
      %dma_wait3A_270 = tpu.memref_squeeze %dma_wait3A_269 : memref<1x112xf32, #tpu.memory_space<vmem>> -> memref<112xf32, #tpu.memory_space<vmem>>
      %dma_wait3A_271 = arith.constant 0 : i32
      %dma_wait3A_272 = tpu.memref_slice %arg22[%add3A_33, %run_scoped3A_238, %dma_wait3A_271] : memref<32x4x112xf32, #tpu.memory_space<hbm>> -> memref<1x1x112xf32, #tpu.memory_space<hbm>>
      %dma_wait3A_273 = tpu.memref_squeeze %dma_wait3A_272 : memref<1x1x112xf32, #tpu.memory_space<hbm>> -> memref<112xf32, #tpu.memory_space<hbm>>
      %dma_wait3A_274 = arith.constant 0 : i32
      %dma_wait3A_275 = tpu.memref_slice %arg22[%add3A_33, %run_scoped3A_238, %dma_wait3A_274] : memref<32x4x112xf32, #tpu.memory_space<hbm>> -> memref<1x1x112xf32, #tpu.memory_space<hbm>>
      %dma_wait3A_276 = tpu.memref_squeeze %dma_wait3A_275 : memref<1x1x112xf32, #tpu.memory_space<hbm>> -> memref<112xf32, #tpu.memory_space<hbm>>
      %dma_wait3A_277 = arith.constant 0 : i32
      %dma_wait3A_278 = tpu.memref_slice %arg39[%run_scoped3A_237, %dma_wait3A_277] : memref<14x112xf32, #tpu.memory_space<vmem>> -> memref<1x112xf32, #tpu.memory_space<vmem>>
      %dma_wait3A_279 = tpu.memref_squeeze %dma_wait3A_278 : memref<1x112xf32, #tpu.memory_space<vmem>> -> memref<112xf32, #tpu.memory_space<vmem>>
      tpu.wait_dma2 semaphore(%run_scoped3A_255 : memref<!tpu.dma_semaphore, #tpu.memory_space<semaphore_mem>>) src(%dma_wait3A_279 : memref<112xf32, #tpu.memory_space<vmem>>) dst(%dma_wait3A_276 : memref<112xf32, #tpu.memory_space<hbm>>)
      tpu.yield
    }) : () -> ()
    %run_scoped3A_239 = arith.constant 6 : i32
    %run_scoped3A_240 = arith.constant 0 : i32
    "tpu.region"() ({
      %run_scoped3A_255 = tpu.sem_alloc : memref<!tpu.dma_semaphore, #tpu.memory_space<semaphore_mem>>
      %dma_start3A_256 = arith.constant 0 : i32
      %dma_start3A_257 = tpu.memref_slice %arg39[%run_scoped3A_239, %dma_start3A_256] : memref<14x112xf32, #tpu.memory_space<vmem>> -> memref<1x112xf32, #tpu.memory_space<vmem>>
      %dma_start3A_258 = tpu.memref_squeeze %dma_start3A_257 : memref<1x112xf32, #tpu.memory_space<vmem>> -> memref<112xf32, #tpu.memory_space<vmem>>
      %dma_start3A_259 = arith.constant 0 : i32
      %dma_start3A_260 = tpu.memref_slice %arg23[%add3A_33, %run_scoped3A_240, %dma_start3A_259] : memref<32x8x112xf32, #tpu.memory_space<hbm>> -> memref<1x1x112xf32, #tpu.memory_space<hbm>>
      %dma_start3A_261 = tpu.memref_squeeze %dma_start3A_260 : memref<1x1x112xf32, #tpu.memory_space<hbm>> -> memref<112xf32, #tpu.memory_space<hbm>>
      %dma_start3A_262 = arith.constant 0 : i32
      %dma_start3A_263 = tpu.memref_slice %arg23[%add3A_33, %run_scoped3A_240, %dma_start3A_262] : memref<32x8x112xf32, #tpu.memory_space<hbm>> -> memref<1x1x112xf32, #tpu.memory_space<hbm>>
      %dma_start3A_264 = tpu.memref_squeeze %dma_start3A_263 : memref<1x1x112xf32, #tpu.memory_space<hbm>> -> memref<112xf32, #tpu.memory_space<hbm>>
      %dma_start3A_265 = arith.constant 0 : i32
      %dma_start3A_266 = tpu.memref_slice %arg39[%run_scoped3A_239, %dma_start3A_265] : memref<14x112xf32, #tpu.memory_space<vmem>> -> memref<1x112xf32, #tpu.memory_space<vmem>>
      %dma_start3A_267 = tpu.memref_squeeze %dma_start3A_266 : memref<1x112xf32, #tpu.memory_space<vmem>> -> memref<112xf32, #tpu.memory_space<vmem>>
      tpu.enqueue_dma source(%dma_start3A_267 : memref<112xf32, #tpu.memory_space<vmem>>) target(%dma_start3A_264 : memref<112xf32, #tpu.memory_space<hbm>>) target_semaphore(%run_scoped3A_255 : memref<!tpu.dma_semaphore, #tpu.memory_space<semaphore_mem>>)
      %dma_wait3A_268 = arith.constant 0 : i32
      %dma_wait3A_269 = tpu.memref_slice %arg39[%run_scoped3A_239, %dma_wait3A_268] : memref<14x112xf32, #tpu.memory_space<vmem>> -> memref<1x112xf32, #tpu.memory_space<vmem>>
      %dma_wait3A_270 = tpu.memref_squeeze %dma_wait3A_269 : memref<1x112xf32, #tpu.memory_space<vmem>> -> memref<112xf32, #tpu.memory_space<vmem>>
      %dma_wait3A_271 = arith.constant 0 : i32
      %dma_wait3A_272 = tpu.memref_slice %arg23[%add3A_33, %run_scoped3A_240, %dma_wait3A_271] : memref<32x8x112xf32, #tpu.memory_space<hbm>> -> memref<1x1x112xf32, #tpu.memory_space<hbm>>
      %dma_wait3A_273 = tpu.memref_squeeze %dma_wait3A_272 : memref<1x1x112xf32, #tpu.memory_space<hbm>> -> memref<112xf32, #tpu.memory_space<hbm>>
      %dma_wait3A_274 = arith.constant 0 : i32
      %dma_wait3A_275 = tpu.memref_slice %arg23[%add3A_33, %run_scoped3A_240, %dma_wait3A_274] : memref<32x8x112xf32, #tpu.memory_space<hbm>> -> memref<1x1x112xf32, #tpu.memory_space<hbm>>
      %dma_wait3A_276 = tpu.memref_squeeze %dma_wait3A_275 : memref<1x1x112xf32, #tpu.memory_space<hbm>> -> memref<112xf32, #tpu.memory_space<hbm>>
      %dma_wait3A_277 = arith.constant 0 : i32
      %dma_wait3A_278 = tpu.memref_slice %arg39[%run_scoped3A_239, %dma_wait3A_277] : memref<14x112xf32, #tpu.memory_space<vmem>> -> memref<1x112xf32, #tpu.memory_space<vmem>>
      %dma_wait3A_279 = tpu.memref_squeeze %dma_wait3A_278 : memref<1x112xf32, #tpu.memory_space<vmem>> -> memref<112xf32, #tpu.memory_space<vmem>>
      tpu.wait_dma2 semaphore(%run_scoped3A_255 : memref<!tpu.dma_semaphore, #tpu.memory_space<semaphore_mem>>) src(%dma_wait3A_279 : memref<112xf32, #tpu.memory_space<vmem>>) dst(%dma_wait3A_276 : memref<112xf32, #tpu.memory_space<hbm>>)
      tpu.yield
    }) : () -> ()
    %run_scoped3A_241 = arith.constant 7 : i32
    %run_scoped3A_242 = arith.constant 1 : i32
    "tpu.region"() ({
      %run_scoped3A_255 = tpu.sem_alloc : memref<!tpu.dma_semaphore, #tpu.memory_space<semaphore_mem>>
      %dma_start3A_256 = arith.constant 0 : i32
      %dma_start3A_257 = tpu.memref_slice %arg39[%run_scoped3A_241, %dma_start3A_256] : memref<14x112xf32, #tpu.memory_space<vmem>> -> memref<1x112xf32, #tpu.memory_space<vmem>>
      %dma_start3A_258 = tpu.memref_squeeze %dma_start3A_257 : memref<1x112xf32, #tpu.memory_space<vmem>> -> memref<112xf32, #tpu.memory_space<vmem>>
      %dma_start3A_259 = arith.constant 0 : i32
      %dma_start3A_260 = tpu.memref_slice %arg23[%add3A_33, %run_scoped3A_242, %dma_start3A_259] : memref<32x8x112xf32, #tpu.memory_space<hbm>> -> memref<1x1x112xf32, #tpu.memory_space<hbm>>
      %dma_start3A_261 = tpu.memref_squeeze %dma_start3A_260 : memref<1x1x112xf32, #tpu.memory_space<hbm>> -> memref<112xf32, #tpu.memory_space<hbm>>
      %dma_start3A_262 = arith.constant 0 : i32
      %dma_start3A_263 = tpu.memref_slice %arg23[%add3A_33, %run_scoped3A_242, %dma_start3A_262] : memref<32x8x112xf32, #tpu.memory_space<hbm>> -> memref<1x1x112xf32, #tpu.memory_space<hbm>>
      %dma_start3A_264 = tpu.memref_squeeze %dma_start3A_263 : memref<1x1x112xf32, #tpu.memory_space<hbm>> -> memref<112xf32, #tpu.memory_space<hbm>>
      %dma_start3A_265 = arith.constant 0 : i32
      %dma_start3A_266 = tpu.memref_slice %arg39[%run_scoped3A_241, %dma_start3A_265] : memref<14x112xf32, #tpu.memory_space<vmem>> -> memref<1x112xf32, #tpu.memory_space<vmem>>
      %dma_start3A_267 = tpu.memref_squeeze %dma_start3A_266 : memref<1x112xf32, #tpu.memory_space<vmem>> -> memref<112xf32, #tpu.memory_space<vmem>>
      tpu.enqueue_dma source(%dma_start3A_267 : memref<112xf32, #tpu.memory_space<vmem>>) target(%dma_start3A_264 : memref<112xf32, #tpu.memory_space<hbm>>) target_semaphore(%run_scoped3A_255 : memref<!tpu.dma_semaphore, #tpu.memory_space<semaphore_mem>>)
      %dma_wait3A_268 = arith.constant 0 : i32
      %dma_wait3A_269 = tpu.memref_slice %arg39[%run_scoped3A_241, %dma_wait3A_268] : memref<14x112xf32, #tpu.memory_space<vmem>> -> memref<1x112xf32, #tpu.memory_space<vmem>>
      %dma_wait3A_270 = tpu.memref_squeeze %dma_wait3A_269 : memref<1x112xf32, #tpu.memory_space<vmem>> -> memref<112xf32, #tpu.memory_space<vmem>>
      %dma_wait3A_271 = arith.constant 0 : i32
      %dma_wait3A_272 = tpu.memref_slice %arg23[%add3A_33, %run_scoped3A_242, %dma_wait3A_271] : memref<32x8x112xf32, #tpu.memory_space<hbm>> -> memref<1x1x112xf32, #tpu.memory_space<hbm>>
      %dma_wait3A_273 = tpu.memref_squeeze %dma_wait3A_272 : memref<1x1x112xf32, #tpu.memory_space<hbm>> -> memref<112xf32, #tpu.memory_space<hbm>>
      %dma_wait3A_274 = arith.constant 0 : i32
      %dma_wait3A_275 = tpu.memref_slice %arg23[%add3A_33, %run_scoped3A_242, %dma_wait3A_274] : memref<32x8x112xf32, #tpu.memory_space<hbm>> -> memref<1x1x112xf32, #tpu.memory_space<hbm>>
      %dma_wait3A_276 = tpu.memref_squeeze %dma_wait3A_275 : memref<1x1x112xf32, #tpu.memory_space<hbm>> -> memref<112xf32, #tpu.memory_space<hbm>>
      %dma_wait3A_277 = arith.constant 0 : i32
      %dma_wait3A_278 = tpu.memref_slice %arg39[%run_scoped3A_241, %dma_wait3A_277] : memref<14x112xf32, #tpu.memory_space<vmem>> -> memref<1x112xf32, #tpu.memory_space<vmem>>
      %dma_wait3A_279 = tpu.memref_squeeze %dma_wait3A_278 : memref<1x112xf32, #tpu.memory_space<vmem>> -> memref<112xf32, #tpu.memory_space<vmem>>
      tpu.wait_dma2 semaphore(%run_scoped3A_255 : memref<!tpu.dma_semaphore, #tpu.memory_space<semaphore_mem>>) src(%dma_wait3A_279 : memref<112xf32, #tpu.memory_space<vmem>>) dst(%dma_wait3A_276 : memref<112xf32, #tpu.memory_space<hbm>>)
      tpu.yield
    }) : () -> ()
    %run_scoped3A_243 = arith.constant 8 : i32
    %run_scoped3A_244 = arith.constant 2 : i32
    "tpu.region"() ({
      %run_scoped3A_255 = tpu.sem_alloc : memref<!tpu.dma_semaphore, #tpu.memory_space<semaphore_mem>>
      %dma_start3A_256 = arith.constant 0 : i32
      %dma_start3A_257 = tpu.memref_slice %arg39[%run_scoped3A_243, %dma_start3A_256] : memref<14x112xf32, #tpu.memory_space<vmem>> -> memref<1x112xf32, #tpu.memory_space<vmem>>
      %dma_start3A_258 = tpu.memref_squeeze %dma_start3A_257 : memref<1x112xf32, #tpu.memory_space<vmem>> -> memref<112xf32, #tpu.memory_space<vmem>>
      %dma_start3A_259 = arith.constant 0 : i32
      %dma_start3A_260 = tpu.memref_slice %arg23[%add3A_33, %run_scoped3A_244, %dma_start3A_259] : memref<32x8x112xf32, #tpu.memory_space<hbm>> -> memref<1x1x112xf32, #tpu.memory_space<hbm>>
      %dma_start3A_261 = tpu.memref_squeeze %dma_start3A_260 : memref<1x1x112xf32, #tpu.memory_space<hbm>> -> memref<112xf32, #tpu.memory_space<hbm>>
      %dma_start3A_262 = arith.constant 0 : i32
      %dma_start3A_263 = tpu.memref_slice %arg23[%add3A_33, %run_scoped3A_244, %dma_start3A_262] : memref<32x8x112xf32, #tpu.memory_space<hbm>> -> memref<1x1x112xf32, #tpu.memory_space<hbm>>
      %dma_start3A_264 = tpu.memref_squeeze %dma_start3A_263 : memref<1x1x112xf32, #tpu.memory_space<hbm>> -> memref<112xf32, #tpu.memory_space<hbm>>
      %dma_start3A_265 = arith.constant 0 : i32
      %dma_start3A_266 = tpu.memref_slice %arg39[%run_scoped3A_243, %dma_start3A_265] : memref<14x112xf32, #tpu.memory_space<vmem>> -> memref<1x112xf32, #tpu.memory_space<vmem>>
      %dma_start3A_267 = tpu.memref_squeeze %dma_start3A_266 : memref<1x112xf32, #tpu.memory_space<vmem>> -> memref<112xf32, #tpu.memory_space<vmem>>
      tpu.enqueue_dma source(%dma_start3A_267 : memref<112xf32, #tpu.memory_space<vmem>>) target(%dma_start3A_264 : memref<112xf32, #tpu.memory_space<hbm>>) target_semaphore(%run_scoped3A_255 : memref<!tpu.dma_semaphore, #tpu.memory_space<semaphore_mem>>)
      %dma_wait3A_268 = arith.constant 0 : i32
      %dma_wait3A_269 = tpu.memref_slice %arg39[%run_scoped3A_243, %dma_wait3A_268] : memref<14x112xf32, #tpu.memory_space<vmem>> -> memref<1x112xf32, #tpu.memory_space<vmem>>
      %dma_wait3A_270 = tpu.memref_squeeze %dma_wait3A_269 : memref<1x112xf32, #tpu.memory_space<vmem>> -> memref<112xf32, #tpu.memory_space<vmem>>
      %dma_wait3A_271 = arith.constant 0 : i32
      %dma_wait3A_272 = tpu.memref_slice %arg23[%add3A_33, %run_scoped3A_244, %dma_wait3A_271] : memref<32x8x112xf32, #tpu.memory_space<hbm>> -> memref<1x1x112xf32, #tpu.memory_space<hbm>>
      %dma_wait3A_273 = tpu.memref_squeeze %dma_wait3A_272 : memref<1x1x112xf32, #tpu.memory_space<hbm>> -> memref<112xf32, #tpu.memory_space<hbm>>
      %dma_wait3A_274 = arith.constant 0 : i32
      %dma_wait3A_275 = tpu.memref_slice %arg23[%add3A_33, %run_scoped3A_244, %dma_wait3A_274] : memref<32x8x112xf32, #tpu.memory_space<hbm>> -> memref<1x1x112xf32, #tpu.memory_space<hbm>>
      %dma_wait3A_276 = tpu.memref_squeeze %dma_wait3A_275 : memref<1x1x112xf32, #tpu.memory_space<hbm>> -> memref<112xf32, #tpu.memory_space<hbm>>
      %dma_wait3A_277 = arith.constant 0 : i32
      %dma_wait3A_278 = tpu.memref_slice %arg39[%run_scoped3A_243, %dma_wait3A_277] : memref<14x112xf32, #tpu.memory_space<vmem>> -> memref<1x112xf32, #tpu.memory_space<vmem>>
      %dma_wait3A_279 = tpu.memref_squeeze %dma_wait3A_278 : memref<1x112xf32, #tpu.memory_space<vmem>> -> memref<112xf32, #tpu.memory_space<vmem>>
      tpu.wait_dma2 semaphore(%run_scoped3A_255 : memref<!tpu.dma_semaphore, #tpu.memory_space<semaphore_mem>>) src(%dma_wait3A_279 : memref<112xf32, #tpu.memory_space<vmem>>) dst(%dma_wait3A_276 : memref<112xf32, #tpu.memory_space<hbm>>)
      tpu.yield
    }) : () -> ()
    %run_scoped3A_245 = arith.constant 9 : i32
    %run_scoped3A_246 = arith.constant 3 : i32
    "tpu.region"() ({
      %run_scoped3A_255 = tpu.sem_alloc : memref<!tpu.dma_semaphore, #tpu.memory_space<semaphore_mem>>
      %dma_start3A_256 = arith.constant 0 : i32
      %dma_start3A_257 = tpu.memref_slice %arg39[%run_scoped3A_245, %dma_start3A_256] : memref<14x112xf32, #tpu.memory_space<vmem>> -> memref<1x112xf32, #tpu.memory_space<vmem>>
      %dma_start3A_258 = tpu.memref_squeeze %dma_start3A_257 : memref<1x112xf32, #tpu.memory_space<vmem>> -> memref<112xf32, #tpu.memory_space<vmem>>
      %dma_start3A_259 = arith.constant 0 : i32
      %dma_start3A_260 = tpu.memref_slice %arg23[%add3A_33, %run_scoped3A_246, %dma_start3A_259] : memref<32x8x112xf32, #tpu.memory_space<hbm>> -> memref<1x1x112xf32, #tpu.memory_space<hbm>>
      %dma_start3A_261 = tpu.memref_squeeze %dma_start3A_260 : memref<1x1x112xf32, #tpu.memory_space<hbm>> -> memref<112xf32, #tpu.memory_space<hbm>>
      %dma_start3A_262 = arith.constant 0 : i32
      %dma_start3A_263 = tpu.memref_slice %arg23[%add3A_33, %run_scoped3A_246, %dma_start3A_262] : memref<32x8x112xf32, #tpu.memory_space<hbm>> -> memref<1x1x112xf32, #tpu.memory_space<hbm>>
      %dma_start3A_264 = tpu.memref_squeeze %dma_start3A_263 : memref<1x1x112xf32, #tpu.memory_space<hbm>> -> memref<112xf32, #tpu.memory_space<hbm>>
      %dma_start3A_265 = arith.constant 0 : i32
      %dma_start3A_266 = tpu.memref_slice %arg39[%run_scoped3A_245, %dma_start3A_265] : memref<14x112xf32, #tpu.memory_space<vmem>> -> memref<1x112xf32, #tpu.memory_space<vmem>>
      %dma_start3A_267 = tpu.memref_squeeze %dma_start3A_266 : memref<1x112xf32, #tpu.memory_space<vmem>> -> memref<112xf32, #tpu.memory_space<vmem>>
      tpu.enqueue_dma source(%dma_start3A_267 : memref<112xf32, #tpu.memory_space<vmem>>) target(%dma_start3A_264 : memref<112xf32, #tpu.memory_space<hbm>>) target_semaphore(%run_scoped3A_255 : memref<!tpu.dma_semaphore, #tpu.memory_space<semaphore_mem>>)
      %dma_wait3A_268 = arith.constant 0 : i32
      %dma_wait3A_269 = tpu.memref_slice %arg39[%run_scoped3A_245, %dma_wait3A_268] : memref<14x112xf32, #tpu.memory_space<vmem>> -> memref<1x112xf32, #tpu.memory_space<vmem>>
      %dma_wait3A_270 = tpu.memref_squeeze %dma_wait3A_269 : memref<1x112xf32, #tpu.memory_space<vmem>> -> memref<112xf32, #tpu.memory_space<vmem>>
      %dma_wait3A_271 = arith.constant 0 : i32
      %dma_wait3A_272 = tpu.memref_slice %arg23[%add3A_33, %run_scoped3A_246, %dma_wait3A_271] : memref<32x8x112xf32, #tpu.memory_space<hbm>> -> memref<1x1x112xf32, #tpu.memory_space<hbm>>
      %dma_wait3A_273 = tpu.memref_squeeze %dma_wait3A_272 : memref<1x1x112xf32, #tpu.memory_space<hbm>> -> memref<112xf32, #tpu.memory_space<hbm>>
      %dma_wait3A_274 = arith.constant 0 : i32
      %dma_wait3A_275 = tpu.memref_slice %arg23[%add3A_33, %run_scoped3A_246, %dma_wait3A_274] : memref<32x8x112xf32, #tpu.memory_space<hbm>> -> memref<1x1x112xf32, #tpu.memory_space<hbm>>
      %dma_wait3A_276 = tpu.memref_squeeze %dma_wait3A_275 : memref<1x1x112xf32, #tpu.memory_space<hbm>> -> memref<112xf32, #tpu.memory_space<hbm>>
      %dma_wait3A_277 = arith.constant 0 : i32
      %dma_wait3A_278 = tpu.memref_slice %arg39[%run_scoped3A_245, %dma_wait3A_277] : memref<14x112xf32, #tpu.memory_space<vmem>> -> memref<1x112xf32, #tpu.memory_space<vmem>>
      %dma_wait3A_279 = tpu.memref_squeeze %dma_wait3A_278 : memref<1x112xf32, #tpu.memory_space<vmem>> -> memref<112xf32, #tpu.memory_space<vmem>>
      tpu.wait_dma2 semaphore(%run_scoped3A_255 : memref<!tpu.dma_semaphore, #tpu.memory_space<semaphore_mem>>) src(%dma_wait3A_279 : memref<112xf32, #tpu.memory_space<vmem>>) dst(%dma_wait3A_276 : memref<112xf32, #tpu.memory_space<hbm>>)
      tpu.yield
    }) : () -> ()
    %run_scoped3A_247 = arith.constant 10 : i32
    %run_scoped3A_248 = arith.constant 4 : i32
    "tpu.region"() ({
      %run_scoped3A_255 = tpu.sem_alloc : memref<!tpu.dma_semaphore, #tpu.memory_space<semaphore_mem>>
      %dma_start3A_256 = arith.constant 0 : i32
      %dma_start3A_257 = tpu.memref_slice %arg39[%run_scoped3A_247, %dma_start3A_256] : memref<14x112xf32, #tpu.memory_space<vmem>> -> memref<1x112xf32, #tpu.memory_space<vmem>>
      %dma_start3A_258 = tpu.memref_squeeze %dma_start3A_257 : memref<1x112xf32, #tpu.memory_space<vmem>> -> memref<112xf32, #tpu.memory_space<vmem>>
      %dma_start3A_259 = arith.constant 0 : i32
      %dma_start3A_260 = tpu.memref_slice %arg23[%add3A_33, %run_scoped3A_248, %dma_start3A_259] : memref<32x8x112xf32, #tpu.memory_space<hbm>> -> memref<1x1x112xf32, #tpu.memory_space<hbm>>
      %dma_start3A_261 = tpu.memref_squeeze %dma_start3A_260 : memref<1x1x112xf32, #tpu.memory_space<hbm>> -> memref<112xf32, #tpu.memory_space<hbm>>
      %dma_start3A_262 = arith.constant 0 : i32
      %dma_start3A_263 = tpu.memref_slice %arg23[%add3A_33, %run_scoped3A_248, %dma_start3A_262] : memref<32x8x112xf32, #tpu.memory_space<hbm>> -> memref<1x1x112xf32, #tpu.memory_space<hbm>>
      %dma_start3A_264 = tpu.memref_squeeze %dma_start3A_263 : memref<1x1x112xf32, #tpu.memory_space<hbm>> -> memref<112xf32, #tpu.memory_space<hbm>>
      %dma_start3A_265 = arith.constant 0 : i32
      %dma_start3A_266 = tpu.memref_slice %arg39[%run_scoped3A_247, %dma_start3A_265] : memref<14x112xf32, #tpu.memory_space<vmem>> -> memref<1x112xf32, #tpu.memory_space<vmem>>
      %dma_start3A_267 = tpu.memref_squeeze %dma_start3A_266 : memref<1x112xf32, #tpu.memory_space<vmem>> -> memref<112xf32, #tpu.memory_space<vmem>>
      tpu.enqueue_dma source(%dma_start3A_267 : memref<112xf32, #tpu.memory_space<vmem>>) target(%dma_start3A_264 : memref<112xf32, #tpu.memory_space<hbm>>) target_semaphore(%run_scoped3A_255 : memref<!tpu.dma_semaphore, #tpu.memory_space<semaphore_mem>>)
      %dma_wait3A_268 = arith.constant 0 : i32
      %dma_wait3A_269 = tpu.memref_slice %arg39[%run_scoped3A_247, %dma_wait3A_268] : memref<14x112xf32, #tpu.memory_space<vmem>> -> memref<1x112xf32, #tpu.memory_space<vmem>>
      %dma_wait3A_270 = tpu.memref_squeeze %dma_wait3A_269 : memref<1x112xf32, #tpu.memory_space<vmem>> -> memref<112xf32, #tpu.memory_space<vmem>>
      %dma_wait3A_271 = arith.constant 0 : i32
      %dma_wait3A_272 = tpu.memref_slice %arg23[%add3A_33, %run_scoped3A_248, %dma_wait3A_271] : memref<32x8x112xf32, #tpu.memory_space<hbm>> -> memref<1x1x112xf32, #tpu.memory_space<hbm>>
      %dma_wait3A_273 = tpu.memref_squeeze %dma_wait3A_272 : memref<1x1x112xf32, #tpu.memory_space<hbm>> -> memref<112xf32, #tpu.memory_space<hbm>>
      %dma_wait3A_274 = arith.constant 0 : i32
      %dma_wait3A_275 = tpu.memref_slice %arg23[%add3A_33, %run_scoped3A_248, %dma_wait3A_274] : memref<32x8x112xf32, #tpu.memory_space<hbm>> -> memref<1x1x112xf32, #tpu.memory_space<hbm>>
      %dma_wait3A_276 = tpu.memref_squeeze %dma_wait3A_275 : memref<1x1x112xf32, #tpu.memory_space<hbm>> -> memref<112xf32, #tpu.memory_space<hbm>>
      %dma_wait3A_277 = arith.constant 0 : i32
      %dma_wait3A_278 = tpu.memref_slice %arg39[%run_scoped3A_247, %dma_wait3A_277] : memref<14x112xf32, #tpu.memory_space<vmem>> -> memref<1x112xf32, #tpu.memory_space<vmem>>
      %dma_wait3A_279 = tpu.memref_squeeze %dma_wait3A_278 : memref<1x112xf32, #tpu.memory_space<vmem>> -> memref<112xf32, #tpu.memory_space<vmem>>
      tpu.wait_dma2 semaphore(%run_scoped3A_255 : memref<!tpu.dma_semaphore, #tpu.memory_space<semaphore_mem>>) src(%dma_wait3A_279 : memref<112xf32, #tpu.memory_space<vmem>>) dst(%dma_wait3A_276 : memref<112xf32, #tpu.memory_space<hbm>>)
      tpu.yield
    }) : () -> ()
    %run_scoped3A_249 = arith.constant 11 : i32
    %run_scoped3A_250 = arith.constant 5 : i32
    "tpu.region"() ({
      %run_scoped3A_255 = tpu.sem_alloc : memref<!tpu.dma_semaphore, #tpu.memory_space<semaphore_mem>>
      %dma_start3A_256 = arith.constant 0 : i32
      %dma_start3A_257 = tpu.memref_slice %arg39[%run_scoped3A_249, %dma_start3A_256] : memref<14x112xf32, #tpu.memory_space<vmem>> -> memref<1x112xf32, #tpu.memory_space<vmem>>
      %dma_start3A_258 = tpu.memref_squeeze %dma_start3A_257 : memref<1x112xf32, #tpu.memory_space<vmem>> -> memref<112xf32, #tpu.memory_space<vmem>>
      %dma_start3A_259 = arith.constant 0 : i32
      %dma_start3A_260 = tpu.memref_slice %arg23[%add3A_33, %run_scoped3A_250, %dma_start3A_259] : memref<32x8x112xf32, #tpu.memory_space<hbm>> -> memref<1x1x112xf32, #tpu.memory_space<hbm>>
      %dma_start3A_261 = tpu.memref_squeeze %dma_start3A_260 : memref<1x1x112xf32, #tpu.memory_space<hbm>> -> memref<112xf32, #tpu.memory_space<hbm>>
      %dma_start3A_262 = arith.constant 0 : i32
      %dma_start3A_263 = tpu.memref_slice %arg23[%add3A_33, %run_scoped3A_250, %dma_start3A_262] : memref<32x8x112xf32, #tpu.memory_space<hbm>> -> memref<1x1x112xf32, #tpu.memory_space<hbm>>
      %dma_start3A_264 = tpu.memref_squeeze %dma_start3A_263 : memref<1x1x112xf32, #tpu.memory_space<hbm>> -> memref<112xf32, #tpu.memory_space<hbm>>
      %dma_start3A_265 = arith.constant 0 : i32
      %dma_start3A_266 = tpu.memref_slice %arg39[%run_scoped3A_249, %dma_start3A_265] : memref<14x112xf32, #tpu.memory_space<vmem>> -> memref<1x112xf32, #tpu.memory_space<vmem>>
      %dma_start3A_267 = tpu.memref_squeeze %dma_start3A_266 : memref<1x112xf32, #tpu.memory_space<vmem>> -> memref<112xf32, #tpu.memory_space<vmem>>
      tpu.enqueue_dma source(%dma_start3A_267 : memref<112xf32, #tpu.memory_space<vmem>>) target(%dma_start3A_264 : memref<112xf32, #tpu.memory_space<hbm>>) target_semaphore(%run_scoped3A_255 : memref<!tpu.dma_semaphore, #tpu.memory_space<semaphore_mem>>)
      %dma_wait3A_268 = arith.constant 0 : i32
      %dma_wait3A_269 = tpu.memref_slice %arg39[%run_scoped3A_249, %dma_wait3A_268] : memref<14x112xf32, #tpu.memory_space<vmem>> -> memref<1x112xf32, #tpu.memory_space<vmem>>
      %dma_wait3A_270 = tpu.memref_squeeze %dma_wait3A_269 : memref<1x112xf32, #tpu.memory_space<vmem>> -> memref<112xf32, #tpu.memory_space<vmem>>
      %dma_wait3A_271 = arith.constant 0 : i32
      %dma_wait3A_272 = tpu.memref_slice %arg23[%add3A_33, %run_scoped3A_250, %dma_wait3A_271] : memref<32x8x112xf32, #tpu.memory_space<hbm>> -> memref<1x1x112xf32, #tpu.memory_space<hbm>>
      %dma_wait3A_273 = tpu.memref_squeeze %dma_wait3A_272 : memref<1x1x112xf32, #tpu.memory_space<hbm>> -> memref<112xf32, #tpu.memory_space<hbm>>
      %dma_wait3A_274 = arith.constant 0 : i32
      %dma_wait3A_275 = tpu.memref_slice %arg23[%add3A_33, %run_scoped3A_250, %dma_wait3A_274] : memref<32x8x112xf32, #tpu.memory_space<hbm>> -> memref<1x1x112xf32, #tpu.memory_space<hbm>>
      %dma_wait3A_276 = tpu.memref_squeeze %dma_wait3A_275 : memref<1x1x112xf32, #tpu.memory_space<hbm>> -> memref<112xf32, #tpu.memory_space<hbm>>
      %dma_wait3A_277 = arith.constant 0 : i32
      %dma_wait3A_278 = tpu.memref_slice %arg39[%run_scoped3A_249, %dma_wait3A_277] : memref<14x112xf32, #tpu.memory_space<vmem>> -> memref<1x112xf32, #tpu.memory_space<vmem>>
      %dma_wait3A_279 = tpu.memref_squeeze %dma_wait3A_278 : memref<1x112xf32, #tpu.memory_space<vmem>> -> memref<112xf32, #tpu.memory_space<vmem>>
      tpu.wait_dma2 semaphore(%run_scoped3A_255 : memref<!tpu.dma_semaphore, #tpu.memory_space<semaphore_mem>>) src(%dma_wait3A_279 : memref<112xf32, #tpu.memory_space<vmem>>) dst(%dma_wait3A_276 : memref<112xf32, #tpu.memory_space<hbm>>)
      tpu.yield
    }) : () -> ()
    %run_scoped3A_251 = arith.constant 12 : i32
    %run_scoped3A_252 = arith.constant 6 : i32
    "tpu.region"() ({
      %run_scoped3A_255 = tpu.sem_alloc : memref<!tpu.dma_semaphore, #tpu.memory_space<semaphore_mem>>
      %dma_start3A_256 = arith.constant 0 : i32
      %dma_start3A_257 = tpu.memref_slice %arg39[%run_scoped3A_251, %dma_start3A_256] : memref<14x112xf32, #tpu.memory_space<vmem>> -> memref<1x112xf32, #tpu.memory_space<vmem>>
      %dma_start3A_258 = tpu.memref_squeeze %dma_start3A_257 : memref<1x112xf32, #tpu.memory_space<vmem>> -> memref<112xf32, #tpu.memory_space<vmem>>
      %dma_start3A_259 = arith.constant 0 : i32
      %dma_start3A_260 = tpu.memref_slice %arg23[%add3A_33, %run_scoped3A_252, %dma_start3A_259] : memref<32x8x112xf32, #tpu.memory_space<hbm>> -> memref<1x1x112xf32, #tpu.memory_space<hbm>>
      %dma_start3A_261 = tpu.memref_squeeze %dma_start3A_260 : memref<1x1x112xf32, #tpu.memory_space<hbm>> -> memref<112xf32, #tpu.memory_space<hbm>>
      %dma_start3A_262 = arith.constant 0 : i32
      %dma_start3A_263 = tpu.memref_slice %arg23[%add3A_33, %run_scoped3A_252, %dma_start3A_262] : memref<32x8x112xf32, #tpu.memory_space<hbm>> -> memref<1x1x112xf32, #tpu.memory_space<hbm>>
      %dma_start3A_264 = tpu.memref_squeeze %dma_start3A_263 : memref<1x1x112xf32, #tpu.memory_space<hbm>> -> memref<112xf32, #tpu.memory_space<hbm>>
      %dma_start3A_265 = arith.constant 0 : i32
      %dma_start3A_266 = tpu.memref_slice %arg39[%run_scoped3A_251, %dma_start3A_265] : memref<14x112xf32, #tpu.memory_space<vmem>> -> memref<1x112xf32, #tpu.memory_space<vmem>>
      %dma_start3A_267 = tpu.memref_squeeze %dma_start3A_266 : memref<1x112xf32, #tpu.memory_space<vmem>> -> memref<112xf32, #tpu.memory_space<vmem>>
      tpu.enqueue_dma source(%dma_start3A_267 : memref<112xf32, #tpu.memory_space<vmem>>) target(%dma_start3A_264 : memref<112xf32, #tpu.memory_space<hbm>>) target_semaphore(%run_scoped3A_255 : memref<!tpu.dma_semaphore, #tpu.memory_space<semaphore_mem>>)
      %dma_wait3A_268 = arith.constant 0 : i32
      %dma_wait3A_269 = tpu.memref_slice %arg39[%run_scoped3A_251, %dma_wait3A_268] : memref<14x112xf32, #tpu.memory_space<vmem>> -> memref<1x112xf32, #tpu.memory_space<vmem>>
      %dma_wait3A_270 = tpu.memref_squeeze %dma_wait3A_269 : memref<1x112xf32, #tpu.memory_space<vmem>> -> memref<112xf32, #tpu.memory_space<vmem>>
      %dma_wait3A_271 = arith.constant 0 : i32
      %dma_wait3A_272 = tpu.memref_slice %arg23[%add3A_33, %run_scoped3A_252, %dma_wait3A_271] : memref<32x8x112xf32, #tpu.memory_space<hbm>> -> memref<1x1x112xf32, #tpu.memory_space<hbm>>
      %dma_wait3A_273 = tpu.memref_squeeze %dma_wait3A_272 : memref<1x1x112xf32, #tpu.memory_space<hbm>> -> memref<112xf32, #tpu.memory_space<hbm>>
      %dma_wait3A_274 = arith.constant 0 : i32
      %dma_wait3A_275 = tpu.memref_slice %arg23[%add3A_33, %run_scoped3A_252, %dma_wait3A_274] : memref<32x8x112xf32, #tpu.memory_space<hbm>> -> memref<1x1x112xf32, #tpu.memory_space<hbm>>
      %dma_wait3A_276 = tpu.memref_squeeze %dma_wait3A_275 : memref<1x1x112xf32, #tpu.memory_space<hbm>> -> memref<112xf32, #tpu.memory_space<hbm>>
      %dma_wait3A_277 = arith.constant 0 : i32
      %dma_wait3A_278 = tpu.memref_slice %arg39[%run_scoped3A_251, %dma_wait3A_277] : memref<14x112xf32, #tpu.memory_space<vmem>> -> memref<1x112xf32, #tpu.memory_space<vmem>>
      %dma_wait3A_279 = tpu.memref_squeeze %dma_wait3A_278 : memref<1x112xf32, #tpu.memory_space<vmem>> -> memref<112xf32, #tpu.memory_space<vmem>>
      tpu.wait_dma2 semaphore(%run_scoped3A_255 : memref<!tpu.dma_semaphore, #tpu.memory_space<semaphore_mem>>) src(%dma_wait3A_279 : memref<112xf32, #tpu.memory_space<vmem>>) dst(%dma_wait3A_276 : memref<112xf32, #tpu.memory_space<hbm>>)
      tpu.yield
    }) : () -> ()
    %run_scoped3A_253 = arith.constant 13 : i32
    %run_scoped3A_254 = arith.constant 7 : i32
    "tpu.region"() ({
      %run_scoped3A_255 = tpu.sem_alloc : memref<!tpu.dma_semaphore, #tpu.memory_space<semaphore_mem>>
      %dma_start3A_256 = arith.constant 0 : i32
      %dma_start3A_257 = tpu.memref_slice %arg39[%run_scoped3A_253, %dma_start3A_256] : memref<14x112xf32, #tpu.memory_space<vmem>> -> memref<1x112xf32, #tpu.memory_space<vmem>>
      %dma_start3A_258 = tpu.memref_squeeze %dma_start3A_257 : memref<1x112xf32, #tpu.memory_space<vmem>> -> memref<112xf32, #tpu.memory_space<vmem>>
      %dma_start3A_259 = arith.constant 0 : i32
      %dma_start3A_260 = tpu.memref_slice %arg23[%add3A_33, %run_scoped3A_254, %dma_start3A_259] : memref<32x8x112xf32, #tpu.memory_space<hbm>> -> memref<1x1x112xf32, #tpu.memory_space<hbm>>
      %dma_start3A_261 = tpu.memref_squeeze %dma_start3A_260 : memref<1x1x112xf32, #tpu.memory_space<hbm>> -> memref<112xf32, #tpu.memory_space<hbm>>
      %dma_start3A_262 = arith.constant 0 : i32
      %dma_start3A_263 = tpu.memref_slice %arg23[%add3A_33, %run_scoped3A_254, %dma_start3A_262] : memref<32x8x112xf32, #tpu.memory_space<hbm>> -> memref<1x1x112xf32, #tpu.memory_space<hbm>>
      %dma_start3A_264 = tpu.memref_squeeze %dma_start3A_263 : memref<1x1x112xf32, #tpu.memory_space<hbm>> -> memref<112xf32, #tpu.memory_space<hbm>>
      %dma_start3A_265 = arith.constant 0 : i32
      %dma_start3A_266 = tpu.memref_slice %arg39[%run_scoped3A_253, %dma_start3A_265] : memref<14x112xf32, #tpu.memory_space<vmem>> -> memref<1x112xf32, #tpu.memory_space<vmem>>
      %dma_start3A_267 = tpu.memref_squeeze %dma_start3A_266 : memref<1x112xf32, #tpu.memory_space<vmem>> -> memref<112xf32, #tpu.memory_space<vmem>>
      tpu.enqueue_dma source(%dma_start3A_267 : memref<112xf32, #tpu.memory_space<vmem>>) target(%dma_start3A_264 : memref<112xf32, #tpu.memory_space<hbm>>) target_semaphore(%run_scoped3A_255 : memref<!tpu.dma_semaphore, #tpu.memory_space<semaphore_mem>>)
      %dma_wait3A_268 = arith.constant 0 : i32
      %dma_wait3A_269 = tpu.memref_slice %arg39[%run_scoped3A_253, %dma_wait3A_268] : memref<14x112xf32, #tpu.memory_space<vmem>> -> memref<1x112xf32, #tpu.memory_space<vmem>>
      %dma_wait3A_270 = tpu.memref_squeeze %dma_wait3A_269 : memref<1x112xf32, #tpu.memory_space<vmem>> -> memref<112xf32, #tpu.memory_space<vmem>>
      %dma_wait3A_271 = arith.constant 0 : i32
      %dma_wait3A_272 = tpu.memref_slice %arg23[%add3A_33, %run_scoped3A_254, %dma_wait3A_271] : memref<32x8x112xf32, #tpu.memory_space<hbm>> -> memref<1x1x112xf32, #tpu.memory_space<hbm>>
      %dma_wait3A_273 = tpu.memref_squeeze %dma_wait3A_272 : memref<1x1x112xf32, #tpu.memory_space<hbm>> -> memref<112xf32, #tpu.memory_space<hbm>>
      %dma_wait3A_274 = arith.constant 0 : i32
      %dma_wait3A_275 = tpu.memref_slice %arg23[%add3A_33, %run_scoped3A_254, %dma_wait3A_274] : memref<32x8x112xf32, #tpu.memory_space<hbm>> -> memref<1x1x112xf32, #tpu.memory_space<hbm>>
      %dma_wait3A_276 = tpu.memref_squeeze %dma_wait3A_275 : memref<1x1x112xf32, #tpu.memory_space<hbm>> -> memref<112xf32, #tpu.memory_space<hbm>>
      %dma_wait3A_277 = arith.constant 0 : i32
      %dma_wait3A_278 = tpu.memref_slice %arg39[%run_scoped3A_253, %dma_wait3A_277] : memref<14x112xf32, #tpu.memory_space<vmem>> -> memref<1x112xf32, #tpu.memory_space<vmem>>
      %dma_wait3A_279 = tpu.memref_squeeze %dma_wait3A_278 : memref<1x112xf32, #tpu.memory_space<vmem>> -> memref<112xf32, #tpu.memory_space<vmem>>
      tpu.wait_dma2 semaphore(%run_scoped3A_255 : memref<!tpu.dma_semaphore, #tpu.memory_space<semaphore_mem>>) src(%dma_wait3A_279 : memref<112xf32, #tpu.memory_space<vmem>>) dst(%dma_wait3A_276 : memref<112xf32, #tpu.memory_space<hbm>>)
      tpu.yield
    }) : () -> ()
    return
  }
}

module attributes {stable_mosaic.version = 14 : i64} {
  func.func @_tc_body(%arg0: i32, %arg1: memref<1x1x5000xf32, #tpu.memory_space<vmem>>, %arg2: memref<1x1x5000xf32, #tpu.memory_space<vmem>>, %arg3: memref<1x1x40000xf32, #tpu.memory_space<vmem>>, %arg4: memref<1x1x20000xf32, #tpu.memory_space<vmem>>, %arg5: memref<1x2x112xf32, #tpu.memory_space<vmem>>, %arg6: memref<1x2x112xi32, #tpu.memory_space<vmem>>, %arg7: memref<1x112x2xf32, #tpu.memory_space<vmem>>, %arg8: memref<1x112x2xi32, #tpu.memory_space<vmem>>, %arg9: memref<1x112x2xf32, #tpu.memory_space<vmem>>, %arg10: memref<1x2x4x112xf32, #tpu.memory_space<vmem>>, %arg11: memref<1x2x8x112xf32, #tpu.memory_space<vmem>>, %arg12: memref<1x2x112xf32, #tpu.memory_space<vmem>>, %arg13: memref<1x4x112xf32, #tpu.memory_space<vmem>>, %arg14: memref<1x1x112xf32, #tpu.memory_space<vmem>>, %arg15: memref<1x1x112xf32, #tpu.memory_space<vmem>>, %arg16: memref<8x128xf32, #tpu.memory_space<vmem>>, %arg17: memref<8xf32, #tpu.memory_space<smem>>) attributes {dimension_semantics = [#tpu.dimension_semantics<arbitrary>], iteration_bounds = array<i64: 16>, scalar_prefetch = 0 : i64, scratch_operands = 1 : i64, tpu.core_type = #tpu.core_type<tc>, window_params = [{transform_indices = @transform_0, window_bounds = array<i64: 1, 1, 5000>}, {transform_indices = @transform_1, window_bounds = array<i64: 1, 1, 5000>}, {transform_indices = @transform_2, window_bounds = array<i64: 1, 1, 40000>}, {transform_indices = @transform_3, window_bounds = array<i64: 1, 1, 20000>}, {transform_indices = @transform_4, window_bounds = array<i64: 1, 2, 112>}, {transform_indices = @transform_5, window_bounds = array<i64: 1, 2, 112>}, {transform_indices = @transform_6, window_bounds = array<i64: 1, 112, 2>}, {transform_indices = @transform_7, window_bounds = array<i64: 1, 112, 2>}, {transform_indices = @transform_8, window_bounds = array<i64: 1, 112, 2>}, {transform_indices = @transform_9, window_bounds = array<i64: 1, 2, 4, 112>}, {transform_indices = @transform_10, window_bounds = array<i64: 1, 2, 8, 112>}, {transform_indices = @transform_11, window_bounds = array<i64: 1, 2, 112>}, {transform_indices = @transform_12, window_bounds = array<i64: 1, 4, 112>}, {transform_indices = @transform_13, window_bounds = array<i64: 1, 1, 112>}, {transform_indices = @transform_14, window_bounds = array<i64: 1, 1, 112>}, {pipeline_mode = #tpu.pipeline_mode<synchronous>, transform_indices = @transform_15, window_bounds = array<i64: 8, 128>}]} {
    %eq3A = arith.constant 0 : i32
    %eq3A_0 = arith.cmpi eq, %arg0, %eq3A : i32
    %convert_element_type3A = arith.extui %eq3A_0 : i1 to i32
    %cond3A = arith.constant 0 : i32
    %cond3A_1 = arith.cmpi ne, %convert_element_type3A, %cond3A : i32
    scf.if %cond3A_1 {
      %broadcast_in_dim3A = arith.constant 0.000000e+00 : f32
      %broadcast_in_dim3A_54 = vector.broadcast %broadcast_in_dim3A : f32 to vector<8x128xf32>
      %swap3A = arith.constant 0 : index
      %swap3A_55 = arith.constant 0 : index
      %swap3A_56 = vector.load %arg16[%swap3A, %swap3A_55] : memref<8x128xf32, #tpu.memory_space<vmem>>, vector<8x128xf32>
      tpu.vector_store %arg16[%swap3A, %swap3A_55], %broadcast_in_dim3A_54 {strides = array<i32>} : memref<8x128xf32, #tpu.memory_space<vmem>>, vector<8x128xf32>,
      %swap3A_57 = arith.constant 0.000000e+00 : f32
      %swap3A_58 = arith.constant 0 : index
      %swap3A_59 = memref.load %arg17[%swap3A_58] : memref<8xf32, #tpu.memory_space<smem>>
      memref.store %swap3A_57, %arg17[%swap3A_58] : memref<8xf32, #tpu.memory_space<smem>>
      %swap3A_60 = arith.constant 0.000000e+00 : f32
      %swap3A_61 = arith.constant 1 : index
      %swap3A_62 = memref.load %arg17[%swap3A_61] : memref<8xf32, #tpu.memory_space<smem>>
      memref.store %swap3A_60, %arg17[%swap3A_61] : memref<8xf32, #tpu.memory_space<smem>>
      %swap3A_63 = arith.constant 0.000000e+00 : f32
      %swap3A_64 = arith.constant 2 : index
      %swap3A_65 = memref.load %arg17[%swap3A_64] : memref<8xf32, #tpu.memory_space<smem>>
      memref.store %swap3A_63, %arg17[%swap3A_64] : memref<8xf32, #tpu.memory_space<smem>>
      %swap3A_66 = arith.constant 0.000000e+00 : f32
      %swap3A_67 = arith.constant 3 : index
      %swap3A_68 = memref.load %arg17[%swap3A_67] : memref<8xf32, #tpu.memory_space<smem>>
      memref.store %swap3A_66, %arg17[%swap3A_67] : memref<8xf32, #tpu.memory_space<smem>>
    } else {
    }
    %get3A = arith.constant 0 : index
    %get3A_2 = arith.constant 0 : index
    %get3A_3 = arith.constant 0 : index
    %get3A_4 = vector.load %arg1[%get3A, %get3A_2, %get3A_3] : memref<1x1x5000xf32, #tpu.memory_space<vmem>>, vector<1x1x5000xf32>
    %get3A_5 = vector.shape_cast %get3A_4 : vector<1x1x5000xf32> to vector<5000xf32>
    %max3A = arith.constant 0.000000e+00 : f32
    %max3A_6 = vector.broadcast %max3A : f32 to vector<5000xf32>
    %max3A_7 = arith.maximumf %get3A_5, %max3A_6 : vector<5000xf32>
    %abs3A = math.absf %get3A_5 : vector<5000xf32>
    %neg3A = arith.constant 0.000000e+00 : f32
    %neg3A_8 = vector.broadcast %neg3A : f32 to vector<5000xf32>
    %neg3A_9 = arith.subf %neg3A_8, %abs3A : vector<5000xf32>
    %exp3A = math.exp %neg3A_9 : vector<5000xf32>
    %log1p3A = math.log1p %exp3A : vector<5000xf32>
    %add3A = arith.addf %max3A_7, %log1p3A : vector<5000xf32>
    %reduce_sum3A = vector.shape_cast %add3A : vector<5000xf32> to vector<1x5000xf32>
    %reduce_sum3A_10 = arith.constant dense<0.000000e+00> : vector<1xf32>
    %reduce_sum3A_11 = vector.multi_reduction <add>, %reduce_sum3A, %reduce_sum3A_10 [1] : vector<1x5000xf32> to vector<1xf32>
    %reduce_sum3A_12 = vector.shape_cast %reduce_sum3A_11 : vector<1xf32> to vector<1x1xf32>
    %reduce_sum3A_13 = vector.extract %reduce_sum3A_12[0, 0] : f32 from vector<1x1xf32>
    %get3A_14 = arith.constant 0 : index
    %get3A_15 = arith.constant 0 : index
    %get3A_16 = arith.constant 0 : index
    %get3A_17 = vector.load %arg5[%get3A_14, %get3A_15, %get3A_16] : memref<1x2x112xf32, #tpu.memory_space<vmem>>, vector<1x1x112xf32>
    %get3A_18 = vector.shape_cast %get3A_17 : vector<1x1x112xf32> to vector<112xf32>
    %get3A_19 = arith.constant 0 : index
    %get3A_20 = arith.constant 1 : index
    %get3A_21 = arith.constant 0 : index
    %get3A_22 = vector.load %arg5[%get3A_19, %get3A_20, %get3A_21] : memref<1x2x112xf32, #tpu.memory_space<vmem>>, vector<1x1x112xf32>
    %get3A_23 = vector.shape_cast %get3A_22 : vector<1x1x112xf32> to vector<112xf32>
    %gt3A = arith.cmpf ogt, %get3A_23, %get3A_18 : vector<112xf32>
    %select_n3A = arith.select %gt3A, %get3A_23, %get3A_18 : vector<112xi1>, vector<112xf32>
    %iota3A = tpu.iota {dimensions = array<i32: 1>} : vector<1x112xi32>
    %iota3A_24 = vector.shape_cast %iota3A : vector<1x112xi32> to vector<112xi32>
    %lt3A = arith.constant 100 : i32
    %lt3A_25 = vector.broadcast %lt3A : i32 to vector<112xi32>
    %lt3A_26 = arith.cmpi slt, %iota3A_24, %lt3A_25 : vector<112xi32>
    %gt3A_27 = arith.constant 5.000000e-01 : f32
    %gt3A_28 = vector.broadcast %gt3A_27 : f32 to vector<112xf32>
    %gt3A_29 = arith.cmpf ogt, %select_n3A, %gt3A_28 : vector<112xf32>
    %and3A = arith.andi %gt3A_29, %lt3A_26 : vector<112xi1>
    %convert_element_type3A_30 = arith.extui %and3A : vector<112xi1> to vector<112xi32>
    %convert_element_type3A_31 = arith.sitofp %convert_element_type3A_30 : vector<112xi32> to vector<112xf32>
    %reduce_sum3A_32 = vector.shape_cast %convert_element_type3A_31 : vector<112xf32> to vector<1x112xf32>
    %reduce_sum3A_33 = arith.constant dense<0.000000e+00> : vector<1xf32>
    %reduce_sum3A_34 = vector.multi_reduction <add>, %reduce_sum3A_32, %reduce_sum3A_33 [1] : vector<1x112xf32> to vector<1xf32>
    %reduce_sum3A_35 = vector.shape_cast %reduce_sum3A_34 : vector<1xf32> to vector<1x1xf32>
    %reduce_sum3A_36 = vector.extract %reduce_sum3A_35[0, 0] : f32 from vector<1x1xf32>
    %max3A_37 = arith.constant 1.000000e+00 : f32
    %max3A_38 = arith.maximumf %reduce_sum3A_36, %max3A_37 : f32
    %gt3A_39 = arith.constant 0.000000e+00 : f32
    %gt3A_40 = arith.cmpf ogt, %reduce_sum3A_36, %gt3A_39 : f32
    %convert_element_type3A_41 = arith.extui %gt3A_40 : i1 to i32
    %cond3A_42 = arith.constant 0 : i32
    %cond3A_43 = arith.cmpi ne, %convert_element_type3A_41, %cond3A_42 : i32
    scf.if %cond3A_43 {
      %broadcast_in_dim3A = vector.shape_cast %gt3A : vector<112xi1> to vector<1x112xi1>
      %get3A_54 = arith.constant 0 : index
      %get3A_55 = arith.constant 1 : index
      %get3A_56 = arith.constant 0 : index
      %get3A_57 = arith.constant 0 : index
      %get3A_58 = vector.load %arg10[%get3A_54, %get3A_55, %get3A_56, %get3A_57] : memref<1x2x4x112xf32, #tpu.memory_space<vmem>>, vector<1x1x4x112xf32>
      %get3A_59 = vector.shape_cast %get3A_58 : vector<1x1x4x112xf32> to vector<4x112xf32>
      %get3A_60 = arith.constant 0 : index
      %get3A_61 = arith.constant 0 : index
      %get3A_62 = arith.constant 0 : index
      %get3A_63 = arith.constant 0 : index
      %get3A_64 = vector.load %arg10[%get3A_60, %get3A_61, %get3A_62, %get3A_63] : memref<1x2x4x112xf32, #tpu.memory_space<vmem>>, vector<1x1x4x112xf32>
      %get3A_65 = vector.shape_cast %get3A_64 : vector<1x1x4x112xf32> to vector<4x112xf32>
      %broadcast_in_dim3A_66 = vector.shape_cast %broadcast_in_dim3A : vector<1x112xi1> to vector<1x112xi1>
      %broadcast_in_dim3A_67 = vector.broadcast %broadcast_in_dim3A_66 : vector<1x112xi1> to vector<4x112xi1>
      %select_n3A_68 = arith.select %broadcast_in_dim3A_67, %get3A_59, %get3A_65 : vector<4x112xi1>, vector<4x112xf32>
      %get3A_69 = arith.constant 0 : index
      %get3A_70 = arith.constant 0 : index
      %get3A_71 = arith.constant 0 : index
      %get3A_72 = vector.load %arg13[%get3A_69, %get3A_70, %get3A_71] : memref<1x4x112xf32, #tpu.memory_space<vmem>>, vector<1x4x112xf32>
      %get3A_73 = vector.shape_cast %get3A_72 : vector<1x4x112xf32> to vector<4x112xf32>
      %sub3A = arith.subf %select_n3A_68, %get3A_73 : vector<4x112xf32>
      %abs3A_74 = math.absf %sub3A : vector<4x112xf32>
      %lt3A_75 = arith.constant 1.000000e-01 : f32
      %lt3A_76 = vector.broadcast %lt3A_75 : f32 to vector<4x112xf32>
      %lt3A_77 = arith.cmpf olt, %abs3A_74, %lt3A_76 : vector<4x112xf32>
      %mul3A = arith.constant 5.000000e+00 : f32
      %mul3A_78 = vector.broadcast %mul3A : f32 to vector<4x112xf32>
      %mul3A_79 = arith.mulf %mul3A_78, %abs3A_74 : vector<4x112xf32>
      %mul3A_80 = arith.mulf %mul3A_79, %abs3A_74 : vector<4x112xf32>
      %sub3A_81 = arith.constant 5.000000e-02 : f32
      %sub3A_82 = vector.broadcast %sub3A_81 : f32 to vector<4x112xf32>
      %sub3A_83 = arith.subf %abs3A_74, %sub3A_82 : vector<4x112xf32>
      %select_n3A_84 = arith.select %lt3A_77, %mul3A_80, %sub3A_83 : vector<4x112xi1>, vector<4x112xf32>
      %reduce_sum3A_85 = arith.constant dense<0.000000e+00> : vector<112xf32>
      %reduce_sum3A_86 = vector.multi_reduction <add>, %select_n3A_84, %reduce_sum3A_85 [0] : vector<4x112xf32> to vector<112xf32>
      %mul3A_87 = arith.mulf %reduce_sum3A_86, %select_n3A : vector<112xf32>
      %mul3A_88 = arith.mulf %mul3A_87, %convert_element_type3A_31 : vector<112xf32>
      %reduce_sum3A_89 = vector.shape_cast %mul3A_88 : vector<112xf32> to vector<1x112xf32>
      %reduce_sum3A_90 = arith.constant dense<0.000000e+00> : vector<1xf32>
      %reduce_sum3A_91 = vector.multi_reduction <add>, %reduce_sum3A_89, %reduce_sum3A_90 [1] : vector<1x112xf32> to vector<1xf32>
      %reduce_sum3A_92 = vector.shape_cast %reduce_sum3A_91 : vector<1xf32> to vector<1x1xf32>
      %reduce_sum3A_93 = vector.extract %reduce_sum3A_92[0, 0] : f32 from vector<1x1xf32>
      %mul3A_94 = arith.constant 4.000000e+00 : f32
      %mul3A_95 = arith.mulf %max3A_38, %mul3A_94 : f32
      %div3A = arith.divf %reduce_sum3A_93, %mul3A_95 : f32
      %get3A_96 = arith.constant 0 : index
      %get3A_97 = arith.constant 1 : index
      %get3A_98 = arith.constant 0 : index
      %get3A_99 = arith.constant 0 : index
      %get3A_100 = vector.load %arg11[%get3A_96, %get3A_97, %get3A_98, %get3A_99] : memref<1x2x8x112xf32, #tpu.memory_space<vmem>>, vector<1x1x8x112xf32>
      %get3A_101 = vector.shape_cast %get3A_100 : vector<1x1x8x112xf32> to vector<8x112xf32>
      %get3A_102 = arith.constant 0 : index
      %get3A_103 = arith.constant 0 : index
      %get3A_104 = arith.constant 0 : index
      %get3A_105 = arith.constant 0 : index
      %get3A_106 = vector.load %arg11[%get3A_102, %get3A_103, %get3A_104, %get3A_105] : memref<1x2x8x112xf32, #tpu.memory_space<vmem>>, vector<1x1x8x112xf32>
      %get3A_107 = vector.shape_cast %get3A_106 : vector<1x1x8x112xf32> to vector<8x112xf32>
      %broadcast_in_dim3A_108 = vector.shape_cast %broadcast_in_dim3A : vector<1x112xi1> to vector<1x112xi1>
      %broadcast_in_dim3A_109 = vector.broadcast %broadcast_in_dim3A_108 : vector<1x112xi1> to vector<8x112xi1>
      %select_n3A_110 = arith.select %broadcast_in_dim3A_109, %get3A_101, %get3A_107 : vector<8x112xi1>, vector<8x112xf32>
      %reduce_max3A = arith.constant dense<0xFF800000> : vector<112xf32>
      %reduce_max3A_111 = vector.multi_reduction <maximumf>, %select_n3A_110, %reduce_max3A [0] : vector<8x112xf32> to vector<112xf32>
      %broadcast_in_dim3A_112 = vector.shape_cast %reduce_max3A_111 : vector<112xf32> to vector<1x112xf32>
      %squeeze3A = vector.shape_cast %broadcast_in_dim3A_112 : vector<1x112xf32> to vector<112xf32>
      %sub3A_113 = vector.broadcast %broadcast_in_dim3A_112 : vector<1x112xf32> to vector<8x112xf32>
      %sub3A_114 = arith.subf %select_n3A_110, %sub3A_113 : vector<8x112xf32>
      %exp3A_115 = math.exp %sub3A_114 : vector<8x112xf32>
      %reduce_sum3A_116 = arith.constant dense<0.000000e+00> : vector<112xf32>
      %reduce_sum3A_117 = vector.multi_reduction <add>, %exp3A_115, %reduce_sum3A_116 [0] : vector<8x112xf32> to vector<112xf32>
      %log3A = math.log %reduce_sum3A_117 : vector<112xf32>
      %add3A_118 = arith.addf %squeeze3A, %log3A : vector<112xf32>
      %iota3A_119 = tpu.iota {dimensions = array<i32: 0>} : vector<8x112xi32>
      %convert_element_type3A_120 = arith.sitofp %iota3A_119 : vector<8x112xi32> to vector<8x112xf32>
      %get3A_121 = arith.constant 0 : index
      %get3A_122 = arith.constant 0 : index
      %get3A_123 = arith.constant 0 : index
      %get3A_124 = vector.load %arg14[%get3A_121, %get3A_122, %get3A_123] : memref<1x1x112xf32, #tpu.memory_space<vmem>>, vector<1x1x112xf32>
      %get3A_125 = vector.shape_cast %get3A_124 : vector<1x1x112xf32> to vector<1x112xf32>
      %eq3A_126 = vector.broadcast %get3A_125 : vector<1x112xf32> to vector<8x112xf32>
      %eq3A_127 = arith.cmpf oeq, %convert_element_type3A_120, %eq3A_126 : vector<8x112xf32>
      %convert_element_type3A_128 = arith.extui %eq3A_127 : vector<8x112xi1> to vector<8x112xi32>
      %convert_element_type3A_129 = arith.sitofp %convert_element_type3A_128 : vector<8x112xi32> to vector<8x112xf32>
      %mul3A_130 = arith.mulf %select_n3A_110, %convert_element_type3A_129 : vector<8x112xf32>
      %reduce_sum3A_131 = arith.constant dense<0.000000e+00> : vector<112xf32>
      %reduce_sum3A_132 = vector.multi_reduction <add>, %mul3A_130, %reduce_sum3A_131 [0] : vector<8x112xf32> to vector<112xf32>
      %sub3A_133 = arith.subf %add3A_118, %reduce_sum3A_132 : vector<112xf32>
      %mul3A_134 = arith.mulf %sub3A_133, %convert_element_type3A_31 : vector<112xf32>
      %reduce_sum3A_135 = vector.shape_cast %mul3A_134 : vector<112xf32> to vector<1x112xf32>
      %reduce_sum3A_136 = arith.constant dense<0.000000e+00> : vector<1xf32>
      %reduce_sum3A_137 = vector.multi_reduction <add>, %reduce_sum3A_135, %reduce_sum3A_136 [1] : vector<1x112xf32> to vector<1xf32>
      %reduce_sum3A_138 = vector.shape_cast %reduce_sum3A_137 : vector<1xf32> to vector<1x1xf32>
      %reduce_sum3A_139 = vector.extract %reduce_sum3A_138[0, 0] : f32 from vector<1x1xf32>
      %div3A_140 = arith.divf %reduce_sum3A_139, %max3A_38 : f32
      %get3A_141 = arith.constant 0 : index
      %get3A_142 = arith.constant 1 : index
      %get3A_143 = arith.constant 0 : index
      %get3A_144 = vector.load %arg12[%get3A_141, %get3A_142, %get3A_143] : memref<1x2x112xf32, #tpu.memory_space<vmem>>, vector<1x1x112xf32>
      %get3A_145 = vector.shape_cast %get3A_144 : vector<1x1x112xf32> to vector<112xf32>
      %get3A_146 = arith.constant 0 : index
      %get3A_147 = arith.constant 0 : index
      %get3A_148 = arith.constant 0 : index
      %get3A_149 = vector.load %arg12[%get3A_146, %get3A_147, %get3A_148] : memref<1x2x112xf32, #tpu.memory_space<vmem>>, vector<1x1x112xf32>
      %get3A_150 = vector.shape_cast %get3A_149 : vector<1x1x112xf32> to vector<112xf32>
      %select_n3A_151 = arith.select %gt3A, %get3A_145, %get3A_150 : vector<112xi1>, vector<112xf32>
      %get3A_152 = arith.constant 0 : index
      %get3A_153 = arith.constant 0 : index
      %get3A_154 = arith.constant 0 : index
      %get3A_155 = vector.load %arg15[%get3A_152, %get3A_153, %get3A_154] : memref<1x1x112xf32, #tpu.memory_space<vmem>>, vector<1x1x112xf32>
      %get3A_156 = vector.shape_cast %get3A_155 : vector<1x1x112xf32> to vector<112xf32>
      %max3A_157 = arith.constant 0.000000e+00 : f32
      %max3A_158 = vector.broadcast %max3A_157 : f32 to vector<112xf32>
      %max3A_159 = arith.maximumf %select_n3A_151, %max3A_158 : vector<112xf32>
      %mul3A_160 = arith.mulf %select_n3A_151, %get3A_156 : vector<112xf32>
      %sub3A_161 = arith.subf %max3A_159, %mul3A_160 : vector<112xf32>
      %abs3A_162 = math.absf %select_n3A_151 : vector<112xf32>
      %neg3A_163 = arith.constant 0.000000e+00 : f32
      %neg3A_164 = vector.broadcast %neg3A_163 : f32 to vector<112xf32>
      %neg3A_165 = arith.subf %neg3A_164, %abs3A_162 : vector<112xf32>
      %exp3A_166 = math.exp %neg3A_165 : vector<112xf32>
      %log1p3A_167 = math.log1p %exp3A_166 : vector<112xf32>
      %add3A_168 = arith.addf %sub3A_161, %log1p3A_167 : vector<112xf32>
      %mul3A_169 = arith.mulf %add3A_168, %convert_element_type3A_31 : vector<112xf32>
      %reduce_sum3A_170 = vector.shape_cast %mul3A_169 : vector<112xf32> to vector<1x112xf32>
      %reduce_sum3A_171 = arith.constant dense<0.000000e+00> : vector<1xf32>
      %reduce_sum3A_172 = vector.multi_reduction <add>, %reduce_sum3A_170, %reduce_sum3A_171 [1] : vector<1x112xf32> to vector<1xf32>
      %reduce_sum3A_173 = vector.shape_cast %reduce_sum3A_172 : vector<1xf32> to vector<1x1xf32>
      %reduce_sum3A_174 = vector.extract %reduce_sum3A_173[0, 0] : f32 from vector<1x1xf32>
      %div3A_175 = arith.divf %reduce_sum3A_174, %max3A_38 : f32
      %get3A_176 = arith.constant 0 : index
      %get3A_177 = arith.constant 0 : index
      %get3A_178 = arith.constant 0 : index
      %get3A_179 = vector.load %arg7[%get3A_176, %get3A_177, %get3A_178] : memref<1x112x2xf32, #tpu.memory_space<vmem>>, vector<1x112x1xf32>
      %get3A_180 = vector.shape_cast %get3A_179 : vector<1x112x1xf32> to vector<112x1xf32>
      %get3A_181 = arith.constant 0 : index
      %get3A_182 = arith.constant 0 : index
      %get3A_183 = arith.constant 1 : index
      %get3A_184 = vector.load %arg7[%get3A_181, %get3A_182, %get3A_183] : memref<1x112x2xf32, #tpu.memory_space<vmem>>, vector<1x112x1xf32>
      %get3A_185 = vector.shape_cast %get3A_184 : vector<1x112x1xf32> to vector<112x1xf32>
      %gt3A_186 = arith.cmpf ogt, %get3A_185, %get3A_180 : vector<112x1xf32>
      %select_n3A_187 = arith.select %gt3A_186, %get3A_185, %get3A_180 : vector<112x1xi1>, vector<112x1xf32>
      %gt3A_188 = arith.constant 5.000000e-01 : f32
      %gt3A_189 = vector.broadcast %gt3A_188 : f32 to vector<112x1xf32>
      %gt3A_190 = arith.cmpf ogt, %select_n3A_187, %gt3A_189 : vector<112x1xf32>
      %iota3A_191 = tpu.iota {dimensions = array<i32: 0>} : vector<112x1xi32>
      %lt3A_192 = arith.constant 100 : i32
      %lt3A_193 = vector.broadcast %lt3A_192 : i32 to vector<112x1xi32>
      %lt3A_194 = arith.cmpi slt, %iota3A_191, %lt3A_193 : vector<112x1xi32>
      %and3A_195 = arith.andi %gt3A_190, %lt3A_194 : vector<112x1xi1>
      %get3A_196 = arith.constant 0 : index
      %get3A_197 = arith.constant 0 : index
      %get3A_198 = arith.constant 1 : index
      %get3A_199 = vector.load %arg8[%get3A_196, %get3A_197, %get3A_198] : memref<1x112x2xi32, #tpu.memory_space<vmem>>, vector<1x112x1xi32>
      %get3A_200 = vector.shape_cast %get3A_199 : vector<1x112x1xi32> to vector<112x1xi32>
      %get3A_201 = arith.constant 0 : index
      %get3A_202 = arith.constant 0 : index
      %get3A_203 = arith.constant 0 : index
      %get3A_204 = vector.load %arg8[%get3A_201, %get3A_202, %get3A_203] : memref<1x112x2xi32, #tpu.memory_space<vmem>>, vector<1x112x1xi32>
      %get3A_205 = vector.shape_cast %get3A_204 : vector<1x112x1xi32> to vector<112x1xi32>
      %select_n3A_206 = arith.select %gt3A_186, %get3A_200, %get3A_205 : vector<112x1xi1>, vector<112x1xi32>
      %get3A_207 = arith.constant 0 : index
      %get3A_208 = arith.constant 0 : index
      %get3A_209 = arith.constant 1 : index
      %get3A_210 = vector.load %arg9[%get3A_207, %get3A_208, %get3A_209] : memref<1x112x2xf32, #tpu.memory_space<vmem>>, vector<1x112x1xf32>
      %get3A_211 = vector.shape_cast %get3A_210 : vector<1x112x1xf32> to vector<112x1xf32>
      %get3A_212 = arith.constant 0 : index
      %get3A_213 = arith.constant 0 : index
      %get3A_214 = arith.constant 0 : index
      %get3A_215 = vector.load %arg9[%get3A_212, %get3A_213, %get3A_214] : memref<1x112x2xf32, #tpu.memory_space<vmem>>, vector<1x112x1xf32>
      %get3A_216 = vector.shape_cast %get3A_215 : vector<1x112x1xf32> to vector<112x1xf32>
      %select_n3A_217 = arith.select %gt3A_186, %get3A_211, %get3A_216 : vector<112x1xi1>, vector<112x1xf32>
      %get3A_218 = arith.constant 0 : index
      %get3A_219 = arith.constant 1 : index
      %get3A_220 = arith.constant 0 : index
      %get3A_221 = vector.load %arg6[%get3A_218, %get3A_219, %get3A_220] : memref<1x2x112xi32, #tpu.memory_space<vmem>>, vector<1x1x112xi32>
      %get3A_222 = vector.shape_cast %get3A_221 : vector<1x1x112xi32> to vector<112xi32>
      %get3A_223 = arith.constant 0 : index
      %get3A_224 = arith.constant 0 : index
      %get3A_225 = arith.constant 0 : index
      %get3A_226 = vector.load %arg6[%get3A_223, %get3A_224, %get3A_225] : memref<1x2x112xi32, #tpu.memory_space<vmem>>, vector<1x1x112xi32>
      %get3A_227 = vector.shape_cast %get3A_226 : vector<1x1x112xi32> to vector<112xi32>
      %select_n3A_228 = arith.select %gt3A, %get3A_222, %get3A_227 : vector<112xi1>, vector<112xi32>
      %broadcast_in_dim3A_229 = vector.shape_cast %select_n3A_228 : vector<112xi32> to vector<1x112xi32>
      %iota3A_230 = tpu.iota {dimensions = array<i32: 0>} : vector<112x112xi32>
      %iota3A_231 = tpu.iota {dimensions = array<i32: 1>} : vector<112x112xi32>
      %eq3A_232 = vector.broadcast %select_n3A_206 : vector<112x1xi32> to vector<112x112xi32>
      %eq3A_233 = vector.broadcast %broadcast_in_dim3A_229 : vector<1x112xi32> to vector<112x112xi32>
      %eq3A_234 = arith.cmpi eq, %eq3A_232, %eq3A_233 : vector<112x112xi32>
      %gt3A_235 = arith.cmpi sgt, %iota3A_231, %iota3A_230 : vector<112x112xi32>
      %and3A_236 = arith.andi %eq3A_234, %gt3A_235 : vector<112x112xi1>
      %broadcast_in_dim3A_237 = vector.shape_cast %and3A : vector<112xi1> to vector<1x112xi1>
      %and3A_238 = vector.broadcast %broadcast_in_dim3A_237 : vector<1x112xi1> to vector<112x112xi1>
      %and3A_239 = arith.andi %and3A_236, %and3A_238 : vector<112x112xi1>
      %reduce_or3A = arith.constant 1.000000e+00 : f32
      %reduce_or3A_240 = arith.constant 0.000000e+00 : f32
      %reduce_or3A_241 = vector.broadcast %reduce_or3A : f32 to vector<112x112xf32>
      %reduce_or3A_242 = vector.broadcast %reduce_or3A_240 : f32 to vector<112x112xf32>
      %reduce_or3A_243 = arith.select %and3A_239, %reduce_or3A_241, %reduce_or3A_242 : vector<112x112xi1>, vector<112x112xf32>
      %reduce_or3A_244 = arith.constant dense<0xFF800000> : vector<112xf32>
      %reduce_or3A_245 = vector.multi_reduction <maximumf>, %reduce_or3A_243, %reduce_or3A_244 [1] : vector<112x112xf32> to vector<112xf32>
      %reduce_or3A_246 = arith.constant 0.000000e+00 : f32
      %reduce_or3A_247 = vector.broadcast %reduce_or3A_246 : f32 to vector<112xf32>
      %reduce_or3A_248 = arith.cmpf ogt, %reduce_or3A_245, %reduce_or3A_247 : vector<112xf32>
      %broadcast_in_dim3A_249 = vector.shape_cast %reduce_or3A_248 : vector<112xi1> to vector<112x1xi1>
      %not3A = arith.constant dense<true> : vector<112x1xi1>
      %not3A_250 = arith.xori %broadcast_in_dim3A_249, %not3A : vector<112x1xi1>
      %and3A_251 = arith.andi %and3A_195, %not3A_250 : vector<112x1xi1>
      %convert_element_type3A_252 = arith.extui %and3A_251 : vector<112x1xi1> to vector<112x1xi32>
      %convert_element_type3A_253 = arith.sitofp %convert_element_type3A_252 : vector<112x1xi32> to vector<112x1xf32>
      %mul3A_254 = arith.mulf %convert_element_type3A_253, %select_n3A_187 : vector<112x1xf32>
      %mul3A_255 = arith.mulf %mul3A_254, %select_n3A_217 : vector<112x1xf32>
      %reduce_sum3A_256 = vector.shape_cast %mul3A_255 : vector<112x1xf32> to vector<1x112x1xf32>
      %reduce_sum3A_257 = arith.constant dense<0.000000e+00> : vector<1xf32>
      %reduce_sum3A_258 = vector.multi_reduction <add>, %reduce_sum3A_256, %reduce_sum3A_257 [1, 2] : vector<1x112x1xf32> to vector<1xf32>
      %reduce_sum3A_259 = vector.shape_cast %reduce_sum3A_258 : vector<1xf32> to vector<1x1x1xf32>
      %reduce_sum3A_260 = vector.extract %reduce_sum3A_259[0, 0, 0] : f32 from vector<1x1x1xf32>
      %sub3A_261 = arith.subf %reduce_sum3A_13, %reduce_sum3A_260 : f32
      %div3A_262 = arith.constant 5.000000e+03 : f32
      %div3A_263 = arith.divf %sub3A_261, %div3A_262 : f32
      %get3A_264 = arith.constant 0 : index
      %get3A_265 = memref.load %arg17[%get3A_264] : memref<8xf32, #tpu.memory_space<smem>>
      %add3A_266 = arith.addf %get3A_265, %div3A : f32
      %swap3A = arith.constant 0 : index
      %swap3A_267 = memref.load %arg17[%swap3A] : memref<8xf32, #tpu.memory_space<smem>>
      memref.store %add3A_266, %arg17[%swap3A] : memref<8xf32, #tpu.memory_space<smem>>
      %get3A_268 = arith.constant 1 : index
      %get3A_269 = memref.load %arg17[%get3A_268] : memref<8xf32, #tpu.memory_space<smem>>
      %add3A_270 = arith.addf %get3A_269, %div3A_140 : f32
      %swap3A_271 = arith.constant 1 : index
      %swap3A_272 = memref.load %arg17[%swap3A_271] : memref<8xf32, #tpu.memory_space<smem>>
      memref.store %add3A_270, %arg17[%swap3A_271] : memref<8xf32, #tpu.memory_space<smem>>
      %get3A_273 = arith.constant 2 : index
      %get3A_274 = memref.load %arg17[%get3A_273] : memref<8xf32, #tpu.memory_space<smem>>
      %add3A_275 = arith.addf %get3A_274, %div3A_175 : f32
      %swap3A_276 = arith.constant 2 : index
      %swap3A_277 = memref.load %arg17[%swap3A_276] : memref<8xf32, #tpu.memory_space<smem>>
      memref.store %add3A_275, %arg17[%swap3A_276] : memref<8xf32, #tpu.memory_space<smem>>
      %get3A_278 = arith.constant 3 : index
      %get3A_279 = memref.load %arg17[%get3A_278] : memref<8xf32, #tpu.memory_space<smem>>
      %add3A_280 = arith.addf %get3A_279, %div3A_263 : f32
      %swap3A_281 = arith.constant 3 : index
      %swap3A_282 = memref.load %arg17[%swap3A_281] : memref<8xf32, #tpu.memory_space<smem>>
      memref.store %add3A_280, %arg17[%swap3A_281] : memref<8xf32, #tpu.memory_space<smem>>
    } else {
    }
    %eq3A_44 = arith.constant 0.000000e+00 : f32
    %eq3A_45 = arith.cmpf oeq, %reduce_sum3A_36, %eq3A_44 : f32
    %convert_element_type3A_46 = arith.extui %eq3A_45 : i1 to i32
    %cond3A_47 = arith.constant 0 : i32
    %cond3A_48 = arith.cmpi ne, %convert_element_type3A_46, %cond3A_47 : i32
    scf.if %cond3A_48 {
      %get3A_54 = arith.constant 0 : index
      %get3A_55 = arith.constant 0 : index
      %get3A_56 = arith.constant 0 : index
      %get3A_57 = vector.load %arg4[%get3A_54, %get3A_55, %get3A_56] : memref<1x1x20000xf32, #tpu.memory_space<vmem>>, vector<1x1x20000xf32>
      %get3A_58 = vector.shape_cast %get3A_57 : vector<1x1x20000xf32> to vector<20000xf32>
      %abs3A_59 = math.absf %get3A_58 : vector<20000xf32>
      %reduce_sum3A_60 = vector.shape_cast %abs3A_59 : vector<20000xf32> to vector<1x20000xf32>
      %reduce_sum3A_61 = arith.constant dense<0.000000e+00> : vector<1xf32>
      %reduce_sum3A_62 = vector.multi_reduction <add>, %reduce_sum3A_60, %reduce_sum3A_61 [1] : vector<1x20000xf32> to vector<1xf32>
      %reduce_sum3A_63 = vector.shape_cast %reduce_sum3A_62 : vector<1xf32> to vector<1x1xf32>
      %reduce_sum3A_64 = vector.extract %reduce_sum3A_63[0, 0] : f32 from vector<1x1xf32>
      %div3A = arith.constant 2.000000e+04 : f32
      %div3A_65 = arith.divf %reduce_sum3A_64, %div3A : f32
      %mul3A = arith.constant 1.000000e-01 : f32
      %mul3A_66 = arith.mulf %div3A_65, %mul3A : f32
      %get3A_67 = arith.constant 0 : index
      %get3A_68 = arith.constant 0 : index
      %get3A_69 = arith.constant 0 : index
      %get3A_70 = vector.load %arg3[%get3A_67, %get3A_68, %get3A_69] : memref<1x1x40000xf32, #tpu.memory_space<vmem>>, vector<1x1x40000xf32>
      %get3A_71 = vector.shape_cast %get3A_70 : vector<1x1x40000xf32> to vector<40000xf32>
      %add3A_72 = arith.constant 9.99999997E-7 : f32
      %add3A_73 = vector.broadcast %add3A_72 : f32 to vector<40000xf32>
      %add3A_74 = arith.addf %get3A_71, %add3A_73 : vector<40000xf32>
      %log3A = math.log %add3A_74 : vector<40000xf32>
      %mul3A_75 = arith.mulf %get3A_71, %log3A : vector<40000xf32>
      %neg3A_76 = arith.constant 0.000000e+00 : f32
      %neg3A_77 = vector.broadcast %neg3A_76 : f32 to vector<40000xf32>
      %neg3A_78 = arith.subf %neg3A_77, %mul3A_75 : vector<40000xf32>
      %reduce_sum3A_79 = vector.shape_cast %neg3A_78 : vector<40000xf32> to vector<1x40000xf32>
      %reduce_sum3A_80 = arith.constant dense<0.000000e+00> : vector<1xf32>
      %reduce_sum3A_81 = vector.multi_reduction <add>, %reduce_sum3A_79, %reduce_sum3A_80 [1] : vector<1x40000xf32> to vector<1xf32>
      %reduce_sum3A_82 = vector.shape_cast %reduce_sum3A_81 : vector<1xf32> to vector<1x1xf32>
      %reduce_sum3A_83 = vector.extract %reduce_sum3A_82[0, 0] : f32 from vector<1x1xf32>
      %div3A_84 = arith.constant 4.000000e+04 : f32
      %div3A_85 = arith.divf %reduce_sum3A_83, %div3A_84 : f32
      %mul3A_86 = arith.constant 1.000000e-01 : f32
      %mul3A_87 = arith.mulf %div3A_85, %mul3A_86 : f32
      %get3A_88 = arith.constant 0 : index
      %get3A_89 = arith.constant 0 : index
      %get3A_90 = arith.constant 0 : index
      %get3A_91 = vector.load %arg2[%get3A_88, %get3A_89, %get3A_90] : memref<1x1x5000xf32, #tpu.memory_space<vmem>>, vector<1x1x5000xf32>
      %get3A_92 = vector.shape_cast %get3A_91 : vector<1x1x5000xf32> to vector<5000xf32>
      %max3A_93 = arith.constant 0.000000e+00 : f32
      %max3A_94 = vector.broadcast %max3A_93 : f32 to vector<5000xf32>
      %max3A_95 = arith.maximumf %get3A_92, %max3A_94 : vector<5000xf32>
      %abs3A_96 = math.absf %get3A_92 : vector<5000xf32>
      %neg3A_97 = arith.constant 0.000000e+00 : f32
      %neg3A_98 = vector.broadcast %neg3A_97 : f32 to vector<5000xf32>
      %neg3A_99 = arith.subf %neg3A_98, %abs3A_96 : vector<5000xf32>
      %exp3A_100 = math.exp %neg3A_99 : vector<5000xf32>
      %log1p3A_101 = math.log1p %exp3A_100 : vector<5000xf32>
      %add3A_102 = arith.addf %max3A_95, %log1p3A_101 : vector<5000xf32>
      %reduce_sum3A_103 = vector.shape_cast %add3A_102 : vector<5000xf32> to vector<1x5000xf32>
      %reduce_sum3A_104 = arith.constant dense<0.000000e+00> : vector<1xf32>
      %reduce_sum3A_105 = vector.multi_reduction <add>, %reduce_sum3A_103, %reduce_sum3A_104 [1] : vector<1x5000xf32> to vector<1xf32>
      %reduce_sum3A_106 = vector.shape_cast %reduce_sum3A_105 : vector<1xf32> to vector<1x1xf32>
      %reduce_sum3A_107 = vector.extract %reduce_sum3A_106[0, 0] : f32 from vector<1x1xf32>
      %div3A_108 = arith.constant 5.000000e+03 : f32
      %div3A_109 = arith.divf %reduce_sum3A_107, %div3A_108 : f32
      %mul3A_110 = arith.constant 1.000000e-01 : f32
      %mul3A_111 = arith.mulf %div3A_109, %mul3A_110 : f32
      %get3A_112 = arith.constant 0 : index
      %get3A_113 = memref.load %arg17[%get3A_112] : memref<8xf32, #tpu.memory_space<smem>>
      %add3A_114 = arith.addf %get3A_113, %mul3A_66 : f32
      %swap3A = arith.constant 0 : index
      %swap3A_115 = memref.load %arg17[%swap3A] : memref<8xf32, #tpu.memory_space<smem>>
      memref.store %add3A_114, %arg17[%swap3A] : memref<8xf32, #tpu.memory_space<smem>>
      %get3A_116 = arith.constant 1 : index
      %get3A_117 = memref.load %arg17[%get3A_116] : memref<8xf32, #tpu.memory_space<smem>>
      %add3A_118 = arith.addf %get3A_117, %mul3A_87 : f32
      %swap3A_119 = arith.constant 1 : index
      %swap3A_120 = memref.load %arg17[%swap3A_119] : memref<8xf32, #tpu.memory_space<smem>>
      memref.store %add3A_118, %arg17[%swap3A_119] : memref<8xf32, #tpu.memory_space<smem>>
      %get3A_121 = arith.constant 2 : index
      %get3A_122 = memref.load %arg17[%get3A_121] : memref<8xf32, #tpu.memory_space<smem>>
      %add3A_123 = arith.addf %get3A_122, %mul3A_111 : f32
      %swap3A_124 = arith.constant 2 : index
      %swap3A_125 = memref.load %arg17[%swap3A_124] : memref<8xf32, #tpu.memory_space<smem>>
      memref.store %add3A_123, %arg17[%swap3A_124] : memref<8xf32, #tpu.memory_space<smem>>
      %get3A_126 = arith.constant 3 : index
      %get3A_127 = memref.load %arg17[%get3A_126] : memref<8xf32, #tpu.memory_space<smem>>
      %div3A_128 = arith.constant 5.000000e+03 : f32
      %div3A_129 = arith.divf %reduce_sum3A_13, %div3A_128 : f32
      %add3A_130 = arith.addf %get3A_127, %div3A_129 : f32
      %swap3A_131 = arith.constant 3 : index
      %swap3A_132 = memref.load %arg17[%swap3A_131] : memref<8xf32, #tpu.memory_space<smem>>
      memref.store %add3A_130, %arg17[%swap3A_131] : memref<8xf32, #tpu.memory_space<smem>>
    } else {
    }
    %eq3A_49 = arith.constant 15 : i32
    %eq3A_50 = arith.cmpi eq, %arg0, %eq3A_49 : i32
    %convert_element_type3A_51 = arith.extui %eq3A_50 : i1 to i32
    %cond3A_52 = arith.constant 0 : i32
    %cond3A_53 = arith.cmpi ne, %convert_element_type3A_51, %cond3A_52 : i32
    scf.if %cond3A_53 {
      %get3A_54 = arith.constant 0 : index
      %get3A_55 = memref.load %arg17[%get3A_54] : memref<8xf32, #tpu.memory_space<smem>>
      %mul3A = arith.constant 2.000000e+00 : f32
      %mul3A_56 = arith.mulf %mul3A, %get3A_55 : f32
      %div3A = arith.constant 1.600000e+01 : f32
      %div3A_57 = arith.divf %mul3A_56, %div3A : f32
      %get3A_58 = arith.constant 1 : index
      %get3A_59 = memref.load %arg17[%get3A_58] : memref<8xf32, #tpu.memory_space<smem>>
      %mul3A_60 = arith.constant 1.000000e+00 : f32
      %mul3A_61 = arith.mulf %mul3A_60, %get3A_59 : f32
      %div3A_62 = arith.constant 1.600000e+01 : f32
      %div3A_63 = arith.divf %mul3A_61, %div3A_62 : f32
      %get3A_64 = arith.constant 2 : index
      %get3A_65 = memref.load %arg17[%get3A_64] : memref<8xf32, #tpu.memory_space<smem>>
      %mul3A_66 = arith.constant 1.500000e+00 : f32
      %mul3A_67 = arith.mulf %mul3A_66, %get3A_65 : f32
      %div3A_68 = arith.constant 1.600000e+01 : f32
      %div3A_69 = arith.divf %mul3A_67, %div3A_68 : f32
      %get3A_70 = arith.constant 3 : index
      %get3A_71 = memref.load %arg17[%get3A_70] : memref<8xf32, #tpu.memory_space<smem>>
      %mul3A_72 = arith.constant 1.000000e+00 : f32
      %mul3A_73 = arith.mulf %mul3A_72, %get3A_71 : f32
      %div3A_74 = arith.constant 1.600000e+01 : f32
      %div3A_75 = arith.divf %mul3A_73, %div3A_74 : f32
      %add3A_76 = arith.addf %div3A_57, %div3A_63 : f32
      %add3A_77 = arith.addf %add3A_76, %div3A_69 : f32
      %add3A_78 = arith.addf %add3A_77, %div3A_75 : f32
      %ne3A = arith.cmpf one, %add3A_78, %add3A_78 : f32
      %abs3A_79 = math.absf %add3A_78 : f32
      %eq3A_80 = arith.constant 0x7F800000 : f32
      %eq3A_81 = arith.cmpf oeq, %abs3A_79, %eq3A_80 : f32
      %or3A = arith.ori %ne3A, %eq3A_81 : i1
      %jit3A = arith.constant 1.000000e-01 : f32
      %select_n3A_82 = arith.select %or3A, %jit3A, %add3A_78 : f32
      %iota3A_83 = tpu.iota {dimensions = array<i32: 0>} : vector<8x128xi32>
      %iota3A_84 = tpu.iota {dimensions = array<i32: 1>} : vector<8x128xi32>
      %eq3A_85 = arith.constant 0 : i32
      %eq3A_86 = vector.broadcast %eq3A_85 : i32 to vector<8x128xi32>
      %eq3A_87 = arith.cmpi eq, %iota3A_84, %eq3A_86 : vector<8x128xi32>
      %broadcast_in_dim3A = arith.constant 0.000000e+00 : f32
      %broadcast_in_dim3A_88 = vector.broadcast %broadcast_in_dim3A : f32 to vector<8x128xf32>
      %eq3A_89 = arith.constant 0 : i32
      %eq3A_90 = vector.broadcast %eq3A_89 : i32 to vector<8x128xi32>
      %eq3A_91 = arith.cmpi eq, %iota3A_83, %eq3A_90 : vector<8x128xi32>
      %and3A_92 = arith.andi %eq3A_91, %eq3A_87 : vector<8x128xi1>
      %broadcast_in_dim3A_93 = vector.broadcast %select_n3A_82 : f32 to vector<8x128xf32>
      %select_n3A_94 = arith.select %and3A_92, %broadcast_in_dim3A_93, %broadcast_in_dim3A_88 : vector<8x128xi1>, vector<8x128xf32>
      %eq3A_95 = arith.constant 1 : i32
      %eq3A_96 = vector.broadcast %eq3A_95 : i32 to vector<8x128xi32>
      %eq3A_97 = arith.cmpi eq, %iota3A_83, %eq3A_96 : vector<8x128xi32>
      %and3A_98 = arith.andi %eq3A_97, %eq3A_87 : vector<8x128xi1>
      %broadcast_in_dim3A_99 = vector.broadcast %div3A_57 : f32 to vector<8x128xf32>
      %select_n3A_100 = arith.select %and3A_98, %broadcast_in_dim3A_99, %select_n3A_94 : vector<8x128xi1>, vector<8x128xf32>
      %eq3A_101 = arith.constant 2 : i32
      %eq3A_102 = vector.broadcast %eq3A_101 : i32 to vector<8x128xi32>
      %eq3A_103 = arith.cmpi eq, %iota3A_83, %eq3A_102 : vector<8x128xi32>
      %and3A_104 = arith.andi %eq3A_103, %eq3A_87 : vector<8x128xi1>
      %broadcast_in_dim3A_105 = vector.broadcast %div3A_63 : f32 to vector<8x128xf32>
      %select_n3A_106 = arith.select %and3A_104, %broadcast_in_dim3A_105, %select_n3A_100 : vector<8x128xi1>, vector<8x128xf32>
      %eq3A_107 = arith.constant 3 : i32
      %eq3A_108 = vector.broadcast %eq3A_107 : i32 to vector<8x128xi32>
      %eq3A_109 = arith.cmpi eq, %iota3A_83, %eq3A_108 : vector<8x128xi32>
      %and3A_110 = arith.andi %eq3A_109, %eq3A_87 : vector<8x128xi1>
      %broadcast_in_dim3A_111 = vector.broadcast %div3A_69 : f32 to vector<8x128xf32>
      %select_n3A_112 = arith.select %and3A_110, %broadcast_in_dim3A_111, %select_n3A_106 : vector<8x128xi1>, vector<8x128xf32>
      %eq3A_113 = arith.constant 4 : i32
      %eq3A_114 = vector.broadcast %eq3A_113 : i32 to vector<8x128xi32>
      %eq3A_115 = arith.cmpi eq, %iota3A_83, %eq3A_114 : vector<8x128xi32>
      %and3A_116 = arith.andi %eq3A_115, %eq3A_87 : vector<8x128xi1>
      %broadcast_in_dim3A_117 = vector.broadcast %div3A_75 : f32 to vector<8x128xf32>
      %select_n3A_118 = arith.select %and3A_116, %broadcast_in_dim3A_117, %select_n3A_112 : vector<8x128xi1>, vector<8x128xf32>
      %swap3A = arith.constant 0 : index
      %swap3A_119 = arith.constant 0 : index
      %swap3A_120 = vector.load %arg16[%swap3A, %swap3A_119] : memref<8x128xf32, #tpu.memory_space<vmem>>, vector<8x128xf32>
      tpu.vector_store %arg16[%swap3A, %swap3A_119], %select_n3A_118 {strides = array<i32>} : memref<8x128xf32, #tpu.memory_space<vmem>>, vector<8x128xf32>,
    } else {
    }
    return
  }
  func.func @transform_0(%arg0: i32) -> (i32, i32, i32) {
    %c0_i32 = arith.constant 0 : i32
    %c0_i32_0 = arith.constant 0 : i32
    %c0_i32_1 = arith.constant 0 : i32
    return %arg0, %c0_i32, %c0_i32_0 : i32, i32, i32
  }
  func.func @transform_1(%arg0: i32) -> (i32, i32, i32) {
    %c0_i32 = arith.constant 0 : i32
    %c0_i32_0 = arith.constant 0 : i32
    %c0_i32_1 = arith.constant 0 : i32
    return %arg0, %c0_i32, %c0_i32_0 : i32, i32, i32
  }
  func.func @transform_2(%arg0: i32) -> (i32, i32, i32) {
    %c0_i32 = arith.constant 0 : i32
    %c0_i32_0 = arith.constant 0 : i32
    %c0_i32_1 = arith.constant 0 : i32
    return %arg0, %c0_i32, %c0_i32_0 : i32, i32, i32
  }
  func.func @transform_3(%arg0: i32) -> (i32, i32, i32) {
    %c0_i32 = arith.constant 0 : i32
    %c0_i32_0 = arith.constant 0 : i32
    %c0_i32_1 = arith.constant 0 : i32
    return %arg0, %c0_i32, %c0_i32_0 : i32, i32, i32
  }
  func.func @transform_4(%arg0: i32) -> (i32, i32, i32) {
    %c0_i32 = arith.constant 0 : i32
    %c0_i32_0 = arith.constant 0 : i32
    %c0_i32_1 = arith.constant 0 : i32
    return %arg0, %c0_i32, %c0_i32_0 : i32, i32, i32
  }
  func.func @transform_5(%arg0: i32) -> (i32, i32, i32) {
    %c0_i32 = arith.constant 0 : i32
    %c0_i32_0 = arith.constant 0 : i32
    %c0_i32_1 = arith.constant 0 : i32
    return %arg0, %c0_i32, %c0_i32_0 : i32, i32, i32
  }
  func.func @transform_6(%arg0: i32) -> (i32, i32, i32) {
    %c0_i32 = arith.constant 0 : i32
    %c0_i32_0 = arith.constant 0 : i32
    %c0_i32_1 = arith.constant 0 : i32
    return %arg0, %c0_i32, %c0_i32_0 : i32, i32, i32
  }
  func.func @transform_7(%arg0: i32) -> (i32, i32, i32) {
    %c0_i32 = arith.constant 0 : i32
    %c0_i32_0 = arith.constant 0 : i32
    %c0_i32_1 = arith.constant 0 : i32
    return %arg0, %c0_i32, %c0_i32_0 : i32, i32, i32
  }
  func.func @transform_8(%arg0: i32) -> (i32, i32, i32) {
    %c0_i32 = arith.constant 0 : i32
    %c0_i32_0 = arith.constant 0 : i32
    %c0_i32_1 = arith.constant 0 : i32
    return %arg0, %c0_i32, %c0_i32_0 : i32, i32, i32
  }
  func.func @transform_9(%arg0: i32) -> (i32, i32, i32, i32) {
    %c0_i32 = arith.constant 0 : i32
    %c0_i32_0 = arith.constant 0 : i32
    %c0_i32_1 = arith.constant 0 : i32
    %c0_i32_2 = arith.constant 0 : i32
    return %arg0, %c0_i32, %c0_i32_0, %c0_i32_1 : i32, i32, i32, i32
  }
  func.func @transform_10(%arg0: i32) -> (i32, i32, i32, i32) {
    %c0_i32 = arith.constant 0 : i32
    %c0_i32_0 = arith.constant 0 : i32
    %c0_i32_1 = arith.constant 0 : i32
    %c0_i32_2 = arith.constant 0 : i32
    return %arg0, %c0_i32, %c0_i32_0, %c0_i32_1 : i32, i32, i32, i32
  }
  func.func @transform_11(%arg0: i32) -> (i32, i32, i32) {
    %c0_i32 = arith.constant 0 : i32
    %c0_i32_0 = arith.constant 0 : i32
    %c0_i32_1 = arith.constant 0 : i32
    return %arg0, %c0_i32, %c0_i32_0 : i32, i32, i32
  }
  func.func @transform_12(%arg0: i32) -> (i32, i32, i32) {
    %c0_i32 = arith.constant 0 : i32
    %c0_i32_0 = arith.constant 0 : i32
    %c0_i32_1 = arith.constant 0 : i32
    return %arg0, %c0_i32, %c0_i32_0 : i32, i32, i32
  }
  func.func @transform_13(%arg0: i32) -> (i32, i32, i32) {
    %c0_i32 = arith.constant 0 : i32
    %c0_i32_0 = arith.constant 0 : i32
    %c0_i32_1 = arith.constant 0 : i32
    return %arg0, %c0_i32, %c0_i32_0 : i32, i32, i32
  }
  func.func @transform_14(%arg0: i32) -> (i32, i32, i32) {
    %c0_i32 = arith.constant 0 : i32
    %c0_i32_0 = arith.constant 0 : i32
    %c0_i32_1 = arith.constant 0 : i32
    return %arg0, %c0_i32, %c0_i32_0 : i32, i32, i32
  }
  func.func @transform_15(%arg0: i32) -> (i32, i32) {
    %c0_i32 = arith.constant 0 : i32
    %c0_i32_0 = arith.constant 0 : i32
    %c0_i32_1 = arith.constant 0 : i32
    return %c0_i32, %c0_i32_0 : i32, i32
  }
}

</mosaic_0001>

<sc_bundles>
// kernel: kernel.4.cloned.1.call-start
scs
__scs_entry_jumppad:
0x0: {  	(pc) =	sbr.rel $0x88, $3  }
0x1: {  	(tag) =	ssettag $0x0;
	lr =	simm.s32 $0x1  }
0x2: {  	[smem:$0x3F9A] =	sst lr;
	_ =	strace $0xD0000000  }
0x3: {  	_ = 	snop  }
0x4: {  	_ = 	snop  }
0x5: {  	_ = 	snop  }
0x6: {  	_ = 	snop  }
0x7: {  	_ = 	snop  }
__scs_overlays_trampoline_lowered:
0x8: {  	[smem:$0x3FA9] =	sst s0  }
0x9: {  	[smem:$0x3FAA] =	sst s1  }
0xa: {  	[smem:$0x3FAB] =	sst s2  }
0xb: {  	[smem:$0x3FAC] =	sst s3  }
0xc: {  	[smem:$0x3FAD] =	sst s4  }
0xd: {  	[smem:$0x3FAE] =	sst s5  }
0xe: {  	[smem:$0x3FAF] =	sst s6  }
0xf: {  	[smem:$0x3FB0] =	sst s7  }
0x10: {  	[smem:$0x3FB1] =	sst s8  }
0x11: {  	[smem:$0x3FB2] =	sst s9;
	s0 =	simm.s32 @!p0 $0x0  }
0x12: {  	s1 =	sld [smem:$0x3F98];
	s0 =	simm.s32 @p0 $0x1  }
0x13: {  	[smem:$0x3FB3] =	sst s0;
	s0 =	simm.s32 @!p1 $0x0  }
0x14: {  	s2 =	sld [smem:$0x3F97];
	s0 =	simm.s32 @p1 $0x1  }
0x15: {  	[smem:$0x3FB4] =	sst s0;
	s0 =	simm.s32 @!p2 $0x0  }
0x16: {  	s3 =	sld [smem:$0x3FDB];
	s0 =	simm.s32 @p2 $0x1  }
0x17: {  	s4 =	simm.s32 $0x1BF5;
	[smem:$0x3FB6] =	sst s0  }
0x18: {  	s0 =	sld [smem:$0x3F99];
	_ =	swait.ge [sflag:s4], $0x0  }
0x19: {  	s7 =	sld [smem:$0x3F9A]  }
0x1a: {  	s8 =	sadd.s32 $0xFFFFE003, lr  }
0x1b: {  	s9 =	sadd.s32 $0xFFFFFEF7, lr;
	s5 =	simm.s32 $0xFFFFFFFF;
	p2 =	slt.u32 s8, $0xFFFFF086  }
0x1c: {  	p1 =	slt.u32 s9, $0xF7A;
	s5 =	simm.s32 @!p2 $0x0  }
0x1d: {  	s5 =	simm.s32 @p1 $0x1;
	p0 =	seq.s32 s7, s2  }
0x1e: {  	s7 =	smul.u32 @!p0 $0xF7A, s2;
	p2 =	seq.s32 @!p0 s5, $0x0  }
0x1f: {  	s9 =	smul.u32 $0xF7A, s1;
	s8 =	simm.s32 @!p0 $0x1BF5;
	p2 =	por !p2, p0  }
0x20: {  	[sflag:s8] =	ssyncset.s32 @!p0 $0xFFFFF086;
	s6 =	sadd.s32 @!p0 s3, s7;
	s7 =	simm.s32 @!p0 $0x108  }
0x21: {  	s3 =	sadd.s32 s3, s9;
	s6 =	sadd.s32 @!p0 $0x88, s6;
	s7 =	simm.s32 @p2 $0x1082  }
0x22: {  	[simem:s7], [sflag:s8] =	dma.local @!p0 [hbm:s6], $0xF7A  }
0x23: {  	s9 =	sor.u32 $0xD0000000, s2;
	s6 =	simm.s32 $0x108;
	_ =	swait.ge @!p0 [sflag:s8], $0x0  }
0x24: {  	s3 =	sadd.s32 $0x88, s3;
	s6 =	simm.s32 @!p1 $0x1082;
	[sflag:s4] =	ssyncset.s32 $0xFFFFF086  }
0x25: {  	[simem:s6], [sflag:s4] =	dma.local [hbm:s3], $0xF7A  }
0x26: {  	[smem:$0x3F9A] =	sst s1;
	(tag) =	ssettag s2;
	_ =	strace s9  }
0x27: {  	s1 =	sld [smem:$0x3FAA]  }
0x28: {  	s2 =	sld [smem:$0x3FAB]  }
0x29: {  	s4 =	sld [smem:$0x3FAD]  }
0x2a: {  	p0 =	seq.s32 s5, $0x0;
	s5 =	sld [smem:$0x3FAE]  }
0x2b: {  	s6 =	sld [smem:$0x3FAF]  }
0x2c: {  	s7 =	sld [smem:$0x3FB0]  }
0x2d: {  	s3 =	simm.s32 $0x108;
	s8 =	sld [smem:$0x3FB1]  }
0x2e: {  	s3 =	simm.s32 @!p0 $0x1082;
	s9 =	sld [smem:$0x3FB2]  }
0x2f: {  	lr =	sadd.s32 s0, s3;
	s0 =	sld [smem:$0x3FA9]  }
0x30: {  	s3 =	sld [smem:$0x3FAC]  }
0x31: {  	[smem:$0x3FB5] =	sst s10  }
0x32: {  	s10 =	sld [smem:$0x3FB3];
	_ =	sdelay $0x3  }
0x33: {  	p0 =	seq.s32 s10, $0x1;
	s10 =	sld [smem:$0x3FB5];
	_ =	sdelay $0x3  }
0x34: {  	[smem:$0x3FB5] =	sst s10  }
0x35: {  	s10 =	sld [smem:$0x3FB4];
	_ =	sdelay $0x3  }
0x36: {  	p1 =	seq.s32 s10, $0x1;
	s10 =	sld [smem:$0x3FB5];
	_ =	sdelay $0x3  }
0x37: {  	[smem:$0x3FB5] =	sst s10  }
0x38: {  	s10 =	sld [smem:$0x3FB6]  }
0x39: {  	_ = 	snop;
	(pc) =	sbr.ind lr, $3  }
0x3a: {  	_ = 	snop  }
0x3b: {  	_ = 	snop  }
0x3c: {  	p2 =	seq.s32 s10, $0x1;
	s10 =	sld [smem:$0x3FB5]  }
0x3d: {  	_ =	shalt  }
0x3e: {  	_ =	shalt  }
0x3f: {  	_ =	shalt  }
0x40: {  	_ =	shalt  }
0x41: {  	_ =	shalt  }
0x42: {  	_ =	shalt  }
0x43: {  	_ =	shalt  }
0x44: {  	_ =	shalt  }
0x45: {  	_ =	shalt  }
0x46: {  	_ =	shalt  }
0x47: {  	_ =	shalt  }
0x48: {  	_ =	shalt  }
0x49: {  	_ =	shalt  }
0x4a: {  	_ =	shalt  }
0x4b: {  	_ =	shalt  }
0x4c: {  	_ =	shalt  }
0x4d: {  	_ =	shalt  }
0x4e: {  	_ =	shalt  }
0x4f: {  	_ =	shalt  }
0x50: {  	_ =	shalt  }
0x51: {  	_ =	shalt  }
0x52: {  	_ =	shalt  }
0x53: {  	_ =	shalt  }
0x54: {  	_ =	shalt  }
0x55: {  	_ =	shalt  }
0x56: {  	_ =	shalt  }
0x57: {  	_ =	shalt  }
0x58: {  	_ =	shalt  }
0x59: {  	_ =	shalt  }
0x5a: {  	_ =	shalt  }
0x5b: {  	_ =	shalt  }
0x5c: {  	_ =	shalt  }
0x5d: {  	_ =	shalt  }
0x5e: {  	_ =	shalt  }
0x5f: {  	_ =	shalt  }
0x60: {  	_ =	shalt  }
0x61: {  	_ =	shalt  }
0x62: {  	_ =	shalt  }
0x63: {  	_ =	shalt  }
0x64: {  	_ =	shalt  }
0x65: {  	_ =	shalt  }
0x66: {  	_ =	shalt  }
0x67: {  	_ =	shalt  }
0x68: {  	_ =	shalt  }
0x69: {  	_ =	shalt  }
0x6a: {  	_ =	shalt  }
0x6b: {  	_ =	shalt  }
0x6c: {  	_ =	shalt  }
0x6d: {  	_ =	shalt  }
0x6e: {  	_ =	shalt  }
0x6f: {  	_ =	shalt  }
0x70: {  	_ =	shalt  }
0x71: {  	_ =	shalt  }
0x72: {  	_ =	shalt  }
0x73: {  	_ =	shalt  }
0x74: {  	_ =	shalt  }
0x75: {  	_ =	shalt  }
0x76: {  	_ =	shalt  }
0x77: {  	_ =	shalt  }
0x78: {  	_ =	shalt  }
0x79: {  	_ =	shalt  }
0x7a: {  	_ =	shalt  }
0x7b: {  	_ =	shalt  }
0x7c: {  	_ =	shalt  }
0x7d: {  	_ =	shalt  }
0x7e: {  	_ =	shalt  }
0x7f: {  	_ =	shalt  }
0x80: {  	_ =	shalt  }
0x81: {  	_ =	shalt  }
0x82: {  	_ =	shalt  }
0x83: {  	_ =	shalt  }
0x84: {  	_ =	shalt  }
0x85: {  	_ =	shalt  }
0x86: {  	_ =	shalt  }
0x87: {  	_ =	shalt  }
.Lfunc_end0:
.L_simem_size_0:
called_computation_lowered:
.L_overlay_start_0:
0x88: {  	s2 =	sld [smem:$0x3FD9]  }
0x89: {  	s3 =	sld [smem:$0x3FFE];
	_ =	sdelay $0x1  }
0x8a: {  	s1 =	srdreg.scid  }
0x8b: {  	s0 =	sand.u32 $0x1, s1  }
0x8c: {  	s16 =	sshll.u32 s0, $0xA;
	s2 =	sadd.s32 s3, s2  }
0x8d: {  	s2 =	sadd.s32 s2, s16  }
0x8e: {  	[smem:$0x3FC1] =	sst s2  }
0x8f: {  	_ = 	snop  }
0x90: {  	(tm) =	ssettm $0x1  }
0x91: {  	s17 =	sld [smem:$0x3FFB];
	_ =	sdelay $0x3  }
0x92: {  	_ =	strace s17  }
0x93: {  	s2 =	sld [smem:$0x3FFC];
	_ =	sdelay $0x3  }
0x94: {  	_ =	strace s2  }
0x95: {  	s2 =	sld [smem:$0x3FFD];
	_ =	sdelay $0x3  }
0x96: {  	_ =	strace s2  }
0x97: {  	_ =	strace $0x8FFFFFFF  }
0x98: {  	s18 =	sld [smem:$0x3FDB];
	_ =	sdelay $0x1  }
0x99: {  	s19 =	simm.s32 $_scs_section_size  }
0x9a: {  	s4 =	simm.s32 $_size__tile_overlayer_lowered;
	s5 =	simm.s32 $_tile_overlayer_lowered  }
0x9b: {  	s22 =	simm.s32 $0x1BFF;
	s21 =	sshll.u32 s5, $0x1;
	s2 =	sadd.s32 s19, s18  }
0x9c: {  	s6 =	simm.s32 $0x0;
	s20 =	sshll.u32 s4, $0x1;
	s4 =	sadd.s32 s21, s2  }
0x9d: {  	[timem:s6], [sflag:s22] =	dma.local [hbm:s4], s20  }
0x9e: {  	_ =	swait.ge [sflag:s22], s20  }
0x9f: {  	s3 =	ssub.s32 $0x0, s20;
	[sflag:s22] =	ssyncset.done $0x0  }
0xa0: {  	[sflag:s22] =	ssyncadd.s32 s3;
	_ =	sdelay $0x1  }
0xa1: {  	s23 =	simm.s32 $0x1B8B  }
0xa2: {  	_ =	swait.ge [sflag:s23], $0x1  }
0xa3: {  	[sflag:s23] =	ssyncset.done $0x0  }
0xa4: {  	s25 =	simm.s32 $0x1B8E;
	s24 =	sld [smem:$0x3FFE];
	[sflag:s23] =	ssyncadd.s32 $0xFFFFFFFF  }
0xa5: {  	s26 =	simm.s32 $execute0_lowered;
	[smem:$0x3FD2] =	sst s25  }
0xa6: {  	s4 =	sshll.u32 s26, $0x1;
	_ =	strace $0x80000046;
	[dreg:$0x1] =	wrdreg $0xFFFFFFFF  }
0xa7: {  	s28 =	simm.s32 $_size_execute0_lowered;
	s2 =	sadd.s32 s2, s4;
	[dreg:$0x0] =	wrdreg $0x0  }
0xa8: {  	s4 =	sshll.u32 s28, $0x1;
	[dreg:$0x2] =	wrdreg s2  }
0xa9: {  	[dreg:$0x3] =	wrdreg s4  }
0xaa: {  	[dreg:$0x4] =	wrdreg $0xC0  }
0xab: {  	_ =	task [dreg:s6], $0x5FFFF  }
0xac: {  	[dreg:$0x1] =	wrdreg $0xFFFFFFFF  }
0xad: {  	[dreg:$0x0] =	wrdreg $0x60  }
0xae: {  	[dreg:$0x2] =	wrdreg s24  }
0xaf: {  	[dreg:$0x3] =	wrdreg $0x9  }
0xb0: {  	_ =	task.clear_ibuf [dreg:s6], $0x4FFFF;
	_ =	strace $0x90000046  }
0xb1: {  	s29 =	simm.s32 $0x9;
	_ =	strace $0x80000048  }
0xb2: {  	_ =	swait.ge [sflag:s29], $0x1  }
0xb3: {  	[sflag:s29] =	ssyncadd.s32 $0xFFFFFFFF  }
0xb4: {  	_ =	strace $0x90000048  }
0xb5: {  	_ =	sfence  }
0xb6: {  	s30 =	sld [smem:$0x0];
	_ =	sdelay $0x2  }
0xb7: {  	s31 =	sshll.u32 s1, $0xD;
	s1 =	sshrl.u32 s1, $0x2  }
0xb8: {  	s3 =	sand.u32 $0x4000, s31;
	s1 =	sadd.s32 s1, s30  }
0xb9: {  	s0 =	sor.u32 s3, s0;
	s1 =	sshll.u32 s1, $0x11  }
0xba: {  	s0 =	sor.u32 s1, s0  }
0xbb: {  	s0 =	sadd.s32 $0x8F2B, s0  }
0xbc: {  	[sflag:s0] =	ssyncadd.remote.s32 $0x1  }
0xbd: {  	_ =	sfence.sel $0xFFFF  }
0xbe: {  	[dreg:$0x0] =	wrdreg $0xFFFFFFFF;
	(pc) =	sbr.abs _section_cstart, $3  }
0xbf: {  	[dreg:$0x1] =	wrdreg $0xFFFFFFFF  }
0xc0: {  	_ =	task.clear_ibuf [dreg:s6], $0x2FFFF;
	_ =	strace $0x9FFFFFFF  }
0xc1: {  	(tm) =	ssettm $0x7FFFFFFF  }
tec
execute0_lowered:
.L_overlay_start_1:
0x0: {  	(tag) =	ssettag $0x1  }
0x1: {  	s10 =	rddreg [dreg:$0x0];
	s0 =	srdreg.scid;
	s3 =	simm.s32 $0x0  }
0x2: {  	s9 =	stileid.u32;
	s1 =	sand.u32 $0x1, s0;
	[smem:$0x7FF] =	sst s3  }
0x3: {  	s2 =	sshrl.u32 s9, $0x1;
	s11 =	sadd.s32 $0x2800, s10;
	s12 =	sadd.s32 $0x5000, s10  }
0x4: {  	s13 =	sadd.s32 $0x7800, s10;
	s7 =	sshll.u32 s9, $0x7;
	s26 =	sand.u32 $0x1, s9  }
0x5: {  	s0 =	sshll.u32 s1, $0x3;
	_ =	strace $0x80000047;
	s4 =	sshll.u32 s1, $0x4  }
0x6: {  	s8 =	sand.u32 $0x380, s7;
	p0 =	seq.s32 s26, $0x1;
	[dreg:$0x2] =	wrdreg s11  }
0x7: {  	s7 =	simm.s32 $0x9B8;
	s1 =	ssub.s32 $0x2, s1;
	[dreg:$0x3] =	wrdreg s12  }
0x8: {  	[dreg:$0x4] =	wrdreg s13;
	s4 =	sor.u32 s9, s4;
	s9 =	sshrl.u32 s1, $0x1  }
0x9: {  	s0 =	sor.u32 s2, s0;
	s5 =	sshll.u32 s4, $0x6;
	s1 =	ssub.s32 s1, s9  }
0xa: {  	s2 =	smul.u32 $0xE, s0;
	s5 =	sadd.s32 s5, s10;
	s1 =	smax.u32 s1, $0x1  }
0xb: {  	s7 =	simm.s32 @!p0 $0x0;
	s25 =	sadd.s32 $0x24A00, s5;
	[dreg:$0x1d] =	wrdreg s1  }
0xc: {  	s2 =	sadd.s32 s2, s10;
	s26 =	sadd.s32 $0x24A10, s5;
	[dreg:$0x11] =	wrdreg s25  }
0xd: {  	s4 =	sshll.u32 s4, $0x7;
	s18 =	sadd.s32 $0xA000, s2;
	[dreg:$0x12] =	wrdreg s26  }
0xe: {  	s0 =	smul.u32 $0x1388, s0;
	s19 =	sadd.s32 $0xA200, s2;
	[dreg:$0x9] =	wrdreg s18  }
0xf: {  	s6 =	sadd.s32 s4, s10;
	s20 =	sadd.s32 $0xA400, s2;
	[dreg:$0xa] =	wrdreg s19  }
0x10: {  	s14 =	sadd.s32 s7, s0;
	s2 =	sadd.s32 $0xA600, s2;
	[dreg:$0xb] =	wrdreg s20  }
0x11: {  	s15 =	sshrl.u32 s14, $0x3;
	s14 =	sadd.s32 $0x23A50, s6;
	[dreg:$0xc] =	wrdreg s2  }
0x12: {  	s25 =	sadd.s32 $0x1E800, s10;
	[dreg:$0x1a] =	wrdreg s14  }
0x13: {  	s26 =	sadd.s32 $0x21000, s10;
	[smem:$0x7FC] =	sst s25  }
0x14: {  	s9 =	sadd.s32 s10, s15;
	[smem:$0x7FD] =	sst s26  }
0x15: {  	s16 =	sadd.s32 s11, s15;
	[dreg:$0x5] =	wrdreg s9  }
0x16: {  	s4 =	sand.u32 $0xC00, s4;
	s17 =	sadd.s32 s12, s15;
	[dreg:$0x6] =	wrdreg s16  }
0x17: {  	s4 =	sor.u32 s8, s4;
	s8 =	sadd.s32 s13, s15;
	[dreg:$0x7] =	wrdreg s17  }
0x18: {  	s11 =	sadd.s32 $0x23A20, s6;
	[dreg:$0x8] =	wrdreg s8  }
0x19: {  	s12 =	sadd.s32 $0x23A30, s6;
	[dreg:$0x17] =	wrdreg s11  }
0x1a: {  	s13 =	sadd.s32 $0x23A40, s6;
	[dreg:$0x18] =	wrdreg s12  }
0x1b: {  	s15 =	sadd.s32 $0x23A60, s6;
	[dreg:$0x19] =	wrdreg s13  }
0x1c: {  	s18 =	sadd.s32 $0xD000, s10;
	[dreg:$0x1b] =	wrdreg s15  }
0x1d: {  	s4 =	sshrl.u32 s4, $0x3;
	s19 =	sadd.s32 $0xF800, s10;
	[dreg:$0x1f] =	wrdreg s18  }
0x1e: {  	s4 =	sadd.s32 s4, s10;
	s20 =	sadd.s32 $0x12000, s10;
	[smem:$0x7F6] =	sst s19  }
0x1f: {  	s21 =	sadd.s32 $0x25200, s4;
	[smem:$0x7F7] =	sst s20  }
0x20: {  	s28 =	simm.s32 $0x3B00;
	s22 =	sadd.s32 $0x25400, s4;
	[dreg:$0xd] =	wrdreg s21  }
0x21: {  	s29 =	simm.s32 $0x3B80;
	s23 =	sadd.s32 $0x23800, s4;
	[dreg:$0xe] =	wrdreg s22  }
0x22: {  	s30 =	simm.s32 $0x3C00;
	s24 =	sadd.s32 $0x25600, s4;
	[dreg:$0xf] =	wrdreg s23  }
0x23: {  	s31 =	simm.s32 $0x3C80;
	s4 =	sadd.s32 $0x24A20, s5;
	[dreg:$0x10] =	wrdreg s24  }
0x24: {  	v1 =	vmov s0;
	s0 =	simm.s32 $0x1;
	s5 =	sadd.s32 $0x24A30, s5;
	[dreg:$0x13] =	wrdreg s4  }
0x25: {  	s1 =	simm.s32 $0x0;
	s8 =	sadd.s32 $0x23A00, s6;
	[dreg:$0x14] =	wrdreg s5  }
0x26: {  	s14 =	simm.s32 $0x2;
	s9 =	sadd.s32 $0x23A10, s6;
	[dreg:$0x15] =	wrdreg s8  }
0x27: {  	s25 =	simm.s32 $0x3A00;
	s16 =	sadd.s32 $0x23A70, s6;
	[dreg:$0x16] =	wrdreg s9  }
0x28: {  	s26 =	simm.s32 $0x3A80;
	s17 =	sadd.s32 $0xA800, s10;
	[dreg:$0x1c] =	wrdreg s16  }
0x29: {  	s15 =	simm.s32 $0x70;
	[dreg:$0x1e] =	wrdreg s17;
	s21 =	sadd.s32 $0x14800, s10  }
0x2a: {  	s18 =	simm.s32 $0x3680;
	s22 =	sadd.s32 $0x17000, s10;
	[smem:$0x7F8] =	sst s21  }
0x2b: {  	s19 =	simm.s32 $0x3700;
	s23 =	sadd.s32 $0x19800, s10;
	[smem:$0x7F9] =	sst s22  }
0x2c: {  	s20 =	simm.s32 $0x3780;
	s24 =	sadd.s32 $0x1C000, s10;
	[smem:$0x7FA] =	sst s23  }
0x2d: {  	v0 =	vlaneseq.u32;
	s16 =	simm.s32 $0x3580;
	[smem:$0x7FB] =	sst s24;
	s21 =	simm.s32 $0x3800  }
0x2e: {  	v2 =	vor.u32 $0x80000000, v0;
	[tilespmem:$0x1FFF0] =	vst v1;
	s22 =	simm.s32 $0x3880;
	s23 =	simm.s32 $0x3900;
	s24 =	simm.s32 $0x3980  }
.LBB2_1:
0x2f: {  	s2 =	rddreg [dreg:$0x5]  }
0x30: {  	[tilespmem:s3], [sflag:$0x2] =	stream.linear.gather [hbm4b:s2+s3], $0x9D0, $0x38;
	[tilespmem:$0x3E00] =	vst v63  }
0x31: {  	_ =	swait.ge [sflag:s14], $0x9D0  }
0x32: {  	[sflag:s14] =	ssyncset.done $0x0  }
0x33: {  	s4 =	simm.s32 $0xA00;
	s12 =	rddreg [dreg:$0x6];
	[sflag:s14] =	ssyncadd.s32 $0xFFFFF630  }
0x34: {  	[tilespmem:s4], [sflag:$0x2] =	stream.linear.gather [hbm4b:s12+s3], $0x9D0, $0x38;
	[tilespmem:$0x3E00] =	vst v63  }
0x35: {  	_ =	swait.ge [sflag:s14], $0x9D0  }
0x36: {  	[sflag:s14] =	ssyncset.done $0x0  }
0x37: {  	s17 =	simm.s32 $0x1400;
	s13 =	rddreg [dreg:$0x7];
	[sflag:s14] =	ssyncadd.s32 $0xFFFFF630  }
0x38: {  	[tilespmem:s17], [sflag:$0x2] =	stream.linear.gather [hbm4b:s13+s3], $0x9D0, $0x38;
	[tilespmem:$0x3E00] =	vst v63  }
0x39: {  	_ =	swait.ge [sflag:s14], $0x9D0  }
0x3a: {  	[sflag:s14] =	ssyncset.done $0x0  }
0x3b: {  	s5 =	simm.s32 $0x1E00;
	s4 =	rddreg [dreg:$0x8];
	[sflag:s14] =	ssyncadd.s32 $0xFFFFF630  }
0x3c: {  	[tilespmem:s5], [sflag:$0x2] =	stream.linear.gather [hbm4b:s4+s3], $0x9D0, $0x38;
	[tilespmem:$0x3E00] =	vst v63  }
0x3d: {  	_ =	swait.ge [sflag:s14], $0x9D0  }
0x3e: {  	[sflag:s14] =	ssyncset.done $0x0  }
0x3f: {  	s8 =	simm.s32 $0x3200;
	s6 =	rddreg [dreg:$0x9];
	[sflag:s14] =	ssyncadd.s32 $0xFFFFF630  }
0x40: {  	[tilespmem:s8], [sflag:$0x2] =	stream.linear.gather [hbm4b:s6+s3], $0x70, $0x38;
	[tilespmem:$0x3E00] =	vst v63  }
0x41: {  	_ =	swait.ge [sflag:s14], $0x70  }
0x42: {  	[sflag:s14] =	ssyncset.done $0x0  }
0x43: {  	s10 =	simm.s32 $0x3280;
	s9 =	rddreg [dreg:$0xa];
	[sflag:s14] =	ssyncadd.s32 $0xFFFFFF90  }
0x44: {  	[tilespmem:s10], [sflag:$0x2] =	stream.linear.gather [hbm4b:s9+s3], $0x70, $0x38;
	[tilespmem:$0x3E00] =	vst v63  }
0x45: {  	_ =	swait.ge [sflag:s14], $0x70  }
0x46: {  	[sflag:s14] =	ssyncset.done $0x0  }
0x47: {  	s12 =	simm.s32 $0x3300;
	s11 =	rddreg [dreg:$0xb];
	[sflag:s14] =	ssyncadd.s32 $0xFFFFFF90  }
0x48: {  	[tilespmem:s12], [sflag:$0x2] =	stream.linear.gather [hbm4b:s11+s3], $0x70, $0x38;
	[tilespmem:$0x3E00] =	vst v63  }
0x49: {  	_ =	swait.ge [sflag:s14], $0x70  }
0x4a: {  	[sflag:s14] =	ssyncset.done $0x0  }
0x4b: {  	s17 =	simm.s32 $0x3380;
	s13 =	rddreg [dreg:$0xc];
	[sflag:s14] =	ssyncadd.s32 $0xFFFFFF90  }
0x4c: {  	[tilespmem:s17], [sflag:$0x2] =	stream.linear.gather [hbm4b:s13+s3], $0x70, $0x38;
	[tilespmem:$0x3E00] =	vst v63  }
0x4d: {  	_ =	swait.ge [sflag:s14], $0x70  }
0x4e: {  	[sflag:s14] =	ssyncset.done $0x0  }
0x4f: {  	s2 =	simm.s32 $0x0;
	[sflag:s14] =	ssyncadd.s32 $0xFFFFFF90  }
0x50: {  	v4 =	vld [tilespmem:s2+$0x1400]  }
0x51: {  	v6 =	vld [tilespmem:s2+$0x0]  }
0x52: {  	v7 =	vld [tilespmem:s2+$0x1E00]  }
0x53: {  	v8 =	vld [tilespmem:s2+$0xA00];
	_ =	sdelay $0x1  }
0x54: {  	s4 =	simm.s32 $0x10  }
0x55: {  	v3 =	vld [tilespmem:s4+$0x1400]  }
0x56: {  	v5 =	vld [tilespmem:s4+$0x0]  }
0x57: {  	v9 =	vsub.f32 v4, v6;
	v7 =	vsub.f32 v7, v8;
	v4 =	vld [tilespmem:s4+$0x1E00]  }
0x58: {  	v6 =	vld [tilespmem:s4+$0xA00]  }
0x59: {  	s5 =	simm.s32 $0x80;
	v7 =	vmul.f32 v7, v9  }
.LBB2_2:
0x5a: {  	s6 =	sshra.s32 s5, $0x2;
	v8 =	vmov v3;
	p0 =	sne.s32 s5, $0x2700  }
.Ltmp0:
0x5b: {  	v3 =	vld [tilespmem:s6+$0x1400];
	[tilespmem:s2+$0x2800] =	vst v7;
	v7 =	vmov v5;
	s2 =	smov.u32 s4;
	s4 =	smov.u32 s6;
	(pc) =	sbr.rel @p0 .LBB2_2-.Ltmp0, $4  }
0x5c: {  	v5 =	vld [tilespmem:s4+$0x0]  }
0x5d: {  	s5 =	sadd.s32 $0x40, s5;
	v7 =	vsub.f32 v8, v7;
	v8 =	vsub.f32 v4, v6;
	v4 =	vld [tilespmem:s4+$0x1E00]  }
0x5e: {  	v6 =	vld [tilespmem:s4+$0xA00]  }
0x5f: {  	v7 =	vmul.f32 v8, v7  }
0x60: {  	_ =	sdelay $0x2  }
0x61: {  	v3 =	vsub.f32 v3, v5;
	v4 =	vsub.f32 v4, v6;
	_ =	sdelay $0x1  }
0x62: {  	v3 =	vmul.f32 v4, v3  }
0x63: {  	[tilespmem:s2+$0x2800] =	vst v7  }
0x64: {  	[tilespmem:s4+$0x2800] =	vst v3  }
0x65: {  	v3 =	vld [tilespmem:$0x3300]  }
0x66: {  	v45 =	vld [tilespmem:$0x3200]  }
0x67: {  	v46 =	vld [tilespmem:$0x3380]  }
0x68: {  	v47 =	vld [tilespmem:$0x3280]  }
0x69: {  	v7 =	vld [tilespmem:$0x3310]  }
0x6a: {  	v8 =	vld [tilespmem:$0x3210]  }
0x6b: {  	v9 =	vld [tilespmem:$0x3390]  }
0x6c: {  	v10 =	vld [tilespmem:$0x3290]  }
0x6d: {  	v11 =	vld [tilespmem:$0x3320]  }
0x6e: {  	v12 =	vld [tilespmem:$0x3220]  }
0x6f: {  	v13 =	vld [tilespmem:$0x33A0]  }
0x70: {  	v14 =	vld [tilespmem:$0x32A0]  }
0x71: {  	v15 =	vld [tilespmem:$0x3330]  }
0x72: {  	v16 =	vld [tilespmem:$0x3230]  }
0x73: {  	v17 =	vld [tilespmem:$0x33B0]  }
0x74: {  	v18 =	vld [tilespmem:$0x32B0]  }
0x75: {  	v19 =	vld [tilespmem:$0x3340]  }
0x76: {  	v20 =	vld [tilespmem:$0x3240]  }
0x77: {  	v21 =	vld [tilespmem:$0x33C0]  }
0x78: {  	v22 =	vld [tilespmem:$0x32C0]  }
0x79: {  	v23 =	vld [tilespmem:$0x3350]  }
0x7a: {  	v24 =	vld [tilespmem:$0x3250]  }
0x7b: {  	v25 =	vld [tilespmem:$0x33D0]  }
0x7c: {  	v26 =	vld [tilespmem:$0x32D0]  }
0x7d: {  	v27 =	vld [tilespmem:$0x3360]  }
0x7e: {  	v28 =	vld [tilespmem:$0x3260]  }
0x7f: {  	v49 =	vld [tilespmem:$0x33E0];
	v3 =	vsub.f32 v3, v45;
	v48 =	vsub.f32 v46, v47  }
0x80: {  	v52 =	vld [tilespmem:$0x32E0];
	v50 =	vsub.f32 v7, v8;
	v51 =	vsub.f32 v9, v10  }
0x81: {  	v53 =	vsub.f32 v11, v12;
	v54 =	vsub.f32 v13, v14;
	v3 =	vmul.f32 v48, v3  }
0x82: {  	v55 =	vsub.f32 v15, v16;
	v56 =	vsub.f32 v17, v18;
	v6 =	vmul.f32 v51, v50  }
0x83: {  	v57 =	vsub.f32 v19, v20;
	v58 =	vsub.f32 v21, v22;
	[tilespmem:$0x3400] =	vst v3;
	v3 =	vmul.f32 v54, v53  }
0x84: {  	v60 =	vsub.f32 v23, v24;
	v61 =	vsub.f32 v25, v26;
	v59 =	vmul.f32 v56, v55;
	[tilespmem:$0x3410] =	vst v6  }
0x85: {  	v62 =	vsub.f32 v27, v28;
	v5 =	vsub.f32 v49, v52;
	[tilespmem:$0x3420] =	vst v3;
	v3 =	vmul.f32 v58, v57  }
0x86: {  	v63 =	vmul.f32 v61, v60;
	[tilespmem:$0x3430] =	vst v59  }
0x87: {  	[tilespmem:$0x3440] =	vst v3;
	v3 =	vmul.f32 v5, v62  }
0x88: {  	[tilespmem:$0x3450] =	vst v63  }
0x89: {  	s2 =	simm.s32 $0x0;
	[tilespmem:$0x3460] =	vst v3  }
.LBB2_4:
0x8a: {  	s4 =	sshll.u32 s2, $0x4  }
0x8b: {  	v3 =	vld [tilespmem:s4+$0x3200]  }
0x8c: {  	v4 =	vld [tilespmem:s4+$0x3280]  }
0x8d: {  	v5 =	vld [tilespmem:s4+$0x3300]  }
0x8e: {  	v6 =	vld [tilespmem:s4+$0x3380]  }
0x8f: {  	v9 =	vimm.f32 $0.0e+00;
	v8 =	vimm.s32 $0x0;
	s8 =	simm.s32 $0x0;
	v7 =	vld [tilespmem:s4+$0x3400]  }
.LBB2_5:
0x90: {  	s5 =	sshll.u32 s8, $0x2  }
0x91: {  	v10 =	vmov s5  }
0x92: {  	vm0 =	veq.s32 v10, v0  }
0x93: {  	v10 =	vnsel vm0, $0x0, v3  }
0x94: {  	(xrf2) =	vadd.scan.msk.f32 $0xffff, v10;
	v10 =	vnsel vm0, $0x0, v4  }
0x95: {  	s6 =	sor.u32 $0x1, s5;
	(xrf2) =	vadd.scan.msk.f32 $0xffff, v10;
	v10 =	vnsel vm0, $0x0, v5  }
0x96: {  	v11 =	vmov s6;
	(xrf2) =	vadd.scan.msk.f32 $0xffff, v10;
	v10 =	vnsel vm0, $0x0, v6  }
0x97: {  	vm1 =	veq.s32 v11, v0;
	(xrf2) =	vadd.scan.msk.f32 $0xffff, v10;
	v10 =	vnsel vm0, $0x0, v7  }
0x98: {  	(xrf2) =	vadd.scan.msk.f32 $0xffff, v10;
	v10 =	vnsel vm1, $0x0, v3  }
0x99: {  	(xrf2) =	vadd.scan.msk.f32 $0xffff, v10;
	v10 =	vnsel vm1, $0x0, v4  }
0x9a: {  	s5 =	sor.u32 $0x2, s5;
	(xrf2) =	vadd.scan.msk.f32 $0xffff, v10;
	v10 =	vnsel vm1, $0x0, v5  }
0x9b: {  	v11 =	vmov s5;
	(xrf2) =	vadd.scan.msk.f32 $0xffff, v10;
	v10 =	vnsel vm1, $0x0, v6  }
0x9c: {  	vm2 =	veq.s32 v11, v0;
	(xrf2) =	vadd.scan.msk.f32 $0xffff, v10;
	v10 =	vnsel vm1, $0x0, v7  }
0x9d: {  	s5 =	simm.s32 $0x0;
	(xrf2) =	vadd.scan.msk.f32 $0xffff, v10;
	v10 =	vnsel vm2, $0x0, v3  }
0x9e: {  	s11 =	sshllo.u32 s8, $0x2;
	s17 =	simm.s32 $0xA00;
	v30 =	vld [tilespmem:s5+$0x0];
	v11, _, _ =	vpop (xrf2);
	(xrf2) =	vadd.scan.msk.f32 $0xffff, v10;
	v10 =	vnsel vm2, $0x0, v4  }
0x9f: {  	v14 =	vmov s11;
	v33 =	vld [tilespmem:s17+$0x0];
	v13, _, _ =	vpop (xrf2);
	(xrf2) =	vadd.scan.msk.f32 $0xffff, v10;
	v10 =	vnsel vm2, $0x0, v5  }
0xa0: {  	s12 =	simm.s32 $0x2800;
	v12, _, _ =	vpop (xrf2);
	(xrf2) =	vadd.scan.msk.f32 $0xffff, v10;
	v10 =	vnsel vm2, $0x0, v6  }
0xa1: {  	v31 =	vld [tilespmem:s12+$0x0];
	vm3 =	veq.s32 v14, v0;
	v11 =	vbroadcast v11, $0xF;
	v15, _, _ =	vpop (xrf2);
	(xrf2) =	vadd.scan.msk.f32 $0xffff, v10;
	v10 =	vnsel vm2, $0x0, v7  }
0xa2: {  	s9 =	simm.s32 $0x1E00;
	v13 =	vbroadcast v13, $0xF;
	v14, _, _ =	vpop (xrf2);
	(xrf2) =	vadd.scan.msk.f32 $0xffff, v10;
	v10 =	vnsel vm3, $0x0, v3  }
0xa3: {  	v32 =	vld [tilespmem:s9+$0x0];
	v26 =	vnsel vm3, $0x0, v7;
	v38 =	vmax.f32 v30, v11;
	v16, _, _ =	vpop (xrf2);
	(xrf2) =	vadd.scan.msk.f32 $0xffff, v10;
	v10 =	vnsel vm3, $0x0, v4  }
0xa4: {  	v40 =	vmax.f32 v33, v13;
	v14 =	vbroadcast v14, $0xF;
	v18, _, _ =	vpop (xrf2);
	(xrf2) =	vadd.scan.msk.f32 $0xffff, v10;
	v10 =	vnsel vm3, $0x0, v5  }
0xa5: {  	v16 =	vbroadcast v16, $0xF;
	v17, _, _ =	vpop (xrf2);
	(xrf2) =	vadd.scan.msk.f32 $0xffff, v10;
	v10 =	vnsel vm3, $0x0, v6;
	v18 =	vbroadcast v18, $0xF  }
0xa6: {  	s13 =	simm.s32 $0x1400;
	v63 =	vadd.f32 v31, v14;
	v19, _, _ =	vpop (xrf2);
	(xrf2) =	vadd.scan.msk.f32 $0xffff, v10;
	v10 =	vbroadcast v12, $0xF;
	v12 =	vbroadcast v15, $0xF  }
0xa7: {  	v15 =	vbroadcast v17, $0xF;
	v42 =	vmax.f32 v30, v16;
	v20, _, _ =	vpop (xrf2);
	v17 =	vbroadcast v19, $0xF;
	v19 =	vld [tilespmem:s13+$0x0]  }
0xa8: {  	v44 =	vmax.f32 v33, v18;
	v22, _, _ =	vpop (xrf2);
	v20 =	vbroadcast v20, $0xF;
	v39 =	vmin.f32 v32, v12  }
0xa9: {  	v24, _, _ =	vpop (xrf2);
	v22 =	vbroadcast v22, $0xF;
	v43 =	vmin.f32 v32, v17;
	v51 =	vsub.f32 v39, v40  }
0xaa: {  	v21, _, _ =	vpop (xrf2);
	v24 =	vbroadcast v24, $0xF;
	v36 =	vadd.f32 v31, v20;
	v53 =	vsub.f32 v43, v44  }
0xab: {  	s11 =	simm.s32 $0x1410;
	(xrf2) =	vadd.scan.msk.f32 $0xffff, v26;
	v23, _, _ =	vpop (xrf2);
	v21 =	vbroadcast v21, $0xF;
	v46 =	vmax.f32 v30, v22;
	v57 =	vmax.f32 v51, $0.0e+00  }
0xac: {  	v44 =	vld [tilespmem:s11+$0x0];
	v25, _, _ =	vpop (xrf2);
	v23 =	vbroadcast v23, $0xF;
	v35 =	vmin.f32 v19, v10;
	v41 =	vmin.f32 v19, v15  }
0xad: {  	v48 =	vmax.f32 v33, v24;
	v59 =	vmax.f32 v53, $0.0e+00;
	v25 =	vbroadcast v25, $0xF  }
0xae: {  	v27, _, _ =	vpop (xrf2);
	v45 =	vmin.f32 v19, v21;
	v35 =	vsub.f32 v35, v38;
	v52 =	vsub.f32 v41, v42  }
0xaf: {  	v29, _, _ =	vpop (xrf2);
	v27 =	vbroadcast v27, $0xF;
	v47 =	vmin.f32 v32, v23;
	v54 =	vsub.f32 v45, v46  }
0xb0: {  	v28, _, _ =	vpop (xrf2);
	v29 =	vbroadcast v29, $0xF;
	v37 =	vadd.f32 v31, v25;
	v55 =	vsub.f32 v47, v48  }
0xb1: {  	v58 =	vmax.f32 v52, $0.0e+00;
	v48 =	vmin.f32 v44, v15;
	v34, _, _ =	vpop (xrf2);
	v26 =	vbroadcast v28, $0xF  }
0xb2: {  	v30 =	vmax.f32 v30, v27;
	v60 =	vmax.f32 v54, $0.0e+00;
	v28 =	vbroadcast v34, $0xF  }
0xb3: {  	s10 =	simm.s32 $0x10;
	v40 =	vmul.f32 v59, v58;
	v33 =	vmax.f32 v33, v29;
	v49 =	vmin.f32 v19, v26  }
0xb4: {  	v45 =	vld [tilespmem:s10+$0x0];
	v32 =	vmin.f32 v32, v28;
	v56 =	vsub.f32 v49, v30;
	v30 =	vmax.f32 v35, $0.0e+00  }
0xb5: {  	s6 =	simm.s32 $0x2810;
	v61 =	vmax.f32 v55, $0.0e+00;
	v19, _, _ =	vpop (xrf2);
	v32 =	vsub.f32 v32, v33;
	v38 =	vmul.f32 v57, v30  }
0xb6: {  	v52 =	vmin.f32 v44, v21;
	v19 =	vbroadcast v19, $0xF;
	v35 =	vmul.f32 v61, v60;
	v30 =	vld [tilespmem:s6+$0x0]  }
0xb7: {  	v62 =	vmax.f32 v56, $0.0e+00;
	v34 =	vsub.f32 v63, v38;
	v32 =	vmax.f32 v32, $0.0e+00  }
0xb8: {  	s12 =	simm.s32 $0x1E10;
	v36 =	vsub.f32 v36, v40;
	v31 =	vadd.f32 v31, v19;
	v33 =	vmul.f32 v32, v62  }
0xb9: {  	v49 =	vmax.f32 v45, v16;
	v37 =	vsub.f32 v37, v35;
	v32 =	vld [tilespmem:s12+$0x0];
	(erf) = vrcp.f32 v34  }
0xba: {  	v58 =	vmax.f32 v45, v22;
	v31 =	vsub.f32 v31, v33;
	(erf) = vrcp.f32 v36  }
0xbb: {  	s13 =	simm.s32 $0xA10;
	v56 =	vsub.f32 v48, v49;
	v43 =	vadd.f32 v30, v14;
	(erf) = vrcp.f32 v37  }
0xbc: {  	v34 =	vld [tilespmem:s13+$0x0];
	v42 =	vadd.f32 v30, v20;
	v39 =	vadd.f32 v30, v25;
	(erf) = vrcp.f32 v31  }
0xbd: {  	v36 =	vmax.f32 v45, v11;
	v45 =	vmax.f32 v45, v27;
	v37 =	vimm.f32 $-Inf  }
0xbe: {  	v31 =	vmin.f32 v44, v10;
	v44 =	vmin.f32 v44, v26;
	v41 =	vmin.f32 v32, v12  }
0xbf: {  	v50 =	vmin.f32 v32, v17;
	v59 =	vmin.f32 v32, v23;
	v46 =	vmin.f32 v32, v28  }
0xc0: {  	v53 =	vsub.f32 v31, v36;
	v36 =	vimm.f32 $-Inf;
	v32 =	vimm.f32 $-Inf  }
0xc1: {  	v47 =	vmax.f32 v34, v13;
	v51 =	vmax.f32 v34, v18;
	v60 =	vmax.f32 v34, v24  }
0xc2: {  	v54 =	vsub.f32 v41, v47;
	v47 =	vmax.f32 v34, v29;
	v55 =	vsub.f32 v50, v51;
	v31 =	vpop (erf)  }
0xc3: {  	v51 =	vsub.f32 v52, v58;
	v49 =	vsub.f32 v59, v60;
	v41 =	vimm.s32 $0x0;
	v63 =	vpop (erf)  }
0xc4: {  	v34 =	vimm.s32 $0x0;
	v57 =	vmul.f32 v31, v38;
	v38 =	vimm.s32 $0x0;
	v50 =	vpop (erf)  }
0xc5: {  	s9 =	simm.s32 $0x1;
	s17 =	simm.s32 $0x2;
	v31 =	vimm.s32 $0x0;
	v52 =	vmul.f32 v63, v40;
	v40 =	vimm.f32 $-Inf;
	v48 =	vpop (erf)  }
.LBB2_6:
0xc6: {  	p0 =	sne.s32 s17, $0x9C;
	vm4 =	vgt.f32 v57, v37;
	v35 =	vmul.f32 v50, v35;
	v33 =	vmul.f32 v48, v33  }
0xc7: {  	v44 =	vsub.f32 v44, v45;
	v45 =	vsub.f32 v46, v47;
	v37 =	vsel vm4, v57, v37  }
0xc8: {  	vm7 =	vgt.f32 v52, v40;
	vm5 =	vgt.f32 v35, v36;
	vm6 =	vgt.f32 v33, v32  }
0xc9: {  	v40 =	vsel vm7, v52, v40;
	v36 =	vsel vm5, v35, v36;
	v32 =	vsel vm6, v33, v32  }
0xca: {  	v46 =	vmax.f32 v56, $0.0e+00;
	v33 =	vmax.f32 v53, $0.0e+00;
	v35 =	vmax.f32 v54, $0.0e+00  }
0xcb: {  	s6 =	sadd.s32 $0x10, s6;
	v48 =	vmul.f32 v35, v33;
	v33 =	vmax.f32 v55, $0.0e+00;
	v35 =	vmax.f32 v51, $0.0e+00  }
0xcc: {  	s10 =	sadd.s32 $0x10, s10;
	v44 =	vmax.f32 v44, $0.0e+00;
	v52 =	vmul.f32 v33, v46;
	v33 =	vmax.f32 v49, $0.0e+00;
	v47 =	vld [tilespmem:s6+$0x0]  }
0xcd: {  	s11 =	sadd.s32 $0x10, s11;
	v43 =	vsub.f32 v43, v48;
	v35 =	vmul.f32 v33, v35;
	v33 =	vmax.f32 v45, $0.0e+00;
	v46 =	vld [tilespmem:s10+$0x0]  }
0xce: {  	v1 =	vadd.f32 v30, v19;
	s12 =	sadd.s32 $0x10, s12;
	v42 =	vsub.f32 v42, v52;
	v33 =	vmul.f32 v33, v44;
	v45 =	vld [tilespmem:s11+$0x0]  }
0xcf: {  	s13 =	sadd.s32 $0x10, s13;
	v41 =	vsel vm4, s5, v41;
	v39 =	vsub.f32 v39, v35;
	v49 =	vld [tilespmem:s12+$0x0];
	(erf) = vrcp.f32 v43  }
0xd0: {  	v38 =	vsel vm7, s5, v38;
	v44 =	vsub.f32 v1, v33;
	v50 =	vld [tilespmem:s13+$0x0];
	(erf) = vrcp.f32 v42  }
0xd1: {  	v34 =	vsel vm5, s5, v34;
	v31 =	vsel vm6, s5, v31;
	s5 =	smov.u32 s9;
	s9 =	smov.u32 s17;
	(erf) = vrcp.f32 v39;
	v30 =	vmovc v47  }
0xd2: {  	v43 =	vadd.f32 v30, v14;
	(erf) = vrcp.f32 v44  }
0xd3: {  	v42 =	vadd.f32 v30, v20;
	v39 =	vadd.f32 v30, v25  }
0xd4: {  	v51 =	vmax.f32 v46, v11;
	v47 =	vmin.f32 v45, v10;
	v54 =	vmin.f32 v49, v12  }
0xd5: {  	v57 =	vmax.f32 v46, v16;
	v56 =	vmin.f32 v45, v15;
	v55 =	vmax.f32 v50, v13  }
0xd6: {  	v60 =	vmin.f32 v45, v21;
	v58 =	vmin.f32 v49, v17;
	v59 =	vmax.f32 v50, v18  }
.Ltmp1:
0xd7: {  	v61 =	vmax.f32 v46, v22;
	v62 =	vmin.f32 v49, v23;
	v63 =	vmax.f32 v50, v24;
	(pc) =	sbr.rel @p0 .LBB2_6-.Ltmp1, $4  }
0xd8: {  	v44 =	vmin.f32 v45, v26;
	v45 =	vmax.f32 v46, v27;
	v46 =	vmin.f32 v49, v28;
	v49 =	vpop (erf)  }
0xd9: {  	v53 =	vsub.f32 v47, v51;
	v47 =	vmax.f32 v50, v29;
	v54 =	vsub.f32 v54, v55;
	v1 =	vpop (erf)  }
0xda: {  	v56 =	vsub.f32 v56, v57;
	v55 =	vsub.f32 v58, v59;
	v57 =	vmul.f32 v49, v48;
	v50 =	vpop (erf)  }
0xdb: {  	s17 =	sadd.s32 $0x1, s17;
	v51 =	vsub.f32 v60, v61;
	v49 =	vsub.f32 v62, v63;
	v52 =	vmul.f32 v1, v52;
	v48 =	vpop (erf)  }
0xdc: {  	v1 =	vmax.f32 v53, $0.0e+00;
	v10 =	vmax.f32 v54, $0.0e+00  }
0xdd: {  	v1 =	vmul.f32 v10, v1;
	_ =	sdelay $0x1  }
0xde: {  	v10 =	vsub.f32 v43, v1;
	_ =	sdelay $0x1  }
0xdf: {  	(erf) = vrcp.f32 v10;
	_ =	sdelay $0x5  }
0xe0: {  	v11 =	vmax.f32 v55, $0.0e+00  }
0xe1: {  	v10 =	vmax.f32 v56, $0.0e+00  }
0xe2: {  	v10 =	vmul.f32 v11, v10  }
0xe3: {  	v11 =	vpop (erf)  }
0xe4: {  	vm4 =	vgt.f32 v57, v37;
	v12 =	vsub.f32 v42, v10;
	v1 =	vmul.f32 v11, v1  }
0xe5: {  	v11 =	vsel vm4, v57, v37  }
0xe6: {  	(erf) = vrcp.f32 v12;
	vm5 =	vgt.f32 v1, v11  }
0xe7: {  	v1 =	vsel vm5, v1, v11  }
0xe8: {  	(xrf0) =	vmax.scan.msk.f32 $0xffff, v1;
	_ =	sdelay $0x4  }
0xe9: {  	v49 =	vmax.f32 v49, $0.0e+00;
	v11 =	vmax.f32 v51, $0.0e+00  }
0xea: {  	v51 =	vsel vm4, s5, v41;
	v11 =	vmul.f32 v49, v11;
	v13, _, _ =	vpop (xrf0)  }
0xeb: {  	vm14 =	vgt.f32 v52, v40;
	v12 =	vsel vm5, s9, v51;
	v14 =	vpop (erf);
	v13 =	vbroadcast v13, $0xF  }
0xec: {  	v12 =	vshll.u32 v12, $0x4;
	v15 =	vsub.f32 v39, v11;
	v10 =	vmul.f32 v14, v10  }
0xed: {  	v53 =	vsel vm14, v52, v40;
	vm15 =	veq.f32 v1, v13;
	v1 =	vxor.u32 v2, v12  }
0xee: {  	(erf) = vrcp.f32 v15;
	vm6 =	vgt.f32 v10, v53;
	v1 =	vnsel vm15, $0xC0000000, v1  }
0xef: {  	v10 =	vsel vm6, v10, v53;
	(xrf0) =	vmin.scan.msk.u32 $0xffff, v1  }
0xf0: {  	(xrf0) =	vmax.scan.msk.f32 $0xffff, v10;
	_ =	sdelay $0x2  }
0xf1: {  	v54 =	vsub.f32 v46, v47;
	v1 =	vsub.f32 v44, v45;
	_ =	sdelay $0x1  }
0xf2: {  	v55 =	vmul.f32 v50, v35;
	v12 =	vmax.f32 v54, $0.0e+00;
	v1 =	vmax.f32 v1, $0.0e+00;
	v56, _, _ =	vpop (xrf0)  }
0xf3: {  	v16 =	vsel vm14, s5, v38;
	v57 =	vadd.f32 v30, v19;
	v1 =	vmul.f32 v12, v1;
	v17, _, _ =	vpop (xrf0)  }
0xf4: {  	vm9 =	vgt.f32 v55, v36;
	v16 =	vsel vm6, s9, v16;
	v18 =	vpop (erf);
	v17 =	vbroadcast v17, $0xF  }
0xf5: {  	v16 =	vshll.u32 v16, $0x4;
	v11 =	vmul.f32 v18, v11;
	v12 =	vsub.f32 v57, v1  }
0xf6: {  	v14 =	vsel vm9, v55, v36;
	vm10 =	veq.f32 v10, v17;
	v10 =	vxor.u32 v2, v16  }
0xf7: {  	vm11 =	vgt.f32 v11, v14;
	(erf) = vrcp.f32 v12;
	v10 =	vnsel vm10, $0xC0000000, v10  }
0xf8: {  	v11 =	vsel vm11, v11, v14;
	(xrf0) =	vmin.scan.msk.u32 $0xffff, v10  }
0xf9: {  	(xrf0) =	vmax.scan.msk.f32 $0xffff, v11;
	_ =	sdelay $0x4  }
0xfa: {  	v10, _, _ =	vpop (xrf0)  }
0xfb: {  	v58 =	vmul.f32 v48, v33;
	v59 =	vsel vm9, s5, v34;
	v60, _, _ =	vpop (xrf0)  }
0xfc: {  	v14 =	vsel vm11, s9, v59;
	v61 =	vpop (erf);
	v16 =	vbroadcast v60, $0xF  }
0xfd: {  	vm12 =	vgt.f32 v58, v32;
	v14 =	vshll.u32 v14, $0x4;
	v1 =	vmul.f32 v61, v1  }
0xfe: {  	v12 =	vsel vm12, v58, v32;
	vm13 =	veq.f32 v11, v16;
	v11 =	vxor.u32 v2, v14  }
0xff: {  	vm14 =	vgt.f32 v1, v12;
	v11 =	vnsel vm13, $0xC0000000, v11  }
0x100: {  	v1 =	vsel vm14, v1, v12;
	(xrf0) =	vmin.scan.msk.u32 $0xffff, v11  }
0x101: {  	(xrf0) =	vmax.scan.msk.f32 $0xffff, v1;
	_ =	sdelay $0x4  }
0x102: {  	v11, _, _ =	vpop (xrf0)  }
0x103: {  	v62 =	vsel vm12, s5, v31;
	v63, _, _ =	vpop (xrf0)  }
0x104: {  	v12 =	vsel vm14, s9, v62;
	v14 =	vbroadcast v63, $0xF  }
0x105: {  	v12 =	vshll.u32 v12, $0x4  }
0x106: {  	vm15 =	veq.f32 v1, v14;
	v1 =	vxor.u32 v2, v12  }
0x107: {  	v1 =	vnsel vm15, $0xC0000000, v1  }
0x108: {  	(xrf0) =	vmin.scan.msk.u32 $0xffff, v1;
	_ =	sdelay $0x2  }
0x109: {  	(v2sf) =	vpush v56, $0xF;
	_ =	sdelay $0x1  }
0x10a: {  	(v2sf) =	vpush v10, $0xF  }
0x10b: {  	(v2sf) =	vpush v11, $0xF;
	v1, _, _ =	vpop (xrf0)  }
0x10c: {  	(v2sf) =	vpush v1, $0xF;
	_ =	sdelay $0xa  }
0x10d: {  	s10 =	spop (v2sf)  }
0x10e: {  	s5 =	sxor.u32 $0x80000000, s10  }
0x10f: {  	p0 =	sgt.s32 s5, $0x3FFFFFFF;
	s6 =	spop (v2sf)  }
0x110: {  	s5 =	simm.s32 @p0 $0x0;
	s6 =	sxor.u32 $0x80000000, s6;
	s11 =	spop (v2sf)  }
0x111: {  	p0 =	sgt.s32 s6, $0x3FFFFFFF;
	s9 =	sxor.u32 $0x80000000, s11;
	s10 =	spop (v2sf)  }
0x112: {  	s6 =	simm.s32 @p0 $0x0;
	p0 =	sgt.s32 s9, $0x3FFFFFFF;
	s10 =	sxor.u32 $0x80000000, s10  }
0x113: {  	s8 =	sadd.s32 $0x1, s8;
	s9 =	simm.s32 @p0 $0x0;
	p0 =	sgt.s32 s10, $0x3FFFFFFF  }
0x114: {  	s10 =	simm.s32 @p0 $0x0;
	p0 =	sne.s32 s8, $0x4  }
.Ltmp2:
0x115: {  	s5 =	sadd.s32 s7, s5;
	(pc) =	sbr.rel @p0 .LBB2_5-.Ltmp2, $4  }
0x116: {  	s12 =	sadd.s32 s7, s6;
	v1 =	vsel vm0, s5, v8;
	v8 =	vsel vm0, v13, v9  }
0x117: {  	v1 =	vsel vm1, s12, v1;
	v8 =	vsel vm1, v17, v8;
	s13 =	sadd.s32 s7, s9  }
0x118: {  	v8 =	vsel vm2, v16, v8;
	v1 =	vsel vm2, s13, v1;
	s17 =	sadd.s32 s7, s10  }
0x119: {  	v9 =	vsel vm3, v14, v8;
	v8 =	vsel vm3, s17, v1  }
0x11a: {  	s2 =	sadd.s32 $0x1, s2;
	v1 =	vld [tilespmem:$0x1FFF0]  }
0x11b: {  	p0 =	sne.s32 s2, $0x7  }
.Ltmp3:
0x11c: {  	_ = 	snop;
	(pc) =	sbr.rel @p0 .LBB2_4-.Ltmp3, $4  }
0x11d: {  	_ = 	snop  }
0x11e: {  	[tilespmem:s4+$0x3480] =	vst v9  }
0x11f: {  	[tilespmem:s4+$0x3500] =	vst v8;
	v1 =	vadd.s32 v1, v8  }
0x120: {  	[tilespmem:s4+$0x3580] =	vst v1  }
0x121: {  	s2 =	rddreg [dreg:$0xd];
	s4 =	simm.s32 $0x3480  }
0x122: {  	[hbm4b:s2+s3] =	stream.linear.scatter [tilespmem:s4], [sflag:$0x2], $0x80, $0x38;
	[tilespmem:$0x3E00] =	vst v63  }
0x123: {  	_ =	swait.ge [sflag:s14], $0x80  }
0x124: {  	[sflag:s14] =	ssyncset.done $0x0  }
0x125: {  	s13 =	simm.s32 $0x3500;
	s12 =	rddreg [dreg:$0xe];
	[sflag:s14] =	ssyncadd.s32 $0xFFFFFF80  }
0x126: {  	[hbm4b:s12+s3] =	stream.linear.scatter [tilespmem:s13], [sflag:$0x2], $0x80, $0x38;
	[tilespmem:$0x3E00] =	vst v63  }
0x127: {  	_ =	swait.ge [sflag:s14], $0x80  }
0x128: {  	[sflag:s14] =	ssyncset.done $0x0;
	s17 =	rddreg [dreg:$0x1e]  }
0x129: {  	s4 =	simm.s32 $0x3600;
	s5 =	rddreg [dreg:$0x1f];
	[sflag:s14] =	ssyncadd.s32 $0xFFFFFF80  }
0x12a: {  	[tilespmem:s4], [sflag:$0x1] =	stream.indirect.gather [hbm4b:s17+s15], $0x1, s16, s15, $0xb8;
	[tilespmem:$0x3E00] =	vst v63  }
0x12b: {  	s8 =	rddreg [dreg:$0x2]  }
0x12c: {  	[tilespmem:s18], [sflag:$0x1] =	stream.indirect.gather [hbm4b:s5+s15], $0x1, s16, s15, $0xb8;
	[tilespmem:$0x3E00] =	vst v63  }
0x12d: {  	s6 =	rddreg [dreg:$0x0]  }
0x12e: {  	[tilespmem:s19], [sflag:$0x1] =	stream.indirect.gather [hbm4b:s6+s15], $0x1, s16, s15, $0xb8;
	[tilespmem:$0x3E00] =	vst v63  }
0x12f: {  	s9 =	rddreg [dreg:$0x3]  }
0x130: {  	[tilespmem:s20], [sflag:$0x1] =	stream.indirect.gather [hbm4b:s8+s15], $0x1, s16, s15, $0xb8;
	[tilespmem:$0x3E00] =	vst v63  }
0x131: {  	s10 =	rddreg [dreg:$0x4]  }
0x132: {  	[tilespmem:s21], [sflag:$0x1] =	stream.indirect.gather [hbm4b:s9+s15], $0x1, s16, s15, $0xb8;
	[tilespmem:$0x3E00] =	vst v63  }
0x133: {  	s11 =	sld [smem:$0x7F6]  }
0x134: {  	[tilespmem:s22], [sflag:$0x1] =	stream.indirect.gather [hbm4b:s10+s15], $0x1, s16, s15, $0xb8;
	[tilespmem:$0x3E00] =	vst v63  }
0x135: {  	s12 =	sld [smem:$0x7F7]  }
0x136: {  	[tilespmem:s23], [sflag:$0x1] =	stream.indirect.gather [hbm4b:s11+s15], $0x1, s16, s15, $0xb8;
	[tilespmem:$0x3E00] =	vst v63  }
0x137: {  	s13 =	sld [smem:$0x7F8]  }
0x138: {  	[tilespmem:s24], [sflag:$0x1] =	stream.indirect.gather [hbm4b:s12+s15], $0x1, s16, s15, $0xb8;
	[tilespmem:$0x3E00] =	vst v63  }
0x139: {  	s17 =	sld [smem:$0x7F9]  }
0x13a: {  	[tilespmem:s25], [sflag:$0x1] =	stream.indirect.gather [hbm4b:s13+s15], $0x1, s16, s15, $0xb8;
	[tilespmem:$0x3E00] =	vst v63  }
0x13b: {  	s5 =	sld [smem:$0x7FA]  }
0x13c: {  	[tilespmem:s26], [sflag:$0x1] =	stream.indirect.gather [hbm4b:s17+s15], $0x1, s16, s15, $0xb8;
	[tilespmem:$0x3E00] =	vst v63  }
0x13d: {  	s6 =	sld [smem:$0x7FB]  }
0x13e: {  	[tilespmem:s28], [sflag:$0x1] =	stream.indirect.gather [hbm4b:s5+s15], $0x1, s16, s15, $0xb8;
	[tilespmem:$0x3E00] =	vst v63  }
0x13f: {  	s8 =	sld [smem:$0x7FC]  }
0x140: {  	[tilespmem:s29], [sflag:$0x1] =	stream.indirect.gather [hbm4b:s6+s15], $0x1, s16, s15, $0xb8;
	[tilespmem:$0x3E00] =	vst v63  }
0x141: {  	s9 =	sld [smem:$0x7FD]  }
0x142: {  	[tilespmem:s30], [sflag:$0x1] =	stream.indirect.gather [hbm4b:s8+s15], $0x1, s16, s15, $0xb8;
	[tilespmem:$0x3E00] =	vst v63  }
0x143: {  	_ = 	snop  }
0x144: {  	[tilespmem:s31], [sflag:$0x1] =	stream.indirect.gather [hbm4b:s9+s15], $0x1, s16, s15, $0xb8;
	[tilespmem:$0x3E00] =	vst v63  }
0x145: {  	_ =	swait.ge [sflag:s0], $0x70  }
0x146: {  	[sflag:s0] =	ssyncset.done $0x0  }
0x147: {  	[sflag:s0] =	ssyncadd.s32 $0xFFFFFF90  }
0x148: {  	_ =	swait.ge [sflag:s0], $0x70  }
0x149: {  	[sflag:s0] =	ssyncset.done $0x0  }
0x14a: {  	[sflag:s0] =	ssyncadd.s32 $0xFFFFFF90  }
0x14b: {  	_ =	swait.ge [sflag:s0], $0x70  }
0x14c: {  	[sflag:s0] =	ssyncset.done $0x0  }
0x14d: {  	[sflag:s0] =	ssyncadd.s32 $0xFFFFFF90  }
0x14e: {  	_ =	swait.ge [sflag:s0], $0x70  }
0x14f: {  	[sflag:s0] =	ssyncset.done $0x0  }
0x150: {  	[sflag:s0] =	ssyncadd.s32 $0xFFFFFF90  }
0x151: {  	_ =	swait.ge [sflag:s0], $0x70  }
0x152: {  	[sflag:s0] =	ssyncset.done $0x0  }
0x153: {  	[sflag:s0] =	ssyncadd.s32 $0xFFFFFF90  }
0x154: {  	_ =	swait.ge [sflag:s0], $0x70  }
0x155: {  	[sflag:s0] =	ssyncset.done $0x0  }
0x156: {  	[sflag:s0] =	ssyncadd.s32 $0xFFFFFF90  }
0x157: {  	_ =	swait.ge [sflag:s0], $0x70  }
0x158: {  	[sflag:s0] =	ssyncset.done $0x0  }
0x159: {  	[sflag:s0] =	ssyncadd.s32 $0xFFFFFF90  }
0x15a: {  	_ =	swait.ge [sflag:s0], $0x70  }
0x15b: {  	[sflag:s0] =	ssyncset.done $0x0  }
0x15c: {  	[sflag:s0] =	ssyncadd.s32 $0xFFFFFF90  }
0x15d: {  	_ =	swait.ge [sflag:s0], $0x70  }
0x15e: {  	[sflag:s0] =	ssyncset.done $0x0  }
0x15f: {  	[sflag:s0] =	ssyncadd.s32 $0xFFFFFF90  }
0x160: {  	_ =	swait.ge [sflag:s0], $0x70  }
0x161: {  	[sflag:s0] =	ssyncset.done $0x0  }
0x162: {  	[sflag:s0] =	ssyncadd.s32 $0xFFFFFF90  }
0x163: {  	_ =	swait.ge [sflag:s0], $0x70  }
0x164: {  	[sflag:s0] =	ssyncset.done $0x0  }
0x165: {  	[sflag:s0] =	ssyncadd.s32 $0xFFFFFF90  }
0x166: {  	_ =	swait.ge [sflag:s0], $0x70  }
0x167: {  	[sflag:s0] =	ssyncset.done $0x0  }
0x168: {  	[sflag:s0] =	ssyncadd.s32 $0xFFFFFF90  }
0x169: {  	_ =	swait.ge [sflag:s0], $0x70  }
0x16a: {  	[sflag:s0] =	ssyncset.done $0x0  }
0x16b: {  	[sflag:s0] =	ssyncadd.s32 $0xFFFFFF90  }
0x16c: {  	_ =	swait.ge [sflag:s0], $0x70  }
0x16d: {  	[sflag:s0] =	ssyncset.done $0x0  }
0x16e: {  	s10 =	rddreg [dreg:$0xf];
	[sflag:s0] =	ssyncadd.s32 $0xFFFFFF90  }
0x16f: {  	[hbm4b:s10+s3] =	stream.linear.scatter [tilespmem:s4], [sflag:$0x2], $0x80, $0x38;
	[tilespmem:$0x3E00] =	vst v63  }
0x170: {  	_ =	swait.ge [sflag:s14], $0x80  }
0x171: {  	[sflag:s14] =	ssyncset.done $0x0  }
0x172: {  	s11 =	rddreg [dreg:$0x10];
	[sflag:s14] =	ssyncadd.s32 $0xFFFFFF80  }
0x173: {  	[hbm4b:s11+s3] =	stream.linear.scatter [tilespmem:s18], [sflag:$0x2], $0x80, $0x38;
	[tilespmem:$0x3E00] =	vst v63  }
0x174: {  	_ =	swait.ge [sflag:s14], $0x80  }
0x175: {  	[sflag:s14] =	ssyncset.done $0x0  }
0x176: {  	s12 =	rddreg [dreg:$0x11];
	[sflag:s14] =	ssyncadd.s32 $0xFFFFFF80  }
0x177: {  	[hbm4b:s12+s3] =	stream.linear.scatter [tilespmem:s19], [sflag:$0x2], $0x80, $0x38;
	[tilespmem:$0x3E00] =	vst v63  }
0x178: {  	_ =	swait.ge [sflag:s14], $0x80  }
0x179: {  	[sflag:s14] =	ssyncset.done $0x0  }
0x17a: {  	s13 =	rddreg [dreg:$0x12];
	[sflag:s14] =	ssyncadd.s32 $0xFFFFFF80  }
0x17b: {  	[hbm4b:s13+s3] =	stream.linear.scatter [tilespmem:s20], [sflag:$0x2], $0x80, $0x38;
	[tilespmem:$0x3E00] =	vst v63  }
0x17c: {  	_ =	swait.ge [sflag:s14], $0x80  }
0x17d: {  	[sflag:s14] =	ssyncset.done $0x0  }
0x17e: {  	s17 =	rddreg [dreg:$0x13];
	[sflag:s14] =	ssyncadd.s32 $0xFFFFFF80  }
0x17f: {  	[hbm4b:s17+s3] =	stream.linear.scatter [tilespmem:s21], [sflag:$0x2], $0x80, $0x38;
	[tilespmem:$0x3E00] =	vst v63  }
0x180: {  	_ =	swait.ge [sflag:s14], $0x80  }
0x181: {  	[sflag:s14] =	ssyncset.done $0x0  }
0x182: {  	s4 =	rddreg [dreg:$0x14];
	[sflag:s14] =	ssyncadd.s32 $0xFFFFFF80  }
0x183: {  	[hbm4b:s4+s3] =	stream.linear.scatter [tilespmem:s22], [sflag:$0x2], $0x80, $0x38;
	[tilespmem:$0x3E00] =	vst v63  }
0x184: {  	_ =	swait.ge [sflag:s14], $0x80  }
0x185: {  	[sflag:s14] =	ssyncset.done $0x0  }
0x186: {  	s5 =	rddreg [dreg:$0x15];
	[sflag:s14] =	ssyncadd.s32 $0xFFFFFF80  }
0x187: {  	[hbm4b:s5+s3] =	stream.linear.scatter [tilespmem:s23], [sflag:$0x2], $0x80, $0x38;
	[tilespmem:$0x3E00] =	vst v63  }
0x188: {  	_ =	swait.ge [sflag:s14], $0x80  }
0x189: {  	[sflag:s14] =	ssyncset.done $0x0  }
0x18a: {  	s6 =	rddreg [dreg:$0x16];
	[sflag:s14] =	ssyncadd.s32 $0xFFFFFF80  }
0x18b: {  	[hbm4b:s6+s3] =	stream.linear.scatter [tilespmem:s24], [sflag:$0x2], $0x80, $0x38;
	[tilespmem:$0x3E00] =	vst v63  }
0x18c: {  	_ =	swait.ge [sflag:s14], $0x80  }
0x18d: {  	[sflag:s14] =	ssyncset.done $0x0  }
0x18e: {  	s8 =	rddreg [dreg:$0x17];
	[sflag:s14] =	ssyncadd.s32 $0xFFFFFF80  }
0x18f: {  	[hbm4b:s8+s3] =	stream.linear.scatter [tilespmem:s25], [sflag:$0x2], $0x80, $0x38;
	[tilespmem:$0x3E00] =	vst v63  }
0x190: {  	_ =	swait.ge [sflag:s14], $0x80  }
0x191: {  	[sflag:s14] =	ssyncset.done $0x0  }
0x192: {  	s9 =	rddreg [dreg:$0x18];
	[sflag:s14] =	ssyncadd.s32 $0xFFFFFF80  }
0x193: {  	[hbm4b:s9+s3] =	stream.linear.scatter [tilespmem:s26], [sflag:$0x2], $0x80, $0x38;
	[tilespmem:$0x3E00] =	vst v63  }
0x194: {  	_ =	swait.ge [sflag:s14], $0x80  }
0x195: {  	[sflag:s14] =	ssyncset.done $0x0  }
0x196: {  	s10 =	rddreg [dreg:$0x19];
	[sflag:s14] =	ssyncadd.s32 $0xFFFFFF80  }
0x197: {  	[hbm4b:s10+s3] =	stream.linear.scatter [tilespmem:s28], [sflag:$0x2], $0x80, $0x38;
	[tilespmem:$0x3E00] =	vst v63  }
0x198: {  	_ =	swait.ge [sflag:s14], $0x80  }
0x199: {  	[sflag:s14] =	ssyncset.done $0x0  }
0x19a: {  	s11 =	rddreg [dreg:$0x1a];
	[sflag:s14] =	ssyncadd.s32 $0xFFFFFF80  }
0x19b: {  	[hbm4b:s11+s3] =	stream.linear.scatter [tilespmem:s29], [sflag:$0x2], $0x80, $0x38;
	[tilespmem:$0x3E00] =	vst v63  }
0x19c: {  	_ =	swait.ge [sflag:s14], $0x80  }
0x19d: {  	[sflag:s14] =	ssyncset.done $0x0  }
0x19e: {  	s12 =	rddreg [dreg:$0x1b];
	[sflag:s14] =	ssyncadd.s32 $0xFFFFFF80  }
0x19f: {  	[hbm4b:s12+s3] =	stream.linear.scatter [tilespmem:s30], [sflag:$0x2], $0x80, $0x38;
	[tilespmem:$0x3E00] =	vst v63  }
0x1a0: {  	_ =	swait.ge [sflag:s14], $0x80  }
0x1a1: {  	[sflag:s14] =	ssyncset.done $0x0  }
0x1a2: {  	s13 =	rddreg [dreg:$0x1c];
	[sflag:s14] =	ssyncadd.s32 $0xFFFFFF80  }
0x1a3: {  	[hbm4b:s13+s3] =	stream.linear.scatter [tilespmem:s31], [sflag:$0x2], $0x80, $0x38;
	[tilespmem:$0x3E00] =	vst v63  }
0x1a4: {  	_ =	swait.ge [sflag:s14], $0x80  }
0x1a5: {  	s1 =	sadd.s32 $0x1, s1;
	s17 =	rddreg [dreg:$0x1d]  }
0x1a6: {  	p0 =	sne.s32 s1, s17  }
.Ltmp4:
0x1a7: {  	_ = 	snop;
	(pc) =	sbr.rel @p0 .LBB2_1-.Ltmp4, $3  }
0x1a8: {  	_ =	sdelay $0x1  }
0x1a9: {  	[sflag:s14] =	ssyncset.done $0x0  }
0x1aa: {  	[sflag:s14] =	ssyncadd.s32 $0xFFFFFF80  }
0x1ab: {  	_ =	sfence.sel $0x180000  }
0x1ac: {  	[bflag:$0x0] =	sbarrier.arrive $0xFFFF  }
0x1ad: {  	_ =	strace $0x90000047  }
0x1ae: {  	s0 =	stileid.u32;
	[bflag:$0x2] =	sbarrier.arrive $0xFFFF  }
0x1af: {  	p0 =	sne.s32 s0, $0x0;
	s0 =	rddreg [dreg:$0x1]  }
0x1b0: {  	s0 =	sadd.s32 @!p0 $0x100000, s0  }
0x1b1: {  	[sflag:s0] =	ssyncadd.tile.s32 @!p0 $0x1;
	_ =	shalt  }
.Lfunc_end2:
_tile_overlayer_lowered:
.L_overlay_start_2:
0x1b2: {  	(tag) =	ssettag $0x2  }
0x1b3: {  	s0 =	rddreg [dreg:$0x0];
	s2 =	stileid.u32  }
0x1b4: {  	s1 =	rddreg [dreg:$0x1];
	p0 =	sne.s32 s2, $0x0  }
0x1b5: {  	s3 =	rddreg [dreg:$0x2];
	[bflag:$0x3] =	sbarrier.arrive $0xFFFF;
	s2 =	simm.s32 @!p0 $0x1C02  }
0x1b6: {  	[timem:s3], [sflag:s2] =	dma.local @!p0 [hbm:s0], s1  }
0x1b7: {  	s0 =	simm.s32 @!p0 $0x2  }
0x1b8: {  	_ =	swait.ge @!p0 [sflag:s0], s1  }
0x1b9: {  	s1 =	ssub.s32 @!p0 $0x0, s1;
	[sflag:s0] =	ssyncset.done @!p0 $0x0  }
0x1ba: {  	[sflag:s0] =	ssyncadd.s32 @!p0 s1  }
0x1bb: {  	[bflag:$0x3] =	sbarrier.arrive $0xFFFF  }
0x1bc: {  	_ =	shalt  }

</sc_bundles>
